<compile_context>
chip_gen: v7x
topology: tpu7x:2x2x1
jax: 0.10.2.dev20260603
libtpu: 0.0.44.dev20260713+nightly
codegen_flags: <defaults>
</compile_context>

<pallas_src>
import functools
import math

import jax
import jax.numpy as jnp
from jax import lax
from jax.experimental import pallas as pl
from jax.experimental.pallas import tpu as pltpu
from jax.experimental.pallas import tpu_sc as plsc

N = 10000
E = 320000
NP = 10240
NC = 2
NS = 16
NW = NC * NS
CH = 128
NCHUNK = 80
EPAD = NW * NCHUNK * CH
EPT = EPAD // NW

CH_A, Q0_A, Q1_A = 128, 144, 16
CH_B, Q0_B, Q1_B = 64, 240, 80
QM_A = max(Q0_A, Q1_A)
QM_B = max(Q0_B, Q1_B)
RPT = NP // NS
RB = 2048
GRID = NP // RB



def _mesh():
    return plsc.VectorSubcoreMesh(
        core_axis_name="c", subcore_axis_name="s",
        num_cores=NC, num_subcores=NS)


@functools.cache
def _sc_degree_kernel():
    @functools.partial(
        pl.kernel,
        out_type=jax.ShapeDtypeStruct((NW, NP), jnp.float32),
        mesh=_mesh(),
        scratch_types=[
            pltpu.VMEM((NCHUNK, CH), jnp.int32),
            pltpu.VMEM((NP,), jnp.float32),
        ],
        compiler_params=pltpu.CompilerParams(
            use_tc_tiling_on_sc=False, needs_layout_passes=False),
    )
    def _sc_degree(dst_hbm, out_hbm, dst_v, deg_l):
        cid = lax.axis_index("c")
        sid = lax.axis_index("s")
        wid = cid * NS + sid

        def zb(i, carry):
            deg_l[pl.ds(i * 16, 16)] = jnp.zeros((16,), jnp.float32)
            return carry

        lax.fori_loop(0, NP // 16, zb, 0)
        pltpu.sync_copy(dst_hbm.at[wid], dst_v)
        ones = jnp.ones((16,), jnp.float32)

        def acc(i, carry):
            idx = dst_v[i // 8, pl.ds((i % 8) * 16, 16)]
            plsc.addupdate_scatter(deg_l, [idx], ones)
            return carry

        lax.fori_loop(0, NCHUNK * 8, acc, 0)
        pltpu.sync_copy(deg_l, out_hbm.at[wid])

    return _sc_degree


@functools.cache
def _make_sc_agg(d, ch, q0, q1):
    qm = max(q0, q1)
    assert 16 * (q0 + q1) * ch == EPAD

    @functools.partial(
        pl.kernel,
        out_type=jax.ShapeDtypeStruct((NC, NP, d), jnp.float32),
        mesh=_mesh(),
        scratch_types=[
            pltpu.VMEM((qm, ch), jnp.int32),
            pltpu.VMEM((qm, ch), jnp.int32),
            pltpu.VMEM((ch, d), jnp.float32),
            pltpu.VMEM((ch, d), jnp.float32),
            pltpu.VMEM_SHARED((NP, d), jnp.float32),
            pltpu.SemaphoreType.DMA,
            pltpu.SemaphoreType.DMA,
        ],
        compiler_params=pltpu.CompilerParams(
            use_tc_tiling_on_sc=False, needs_layout_passes=False),
    )
    def agg(hp_hbm, src_hbm, dst_hbm, out_hbm, src_v, dst_v, rows0, rows1,
            accum, sem0, sem1):
        cid = lax.axis_index("c")
        sid = lax.axis_index("s")
        nv = d // 16
        bufs = (rows0, rows1)
        sems = (sem0, sem1)

        def zb(i, carry):
            rows0[i // nv, pl.ds((i % nv) * 16, 16)] = jnp.zeros(
                (16,), jnp.float32)
            return carry

        lax.fori_loop(0, ch * nv, zb, 0)
        base = sid * RPT
        for b in range(RPT // ch):
            pltpu.sync_copy(rows0, accum.at[pl.ds(base + b * ch, ch)])
        cbase = jnp.where(cid == 0, sid * q0, 16 * q0 + sid * q1)
        myq = jnp.where(cid == 0, q0, q1)
        pltpu.sync_copy(src_hbm.at[pl.ds(cbase, qm)], src_v)
        pltpu.sync_copy(dst_hbm.at[pl.ds(cbase, qm)], dst_v)
        plsc.subcore_barrier()

        for b in range(2):
            pltpu.async_copy(hp_hbm.at[src_v.at[b]], bufs[b], sems[b])

        def body(jj, carry):
            for b in range(2):
                j = 2 * jj + b
                pltpu.make_async_copy(
                    hp_hbm.at[src_v.at[b]], bufs[b], sems[b]).wait()
                pltpu.sync_copy(bufs[b], accum.at[dst_v.at[j]], add=True)
                nxt = j + 2

                @pl.when(nxt < myq)
                def _():
                    pltpu.async_copy(
                        hp_hbm.at[src_v.at[nxt]], bufs[b], sems[b])
            return carry

        lax.fori_loop(0, myq // 2, body, 0)
        plsc.subcore_barrier()
        pltpu.sync_copy(accum.at[pl.ds(base, RPT)],
                        out_hbm.at[cid, pl.ds(base, RPT)])

    return agg



def _silu(x):
    return x * jax.nn.sigmoid(x)


def _minmax_body(x_ref, mn_ref, mx_ref):
    i = pl.program_id(0)
    bmn = jnp.min(x_ref[...])
    bmx = jnp.max(x_ref[...])

    @pl.when(i == 0)
    def _():
        mn_ref[0, 0] = bmn
        mx_ref[0, 0] = bmx

    @pl.when(i > 0)
    def _():
        mn_ref[0, 0] = jnp.minimum(mn_ref[0, 0], bmn)
        mx_ref[0, 0] = jnp.maximum(mx_ref[0, 0], bmx)


def _prep_body(ts_ref, degp_ref, Wt_ref, vec_ref, dinv_ref, tact_ref):
    ts = ts_ref[0, 0]
    idx = lax.broadcasted_iota(jnp.int32, (1, 64), 1).astype(jnp.float32)
    freqs = jnp.exp(idx * (-math.log(10000.0) / 63.0))
    ang = ts * freqs
    se = jnp.concatenate([jnp.sin(ang), jnp.cos(ang)], axis=1)
    bt = vec_ref[1:2, :]
    t_act = jnp.maximum(
        jnp.dot(se, Wt_ref[...], preferred_element_type=jnp.float32) + bt, 0.0)
    tact_ref[...] = jnp.broadcast_to(t_act, (8, 128))

    deg = jnp.sum(degp_ref[...], axis=0) + 1.0
    dinv_ref[...] = lax.rsqrt(deg)


def _phase_b_body(x_ref, mn_ref, mx_ref, dinv_ref, W0_ref, dgcW_ref, vec_ref,
                  h1p_ref):
    mn = mn_ref[0, 0]
    mx = mx_ref[0, 0]
    xm = (x_ref[...] - mn) / (mx - mn + 1e-12)
    b0 = vec_ref[0:1, :]
    h0 = jnp.dot(xm, W0_ref[...], preferred_element_type=jnp.float32) + b0
    h1 = jnp.dot(h0, dgcW_ref[...], preferred_element_type=jnp.float32)
    h1p_ref[...] = h1 * dinv_ref[...]


def _phase_d_body(p0_ref, p1_ref, h1p_ref, dinv_ref, tact_ref, dtmW_ref,
                  dlinW_ref, l1W_ref, l2W_ref, ugcW_ref, vec_ref, h2p_ref):
    dcol = dinv_ref[...]
    gcn1 = (p0_ref[...] + p1_ref[...] + h1p_ref[...]) * dcol \
        + vec_ref[2:3, :64]
    h = _silu(gcn1)
    temb = _silu(
        jnp.dot(tact_ref[0:1, :], dtmW_ref[...],
                preferred_element_type=jnp.float32) + vec_ref[3:4, :64])
    h = h + temb
    h = _silu(jnp.dot(h, dlinW_ref[...], preferred_element_type=jnp.float32)
              + vec_ref[4:5, :64])
    m = jnp.mean(h, axis=1, keepdims=True)
    v = jnp.mean(h * h, axis=1, keepdims=True) - m * m
    h = (h - m) * lax.rsqrt(v + 1e-5) * vec_ref[5:6, :64] + vec_ref[6:7, :64]
    z = _silu(jnp.dot(h, l1W_ref[...], preferred_element_type=jnp.float32)
              + vec_ref[7:8, :64])
    z = jnp.dot(z, l2W_ref[...], preferred_element_type=jnp.float32) \
        + vec_ref[8:9, :64]
    h2 = jnp.dot(z, ugcW_ref[...], preferred_element_type=jnp.float32)
    h2p_ref[...] = h2 * dcol


def _phase_f_body(p0_ref, p1_ref, h2p_ref, dinv_ref, tact_ref, utmW_ref,
                  ulinW_ref, Wout_ref, vec_ref, y_ref):
    dcol = dinv_ref[...]
    gcn2 = (p0_ref[...] + p1_ref[...] + h2p_ref[...]) * dcol \
        + vec_ref[9:10, :]
    h = _silu(gcn2)
    temb = _silu(
        jnp.dot(tact_ref[0:1, :], utmW_ref[...],
                preferred_element_type=jnp.float32) + vec_ref[10:11, :])
    h = h + temb
    h = _silu(jnp.dot(h, ulinW_ref[...], preferred_element_type=jnp.float32)
              + vec_ref[11:12, :])
    m = jnp.mean(h, axis=1, keepdims=True)
    v = jnp.mean(h * h, axis=1, keepdims=True) - m * m
    h = (h - m) * lax.rsqrt(v + 1e-5) * vec_ref[12:13, :] + vec_ref[13:14, :]
    y_ref[...] = jnp.dot(h, Wout_ref[...],
                         preferred_element_type=jnp.float32) \
        + vec_ref[14:15, :]


def _full(shape):
    return pl.BlockSpec(shape, lambda i: (0,) * len(shape))


def _smem11():
    return pl.BlockSpec((1, 1), lambda i: (0, 0), memory_space=pltpu.SMEM)


def _rows(w):
    return pl.BlockSpec((RB, w), lambda i: (i, 0))


_minmax_call = pl.pallas_call(
    _minmax_body,
    grid=(5,),
    in_specs=[pl.BlockSpec((2000, 128), lambda i: (i, 0))],
    out_specs=[_smem11(), _smem11()],
    out_shape=[jax.ShapeDtypeStruct((1, 1), jnp.float32),
               jax.ShapeDtypeStruct((1, 1), jnp.float32)],
)

_prep_call = pl.pallas_call(
    _prep_body,
    grid=(1,),
    in_specs=[
        _smem11(),
        _full((NW, NP // 128, 128)),
        _full((128, 128)),
        _full((16, 128)),
    ],
    out_specs=[
        _full((NP // 128, 128)),
        _full((8, 128)),
    ],
    out_shape=[
        jax.ShapeDtypeStruct((NP // 128, 128), jnp.float32),
        jax.ShapeDtypeStruct((8, 128), jnp.float32),
    ],
)

_phase_b_call = pl.pallas_call(
    _phase_b_body,
    grid=(GRID,),
    in_specs=[
        _rows(128),
        _smem11(), _smem11(),
        _rows(1),
        _full((128, 128)),
        _full((128, 64)),
        _full((16, 128)),
    ],
    out_specs=[_rows(64)],
    out_shape=[jax.ShapeDtypeStruct((NP, 64), jnp.float32)],
)

_phase_d_call = pl.pallas_call(
    _phase_d_body,
    grid=(GRID,),
    in_specs=[
        _rows(64), _rows(64), _rows(64),
        _rows(1),
        _full((8, 128)),
        _full((128, 64)),
        _full((64, 64)), _full((64, 64)), _full((64, 64)),
        _full((64, 128)),
        _full((16, 128)),
    ],
    out_specs=[_rows(128)],
    out_shape=[jax.ShapeDtypeStruct((NP, 128), jnp.float32)],
)

_phase_f_call = pl.pallas_call(
    _phase_f_body,
    grid=(GRID,),
    in_specs=[
        _rows(128), _rows(128), _rows(128),
        _rows(1),
        _full((8, 128)),
        _full((128, 128)), _full((128, 128)), _full((128, 128)),
        _full((16, 128)),
    ],
    out_specs=[_rows(128)],
    out_shape=[jax.ShapeDtypeStruct((NP, 128), jnp.float32)],
)



def kernel(x, timestep, edge_index, params):
    p = params
    src = edge_index[0]
    dst = edge_index[1]
    pad = EPAD - E
    src_p = jnp.concatenate([src, jnp.zeros((pad,), jnp.int32)])
    dst_p = jnp.concatenate([dst, jnp.full((pad,), N, jnp.int32)])
    dst3 = dst_p.reshape(NW, NCHUNK, CH)

    def chunked(a, ch, qm, fill):
        ext = jnp.full((qm * ch,), fill, jnp.int32)
        return jnp.concatenate([a, ext]).reshape(EPAD // ch + qm, ch)

    src2a = chunked(src_p, CH_A, QM_A, 0)
    dst2a = chunked(dst_p, CH_A, QM_A, N)
    src2b = chunked(src_p, CH_B, QM_B, 0)
    dst2b = chunked(dst_p, CH_B, QM_B, N)
    x_pad = jnp.pad(x, ((0, NP - N), (0, 0)))
    ts = timestep.reshape(1, 1)

    def v128(a):
        return jnp.pad(a, (0, 128 - a.shape[0]))

    vecp = jnp.stack([
        v128(p['b0']), v128(p['bt']), v128(p['d_gc_b']), v128(p['d_tm_b']),
        v128(p['d_lin_b']), v128(p['d_ln_g']), v128(p['d_ln_b']),
        v128(p['l1_b']), v128(p['l2_b']), v128(p['u_gc_b']),
        v128(p['u_tm_b']), v128(p['u_lin_b']), v128(p['u_ln_g']),
        v128(p['u_ln_b']), v128(p['bout']), jnp.zeros((128,), jnp.float32),
    ])

    mn, mx = _minmax_call(x)
    deg_parts = _sc_degree_kernel()(dst3)
    degp3 = deg_parts.reshape(NW, NP // 128, 128)

    dinv2d, t_act = _prep_call(ts, degp3, p['Wt'], vecp)
    dinv_col = dinv2d.reshape(NP, 1)

    (h1p,) = _phase_b_call(
        x_pad, mn, mx, dinv_col, p['W0'], p['d_gc_W'], vecp)

    agg1 = _make_sc_agg(64, CH_A, Q0_A, Q1_A)(h1p, src2a, dst2a)
    (h2p,) = _phase_d_call(
        agg1[0], agg1[1], h1p, dinv_col, t_act, p['d_tm_W'], p['d_lin_W'],
        p['l1_W'], p['l2_W'], p['u_gc_W'], vecp)

    agg2 = _make_sc_agg(128, CH_B, Q0_B, Q1_B)(h2p, src2b, dst2b)
    (y_pad,) = _phase_f_call(
        agg2[0], agg2[1], h2p, dinv_col, t_act, p['u_tm_W'], p['u_lin_W'],
        p['Wout'], vecp)

    return y_pad[:N]

# --- scband reference (transcript-rebuilt; emitter-appended) ---
"""Pipeline reference for scband-gnn-8229157339258 (READ-ONLY COPY).

The authoritative reference and input builder live on the scoring server;
editing this copy changes nothing except your own understanding.
"""

import jax, jax.numpy as jnp
import numpy as np
import math

N_NODES = 10000
N_EDGES = 320000
D_FEAT = 128
H0 = 128
H1 = 64
T_DIM = 128


def _lin(x, W, b):
    return x @ W + b


def _ln(x, g, b, eps=1e-5):
    m = jnp.mean(x, axis=-1, keepdims=True)
    v = jnp.var(x, axis=-1, keepdims=True)
    return (x - m) / jnp.sqrt(v + eps) * g + b


def _gcn_conv(x, src, dst, W, b, n):
    # PyG GCNConv: linear first, add self-loops, symmetric normalization, scatter-add
    h = x @ W
    loop = jnp.arange(n, dtype=src.dtype)
    s = jnp.concatenate([src, loop])
    d = jnp.concatenate([dst, loop])
    deg = jnp.zeros((n,), h.dtype).at[d].add(1.0)
    dinv = jnp.where(deg > 0, 1.0 / jnp.sqrt(deg), 0.0)
    norm = dinv[s] * dinv[d]
    msg = h[s] * norm[:, None]
    out = jnp.zeros((n, h.shape[1]), h.dtype).at[d].add(msg)
    return out + b


def _graph_conv_block(x, src, dst, t, p, pre):
    h = jax.nn.silu(_gcn_conv(x, src, dst, p[pre + 'gc_W'], p[pre + 'gc_b'], x.shape[0]))
    temb = jax.nn.silu(_lin(t, p[pre + 'tm_W'], p[pre + 'tm_b']))
    h = h + temb
    h = _ln(jax.nn.silu(_lin(h, p[pre + 'lin_W'], p[pre + 'lin_b'])), p[pre + 'ln_g'], p[pre + 'ln_b'])
    return h


def _sin_emb(time, dim):
    half = dim // 2
    emb = math.log(10000) / (half - 1)
    emb = jnp.exp(jnp.arange(half, dtype=jnp.float32) * -emb)
    emb = time[:, None] * emb[None, :]
    return jnp.concatenate([jnp.sin(emb), jnp.cos(emb)], axis=-1)


def _forward(x, timestep, edge_index, params):
    p = params
    xm = (x - x.min()) / (x.max() - x.min() + 1e-12)  # min_max_scale
    h = _lin(xm, p['W0'], p['b0'])
    t = jax.nn.relu(_lin(_sin_emb(timestep, T_DIM), p['Wt'], p['bt']))
    src, dst = edge_index[0], edge_index[1]
    # downsampling: GraphConv(128 -> 64)
    h = _graph_conv_block(h, src, dst, t, p, 'd_')
    # latent MLP: [64, 64, 64]
    z = jax.nn.silu(_lin(h, p['l1_W'], p['l1_b']))
    z = _lin(z, p['l2_W'], p['l2_b'])
    # upsampling: GraphConv(64 -> 128)
    h = _graph_conv_block(z, src, dst, t, p, 'u_')
    return _lin(h, p['Wout'], p['bout'])


def setup_inputs(seed: int = 0) -> dict:
    key = jax.random.key(seed)
    ks = jax.random.split(key, 32)

    def w(k, shape):
        return jax.random.normal(k, shape, jnp.float32) * (1.0 / np.sqrt(shape[0]))

    x = jax.random.normal(ks[0], (N_NODES, D_FEAT), jnp.float32)
    timestep = jax.random.uniform(ks[1], (1,), jnp.float32) * 1000.0
    edge_index = jax.random.randint(ks[2], (2, N_EDGES), 0, N_NODES, dtype=jnp.int32)

    params = {
        'W0': w(ks[3], (D_FEAT, H0)), 'b0': jnp.zeros((H0,), jnp.float32),
        'Wt': w(ks[4], (T_DIM, T_DIM)), 'bt': jnp.zeros((T_DIM,), jnp.float32),
        'd_gc_W': w(ks[5], (H0, H1)), 'd_gc_b': jnp.zeros((H1,), jnp.float32),
        'd_tm_W': w(ks[6], (T_DIM, H1)), 'd_tm_b': jnp.zeros((H1,), jnp.float32),
        'd_lin_W': w(ks[7], (H1, H1)), 'd_lin_b': jnp.zeros((H1,), jnp.float32),
        'd_ln_g': jnp.ones((H1,), jnp.float32), 'd_ln_b': jnp.zeros((H1,), jnp.float32),
        'l1_W': w(ks[8], (H1, H1)), 'l1_b': jnp.zeros((H1,), jnp.float32),
        'l2_W': w(ks[9], (H1, H1)), 'l2_b': jnp.zeros((H1,), jnp.float32),
        'u_gc_W': w(ks[10], (H1, H0)), 'u_gc_b': jnp.zeros((H0,), jnp.float32),
        'u_tm_W': w(ks[11], (T_DIM, H0)), 'u_tm_b': jnp.zeros((H0,), jnp.float32),
        'u_lin_W': w(ks[12], (H0, H0)), 'u_lin_b': jnp.zeros((H0,), jnp.float32),
        'u_ln_g': jnp.ones((H0,), jnp.float32), 'u_ln_b': jnp.zeros((H0,), jnp.float32),
        'Wout': w(ks[13], (H0, D_FEAT)), 'bout': jnp.zeros((D_FEAT,), jnp.float32),
    }
    return {'x': x, 'timestep': timestep, 'edge_index': edge_index, 'params': params}


def reference(x, timestep, edge_index, params):
    return _forward(x, timestep, edge_index, params)

if __name__ == "__main__":
    import jax
    _d = setup_inputs()
    print(jax.jit(kernel)(*tuple(_d.values())))

</pallas_src>

<mosaic_0001>
#map = affine_map<(d0, d1) -> (0, 0, 0)>
#map1 = affine_map<(d0, d1) -> (0, 0)>
module attributes {stable_mosaic.version = 14 : i64} {
  func.func @_sc_degree(%arg0: i32, %arg1: i32, %arg2: memref<32x80x128xi32, #tpu.memory_space<hbm>>, %arg3: memref<32x10240xf32, #tpu.memory_space<hbm>>, %arg4: memref<80x128xi32, #tpu.memory_space<vmem>>, %arg5: memref<10240xf32, #tpu.memory_space<vmem>>) attributes {dimension_semantics = [#tpu.dimension_semantics<core_parallel>, #tpu.dimension_semantics<subcore_parallel>], iteration_bounds = array<i64: 2, 16>, scalar_prefetch = 0 : i64, scratch_operands = 2 : i64, tpu.core_type = #tpu.core_type<sc_vector_subcore>, window_params = [{transform_indices = #map}, {transform_indices = #map1}]} {
    %mul3A = arith.constant 16 : i32
    %mul3A_0 = arith.muli %arg0, %mul3A : i32
    %add3A = arith.addi %mul3A_0, %arg1 : i32
    %scan3A = arith.constant 0 : i32
    %scan3A_1 = arith.constant 0 : i32
    %scan3A_2 = arith.constant 640 : i32
    %scan3A_3 = arith.addi %scan3A_1, %scan3A_2 : i32
    %scan3A_4 = arith.constant 1 : i32
    scf.for %scan3A_13 = %scan3A_1 to %scan3A_3 step %scan3A_4  : i32 {
      %broadcast_in_dim3A_14 = arith.constant 0.000000e+00 : f32
      %broadcast_in_dim3A_15 = vector.broadcast %broadcast_in_dim3A_14 : f32 to vector<16xf32>
      %mul3A_16 = arith.constant 16 : i32
      %mul3A_17 = arith.muli %scan3A_13, %mul3A_16 : i32
      %swap3A = arith.index_cast %mul3A_17 : i32 to index
      %swap3A_18 = tpu.vector_load %arg5[%swap3A] {strides = array<i32>} : memref<10240xf32, #tpu.memory_space<vmem>>, vector<16xf32>,
      tpu.vector_store %arg5[%swap3A], %broadcast_in_dim3A_15 {strides = array<i32>} : memref<10240xf32, #tpu.memory_space<vmem>>, vector<16xf32>,
    }
    %scan3A_5 = arith.constant 640 : i32
    "tpu.region"() ({
      %run_scoped3A = tpu.sem_alloc : memref<!tpu.dma_semaphore, #tpu.memory_space<semaphore_mem>>
      %dma_start3A = arith.constant 0 : i32
      %dma_start3A_13 = arith.constant 0 : i32
      %dma_start3A_14 = tpu.memref_slice %arg2[%add3A, %dma_start3A, %dma_start3A_13] : memref<32x80x128xi32, #tpu.memory_space<hbm>> -> memref<1x80x128xi32, #tpu.memory_space<hbm>>
      %dma_start3A_15 = tpu.memref_squeeze %dma_start3A_14 : memref<1x80x128xi32, #tpu.memory_space<hbm>> -> memref<80x128xi32, #tpu.memory_space<hbm>>
      %dma_start3A_16 = arith.constant 0 : i32
      %dma_start3A_17 = arith.constant 0 : i32
      %dma_start3A_18 = tpu.memref_slice %arg2[%add3A, %dma_start3A_16, %dma_start3A_17] : memref<32x80x128xi32, #tpu.memory_space<hbm>> -> memref<1x80x128xi32, #tpu.memory_space<hbm>>
      %dma_start3A_19 = tpu.memref_squeeze %dma_start3A_18 : memref<1x80x128xi32, #tpu.memory_space<hbm>> -> memref<80x128xi32, #tpu.memory_space<hbm>>
      tpu.enqueue_dma source(%dma_start3A_19 : memref<80x128xi32, #tpu.memory_space<hbm>>) target(%arg4 : memref<80x128xi32, #tpu.memory_space<vmem>>) target_semaphore(%run_scoped3A : memref<!tpu.dma_semaphore, #tpu.memory_space<semaphore_mem>>)
      %dma_wait3A = arith.constant 0 : i32
      %dma_wait3A_20 = arith.constant 0 : i32
      %dma_wait3A_21 = tpu.memref_slice %arg2[%add3A, %dma_wait3A, %dma_wait3A_20] : memref<32x80x128xi32, #tpu.memory_space<hbm>> -> memref<1x80x128xi32, #tpu.memory_space<hbm>>
      %dma_wait3A_22 = tpu.memref_squeeze %dma_wait3A_21 : memref<1x80x128xi32, #tpu.memory_space<hbm>> -> memref<80x128xi32, #tpu.memory_space<hbm>>
      %dma_wait3A_23 = arith.constant 0 : i32
      %dma_wait3A_24 = arith.constant 0 : i32
      %dma_wait3A_25 = tpu.memref_slice %arg2[%add3A, %dma_wait3A_23, %dma_wait3A_24] : memref<32x80x128xi32, #tpu.memory_space<hbm>> -> memref<1x80x128xi32, #tpu.memory_space<hbm>>
      %dma_wait3A_26 = tpu.memref_squeeze %dma_wait3A_25 : memref<1x80x128xi32, #tpu.memory_space<hbm>> -> memref<80x128xi32, #tpu.memory_space<hbm>>
      tpu.wait_dma2 semaphore(%run_scoped3A : memref<!tpu.dma_semaphore, #tpu.memory_space<semaphore_mem>>) src(%dma_wait3A_26 : memref<80x128xi32, #tpu.memory_space<hbm>>) dst(%arg4 : memref<80x128xi32, #tpu.memory_space<vmem>>)
      tpu.yield
    }) : () -> ()
    %broadcast_in_dim3A = arith.constant 1.000000e+00 : f32
    %broadcast_in_dim3A_6 = vector.broadcast %broadcast_in_dim3A : f32 to vector<16xf32>
    %scan3A_7 = arith.constant 0 : i32
    %scan3A_8 = arith.constant 0 : i32
    %scan3A_9 = arith.constant 640 : i32
    %scan3A_10 = arith.addi %scan3A_8, %scan3A_9 : i32
    %scan3A_11 = arith.constant 1 : i32
    scf.for %scan3A_13 = %scan3A_8 to %scan3A_10 step %scan3A_11  : i32 {
      %jit3A = arith.constant 8 : i32
      %div3A = arith.divsi %scan3A_13, %jit3A : i32
      %sign3A = arith.constant 0 : i32
      %sign3A_14 = arith.cmpi sgt, %scan3A_13, %sign3A : i32
      %sign3A_15 = arith.extui %sign3A_14 : i1 to i32
      %sign3A_16 = arith.constant 0 : i32
      %sign3A_17 = arith.cmpi slt, %scan3A_13, %sign3A_16 : i32
      %sign3A_18 = arith.extui %sign3A_17 : i1 to i32
      %sign3A_19 = arith.subi %sign3A_15, %sign3A_18 : i32
      %sign3A_20 = arith.constant 0 : i32
      %sign3A_21 = arith.cmpi sgt, %jit3A, %sign3A_20 : i32
      %sign3A_22 = arith.extui %sign3A_21 : i1 to i32
      %sign3A_23 = arith.constant 0 : i32
      %sign3A_24 = arith.cmpi slt, %jit3A, %sign3A_23 : i32
      %sign3A_25 = arith.extui %sign3A_24 : i1 to i32
      %sign3A_26 = arith.subi %sign3A_22, %sign3A_25 : i32
      %ne3A = arith.cmpi ne, %sign3A_19, %sign3A_26 : i32
      %rem3A = arith.remsi %scan3A_13, %jit3A : i32
      %ne3A_27 = arith.constant 0 : i32
      %ne3A_28 = arith.cmpi ne, %rem3A, %ne3A_27 : i32
      %and3A = arith.andi %ne3A, %ne3A_28 : i1
      %sub3A = arith.constant 1 : i32
      %sub3A_29 = arith.subi %div3A, %sub3A : i32
      %select_n3A = arith.select %and3A, %sub3A_29, %div3A : i32
      %jit3A_30 = arith.constant 8 : i32
      %eq3A = arith.constant 0 : i32
      %eq3A_31 = arith.cmpi eq, %jit3A_30, %eq3A : i32
      %jit3A_32 = arith.constant 1 : i32
      %select_n3A_33 = arith.select %eq3A_31, %jit3A_32, %jit3A_30 : i32
      %rem3A_34 = arith.remsi %scan3A_13, %select_n3A_33 : i32
      %ne3A_35 = arith.constant 0 : i32
      %ne3A_36 = arith.cmpi ne, %rem3A_34, %ne3A_35 : i32
      %lt3A = arith.constant 0 : i32
      %lt3A_37 = arith.cmpi slt, %rem3A_34, %lt3A : i32
      %lt3A_38 = arith.constant 0 : i32
      %lt3A_39 = arith.cmpi slt, %select_n3A_33, %lt3A_38 : i32
      %ne3A_40 = arith.xori %lt3A_37, %lt3A_39 : i1
      %and3A_41 = arith.andi %ne3A_40, %ne3A_36 : i1
      %add3A_42 = arith.addi %rem3A_34, %select_n3A_33 : i32
      %select_n3A_43 = arith.select %and3A_41, %add3A_42, %rem3A_34 : i32
      %mul3A_44 = arith.constant 16 : i32
      %mul3A_45 = arith.muli %select_n3A_43, %mul3A_44 : i32
      %get3A = arith.index_cast %select_n3A : i32 to index
      %get3A_46 = arith.index_cast %mul3A_45 : i32 to index
      %get3A_47 = tpu.vector_load %arg4[%get3A, %get3A_46] {strides = array<i32>} : memref<80x128xi32, #tpu.memory_space<vmem>>, vector<16xi32>,
      tpu.vector_store_idx %arg5[%get3A_47], %broadcast_in_dim3A_6 {add = true} : memref<10240xf32, #tpu.memory_space<vmem>>[vector<16xi32>], vector<16xf32>,
    }
    %scan3A_12 = arith.constant 640 : i32
    "tpu.region"() ({
      %run_scoped3A = tpu.sem_alloc : memref<!tpu.dma_semaphore, #tpu.memory_space<semaphore_mem>>
      %dma_start3A = arith.constant 0 : i32
      %dma_start3A_13 = tpu.memref_slice %arg3[%add3A, %dma_start3A] : memref<32x10240xf32, #tpu.memory_space<hbm>> -> memref<1x10240xf32, #tpu.memory_space<hbm>>
      %dma_start3A_14 = tpu.memref_squeeze %dma_start3A_13 : memref<1x10240xf32, #tpu.memory_space<hbm>> -> memref<10240xf32, #tpu.memory_space<hbm>>
      %dma_start3A_15 = arith.constant 0 : i32
      %dma_start3A_16 = tpu.memref_slice %arg3[%add3A, %dma_start3A_15] : memref<32x10240xf32, #tpu.memory_space<hbm>> -> memref<1x10240xf32, #tpu.memory_space<hbm>>
      %dma_start3A_17 = tpu.memref_squeeze %dma_start3A_16 : memref<1x10240xf32, #tpu.memory_space<hbm>> -> memref<10240xf32, #tpu.memory_space<hbm>>
      tpu.enqueue_dma source(%arg5 : memref<10240xf32, #tpu.memory_space<vmem>>) target(%dma_start3A_17 : memref<10240xf32, #tpu.memory_space<hbm>>) target_semaphore(%run_scoped3A : memref<!tpu.dma_semaphore, #tpu.memory_space<semaphore_mem>>)
      %dma_wait3A = arith.constant 0 : i32
      %dma_wait3A_18 = tpu.memref_slice %arg3[%add3A, %dma_wait3A] : memref<32x10240xf32, #tpu.memory_space<hbm>> -> memref<1x10240xf32, #tpu.memory_space<hbm>>
      %dma_wait3A_19 = tpu.memref_squeeze %dma_wait3A_18 : memref<1x10240xf32, #tpu.memory_space<hbm>> -> memref<10240xf32, #tpu.memory_space<hbm>>
      %dma_wait3A_20 = arith.constant 0 : i32
      %dma_wait3A_21 = tpu.memref_slice %arg3[%add3A, %dma_wait3A_20] : memref<32x10240xf32, #tpu.memory_space<hbm>> -> memref<1x10240xf32, #tpu.memory_space<hbm>>
      %dma_wait3A_22 = tpu.memref_squeeze %dma_wait3A_21 : memref<1x10240xf32, #tpu.memory_space<hbm>> -> memref<10240xf32, #tpu.memory_space<hbm>>
      tpu.wait_dma2 semaphore(%run_scoped3A : memref<!tpu.dma_semaphore, #tpu.memory_space<semaphore_mem>>) src(%arg5 : memref<10240xf32, #tpu.memory_space<vmem>>) dst(%dma_wait3A_22 : memref<10240xf32, #tpu.memory_space<hbm>>)
      tpu.yield
    }) : () -> ()
    return
  }
}

#map = affine_map<(d0, d1) -> (0, 0)>
#map1 = affine_map<(d0, d1) -> (0, 0, 0)>
module attributes {stable_mosaic.version = 14 : i64} {
  func.func @agg(%arg0: i32, %arg1: i32, %arg2: memref<10240x128xf32, #tpu.memory_space<hbm>>, %arg3: memref<5360x64xi32, #tpu.memory_space<hbm>>, %arg4: memref<5360x64xi32, #tpu.memory_space<hbm>>, %arg5: memref<2x10240x128xf32, #tpu.memory_space<hbm>>, %arg6: memref<240x64xi32, #tpu.memory_space<vmem>>, %arg7: memref<240x64xi32, #tpu.memory_space<vmem>>, %arg8: memref<64x128xf32, #tpu.memory_space<vmem>>, %arg9: memref<64x128xf32, #tpu.memory_space<vmem>>, %arg10: memref<10240x128xf32, #tpu.memory_space<vmem_shared>>, %arg11: memref<!tpu.dma_semaphore, #tpu.memory_space<semaphore_mem>>, %arg12: memref<!tpu.dma_semaphore, #tpu.memory_space<semaphore_mem>>) attributes {dimension_semantics = [#tpu.dimension_semantics<core_parallel>, #tpu.dimension_semantics<subcore_parallel>], iteration_bounds = array<i64: 2, 16>, scalar_prefetch = 0 : i64, scratch_operands = 7 : i64, tpu.core_type = #tpu.core_type<sc_vector_subcore>, window_params = [{transform_indices = #map}, {transform_indices = #map}, {transform_indices = #map}, {transform_indices = #map1}]} {
    %scan3A = arith.constant 0 : i32
    %scan3A_0 = arith.constant 0 : i32
    %scan3A_1 = arith.constant 512 : i32
    %scan3A_2 = arith.addi %scan3A_0, %scan3A_1 : i32
    %scan3A_3 = arith.constant 1 : i32
    scf.for %scan3A_77 = %scan3A_0 to %scan3A_2 step %scan3A_3  : i32 {
      %broadcast_in_dim3A = arith.constant 0.000000e+00 : f32
      %broadcast_in_dim3A_78 = vector.broadcast %broadcast_in_dim3A : f32 to vector<16xf32>
      %jit3A_79 = arith.constant 8 : i32
      %div3A_80 = arith.divsi %scan3A_77, %jit3A_79 : i32
      %sign3A_81 = arith.constant 0 : i32
      %sign3A_82 = arith.cmpi sgt, %scan3A_77, %sign3A_81 : i32
      %sign3A_83 = arith.extui %sign3A_82 : i1 to i32
      %sign3A_84 = arith.constant 0 : i32
      %sign3A_85 = arith.cmpi slt, %scan3A_77, %sign3A_84 : i32
      %sign3A_86 = arith.extui %sign3A_85 : i1 to i32
      %sign3A_87 = arith.subi %sign3A_83, %sign3A_86 : i32
      %sign3A_88 = arith.constant 0 : i32
      %sign3A_89 = arith.cmpi sgt, %jit3A_79, %sign3A_88 : i32
      %sign3A_90 = arith.extui %sign3A_89 : i1 to i32
      %sign3A_91 = arith.constant 0 : i32
      %sign3A_92 = arith.cmpi slt, %jit3A_79, %sign3A_91 : i32
      %sign3A_93 = arith.extui %sign3A_92 : i1 to i32
      %sign3A_94 = arith.subi %sign3A_90, %sign3A_93 : i32
      %ne3A_95 = arith.cmpi ne, %sign3A_87, %sign3A_94 : i32
      %rem3A_96 = arith.remsi %scan3A_77, %jit3A_79 : i32
      %ne3A_97 = arith.constant 0 : i32
      %ne3A_98 = arith.cmpi ne, %rem3A_96, %ne3A_97 : i32
      %and3A_99 = arith.andi %ne3A_95, %ne3A_98 : i1
      %sub3A_100 = arith.constant 1 : i32
      %sub3A_101 = arith.subi %div3A_80, %sub3A_100 : i32
      %select_n3A_102 = arith.select %and3A_99, %sub3A_101, %div3A_80 : i32
      %jit3A_103 = arith.constant 8 : i32
      %eq3A_104 = arith.constant 0 : i32
      %eq3A_105 = arith.cmpi eq, %jit3A_103, %eq3A_104 : i32
      %jit3A_106 = arith.constant 1 : i32
      %select_n3A_107 = arith.select %eq3A_105, %jit3A_106, %jit3A_103 : i32
      %rem3A_108 = arith.remsi %scan3A_77, %select_n3A_107 : i32
      %ne3A_109 = arith.constant 0 : i32
      %ne3A_110 = arith.cmpi ne, %rem3A_108, %ne3A_109 : i32
      %lt3A = arith.constant 0 : i32
      %lt3A_111 = arith.cmpi slt, %rem3A_108, %lt3A : i32
      %lt3A_112 = arith.constant 0 : i32
      %lt3A_113 = arith.cmpi slt, %select_n3A_107, %lt3A_112 : i32
      %ne3A_114 = arith.xori %lt3A_111, %lt3A_113 : i1
      %and3A_115 = arith.andi %ne3A_114, %ne3A_110 : i1
      %add3A_116 = arith.addi %rem3A_108, %select_n3A_107 : i32
      %select_n3A_117 = arith.select %and3A_115, %add3A_116, %rem3A_108 : i32
      %mul3A_118 = arith.constant 16 : i32
      %mul3A_119 = arith.muli %select_n3A_117, %mul3A_118 : i32
      %swap3A = arith.index_cast %select_n3A_102 : i32 to index
      %swap3A_120 = arith.index_cast %mul3A_119 : i32 to index
      %swap3A_121 = tpu.vector_load %arg8[%swap3A, %swap3A_120] {strides = array<i32>} : memref<64x128xf32, #tpu.memory_space<vmem>>, vector<16xf32>,
      tpu.vector_store %arg8[%swap3A, %swap3A_120], %broadcast_in_dim3A_78 {strides = array<i32>} : memref<64x128xf32, #tpu.memory_space<vmem>>, vector<16xf32>,
    }
    %scan3A_4 = arith.constant 512 : i32
    %mul3A = arith.constant 640 : i32
    %mul3A_5 = arith.muli %arg1, %mul3A : i32
    %add3A = arith.constant 0 : i32
    %add3A_6 = arith.addi %mul3A_5, %add3A : i32
    "tpu.region"() ({
      %run_scoped3A = tpu.sem_alloc : memref<!tpu.dma_semaphore, #tpu.memory_space<semaphore_mem>>
      %dma_start3A_77 = arith.constant 0 : i32
      %dma_start3A_78 = tpu.memref_slice %arg10[%add3A_6, %dma_start3A_77] : memref<10240x128xf32, #tpu.memory_space<vmem_shared>> -> memref<64x128xf32, #tpu.memory_space<vmem_shared>>
      %dma_start3A_79 = arith.constant 0 : i32
      %dma_start3A_80 = tpu.memref_slice %arg10[%add3A_6, %dma_start3A_79] : memref<10240x128xf32, #tpu.memory_space<vmem_shared>> -> memref<64x128xf32, #tpu.memory_space<vmem_shared>>
      tpu.enqueue_dma source(%arg8 : memref<64x128xf32, #tpu.memory_space<vmem>>) target(%dma_start3A_80 : memref<64x128xf32, #tpu.memory_space<vmem_shared>>) target_semaphore(%run_scoped3A : memref<!tpu.dma_semaphore, #tpu.memory_space<semaphore_mem>>)
      %dma_wait3A = arith.constant 0 : i32
      %dma_wait3A_81 = tpu.memref_slice %arg10[%add3A_6, %dma_wait3A] : memref<10240x128xf32, #tpu.memory_space<vmem_shared>> -> memref<64x128xf32, #tpu.memory_space<vmem_shared>>
      %dma_wait3A_82 = arith.constant 0 : i32
      %dma_wait3A_83 = tpu.memref_slice %arg10[%add3A_6, %dma_wait3A_82] : memref<10240x128xf32, #tpu.memory_space<vmem_shared>> -> memref<64x128xf32, #tpu.memory_space<vmem_shared>>
      tpu.wait_dma2 semaphore(%run_scoped3A : memref<!tpu.dma_semaphore, #tpu.memory_space<semaphore_mem>>) src(%arg8 : memref<64x128xf32, #tpu.memory_space<vmem>>) dst(%dma_wait3A_83 : memref<64x128xf32, #tpu.memory_space<vmem_shared>>)
      tpu.yield
    }) : () -> ()
    %add3A_7 = arith.constant 64 : i32
    %add3A_8 = arith.addi %mul3A_5, %add3A_7 : i32
    "tpu.region"() ({
      %run_scoped3A = tpu.sem_alloc : memref<!tpu.dma_semaphore, #tpu.memory_space<semaphore_mem>>
      %dma_start3A_77 = arith.constant 0 : i32
      %dma_start3A_78 = tpu.memref_slice %arg10[%add3A_8, %dma_start3A_77] : memref<10240x128xf32, #tpu.memory_space<vmem_shared>> -> memref<64x128xf32, #tpu.memory_space<vmem_shared>>
      %dma_start3A_79 = arith.constant 0 : i32
      %dma_start3A_80 = tpu.memref_slice %arg10[%add3A_8, %dma_start3A_79] : memref<10240x128xf32, #tpu.memory_space<vmem_shared>> -> memref<64x128xf32, #tpu.memory_space<vmem_shared>>
      tpu.enqueue_dma source(%arg8 : memref<64x128xf32, #tpu.memory_space<vmem>>) target(%dma_start3A_80 : memref<64x128xf32, #tpu.memory_space<vmem_shared>>) target_semaphore(%run_scoped3A : memref<!tpu.dma_semaphore, #tpu.memory_space<semaphore_mem>>)
      %dma_wait3A = arith.constant 0 : i32
      %dma_wait3A_81 = tpu.memref_slice %arg10[%add3A_8, %dma_wait3A] : memref<10240x128xf32, #tpu.memory_space<vmem_shared>> -> memref<64x128xf32, #tpu.memory_space<vmem_shared>>
      %dma_wait3A_82 = arith.constant 0 : i32
      %dma_wait3A_83 = tpu.memref_slice %arg10[%add3A_8, %dma_wait3A_82] : memref<10240x128xf32, #tpu.memory_space<vmem_shared>> -> memref<64x128xf32, #tpu.memory_space<vmem_shared>>
      tpu.wait_dma2 semaphore(%run_scoped3A : memref<!tpu.dma_semaphore, #tpu.memory_space<semaphore_mem>>) src(%arg8 : memref<64x128xf32, #tpu.memory_space<vmem>>) dst(%dma_wait3A_83 : memref<64x128xf32, #tpu.memory_space<vmem_shared>>)
      tpu.yield
    }) : () -> ()
    %add3A_9 = arith.constant 128 : i32
    %add3A_10 = arith.addi %mul3A_5, %add3A_9 : i32
    "tpu.region"() ({
      %run_scoped3A = tpu.sem_alloc : memref<!tpu.dma_semaphore, #tpu.memory_space<semaphore_mem>>
      %dma_start3A_77 = arith.constant 0 : i32
      %dma_start3A_78 = tpu.memref_slice %arg10[%add3A_10, %dma_start3A_77] : memref<10240x128xf32, #tpu.memory_space<vmem_shared>> -> memref<64x128xf32, #tpu.memory_space<vmem_shared>>
      %dma_start3A_79 = arith.constant 0 : i32
      %dma_start3A_80 = tpu.memref_slice %arg10[%add3A_10, %dma_start3A_79] : memref<10240x128xf32, #tpu.memory_space<vmem_shared>> -> memref<64x128xf32, #tpu.memory_space<vmem_shared>>
      tpu.enqueue_dma source(%arg8 : memref<64x128xf32, #tpu.memory_space<vmem>>) target(%dma_start3A_80 : memref<64x128xf32, #tpu.memory_space<vmem_shared>>) target_semaphore(%run_scoped3A : memref<!tpu.dma_semaphore, #tpu.memory_space<semaphore_mem>>)
      %dma_wait3A = arith.constant 0 : i32
      %dma_wait3A_81 = tpu.memref_slice %arg10[%add3A_10, %dma_wait3A] : memref<10240x128xf32, #tpu.memory_space<vmem_shared>> -> memref<64x128xf32, #tpu.memory_space<vmem_shared>>
      %dma_wait3A_82 = arith.constant 0 : i32
      %dma_wait3A_83 = tpu.memref_slice %arg10[%add3A_10, %dma_wait3A_82] : memref<10240x128xf32, #tpu.memory_space<vmem_shared>> -> memref<64x128xf32, #tpu.memory_space<vmem_shared>>
      tpu.wait_dma2 semaphore(%run_scoped3A : memref<!tpu.dma_semaphore, #tpu.memory_space<semaphore_mem>>) src(%arg8 : memref<64x128xf32, #tpu.memory_space<vmem>>) dst(%dma_wait3A_83 : memref<64x128xf32, #tpu.memory_space<vmem_shared>>)
      tpu.yield
    }) : () -> ()
    %add3A_11 = arith.constant 192 : i32
    %add3A_12 = arith.addi %mul3A_5, %add3A_11 : i32
    "tpu.region"() ({
      %run_scoped3A = tpu.sem_alloc : memref<!tpu.dma_semaphore, #tpu.memory_space<semaphore_mem>>
      %dma_start3A_77 = arith.constant 0 : i32
      %dma_start3A_78 = tpu.memref_slice %arg10[%add3A_12, %dma_start3A_77] : memref<10240x128xf32, #tpu.memory_space<vmem_shared>> -> memref<64x128xf32, #tpu.memory_space<vmem_shared>>
      %dma_start3A_79 = arith.constant 0 : i32
      %dma_start3A_80 = tpu.memref_slice %arg10[%add3A_12, %dma_start3A_79] : memref<10240x128xf32, #tpu.memory_space<vmem_shared>> -> memref<64x128xf32, #tpu.memory_space<vmem_shared>>
      tpu.enqueue_dma source(%arg8 : memref<64x128xf32, #tpu.memory_space<vmem>>) target(%dma_start3A_80 : memref<64x128xf32, #tpu.memory_space<vmem_shared>>) target_semaphore(%run_scoped3A : memref<!tpu.dma_semaphore, #tpu.memory_space<semaphore_mem>>)
      %dma_wait3A = arith.constant 0 : i32
      %dma_wait3A_81 = tpu.memref_slice %arg10[%add3A_12, %dma_wait3A] : memref<10240x128xf32, #tpu.memory_space<vmem_shared>> -> memref<64x128xf32, #tpu.memory_space<vmem_shared>>
      %dma_wait3A_82 = arith.constant 0 : i32
      %dma_wait3A_83 = tpu.memref_slice %arg10[%add3A_12, %dma_wait3A_82] : memref<10240x128xf32, #tpu.memory_space<vmem_shared>> -> memref<64x128xf32, #tpu.memory_space<vmem_shared>>
      tpu.wait_dma2 semaphore(%run_scoped3A : memref<!tpu.dma_semaphore, #tpu.memory_space<semaphore_mem>>) src(%arg8 : memref<64x128xf32, #tpu.memory_space<vmem>>) dst(%dma_wait3A_83 : memref<64x128xf32, #tpu.memory_space<vmem_shared>>)
      tpu.yield
    }) : () -> ()
    %add3A_13 = arith.constant 256 : i32
    %add3A_14 = arith.addi %mul3A_5, %add3A_13 : i32
    "tpu.region"() ({
      %run_scoped3A = tpu.sem_alloc : memref<!tpu.dma_semaphore, #tpu.memory_space<semaphore_mem>>
      %dma_start3A_77 = arith.constant 0 : i32
      %dma_start3A_78 = tpu.memref_slice %arg10[%add3A_14, %dma_start3A_77] : memref<10240x128xf32, #tpu.memory_space<vmem_shared>> -> memref<64x128xf32, #tpu.memory_space<vmem_shared>>
      %dma_start3A_79 = arith.constant 0 : i32
      %dma_start3A_80 = tpu.memref_slice %arg10[%add3A_14, %dma_start3A_79] : memref<10240x128xf32, #tpu.memory_space<vmem_shared>> -> memref<64x128xf32, #tpu.memory_space<vmem_shared>>
      tpu.enqueue_dma source(%arg8 : memref<64x128xf32, #tpu.memory_space<vmem>>) target(%dma_start3A_80 : memref<64x128xf32, #tpu.memory_space<vmem_shared>>) target_semaphore(%run_scoped3A : memref<!tpu.dma_semaphore, #tpu.memory_space<semaphore_mem>>)
      %dma_wait3A = arith.constant 0 : i32
      %dma_wait3A_81 = tpu.memref_slice %arg10[%add3A_14, %dma_wait3A] : memref<10240x128xf32, #tpu.memory_space<vmem_shared>> -> memref<64x128xf32, #tpu.memory_space<vmem_shared>>
      %dma_wait3A_82 = arith.constant 0 : i32
      %dma_wait3A_83 = tpu.memref_slice %arg10[%add3A_14, %dma_wait3A_82] : memref<10240x128xf32, #tpu.memory_space<vmem_shared>> -> memref<64x128xf32, #tpu.memory_space<vmem_shared>>
      tpu.wait_dma2 semaphore(%run_scoped3A : memref<!tpu.dma_semaphore, #tpu.memory_space<semaphore_mem>>) src(%arg8 : memref<64x128xf32, #tpu.memory_space<vmem>>) dst(%dma_wait3A_83 : memref<64x128xf32, #tpu.memory_space<vmem_shared>>)
      tpu.yield
    }) : () -> ()
    %add3A_15 = arith.constant 320 : i32
    %add3A_16 = arith.addi %mul3A_5, %add3A_15 : i32
    "tpu.region"() ({
      %run_scoped3A = tpu.sem_alloc : memref<!tpu.dma_semaphore, #tpu.memory_space<semaphore_mem>>
      %dma_start3A_77 = arith.constant 0 : i32
      %dma_start3A_78 = tpu.memref_slice %arg10[%add3A_16, %dma_start3A_77] : memref<10240x128xf32, #tpu.memory_space<vmem_shared>> -> memref<64x128xf32, #tpu.memory_space<vmem_shared>>
      %dma_start3A_79 = arith.constant 0 : i32
      %dma_start3A_80 = tpu.memref_slice %arg10[%add3A_16, %dma_start3A_79] : memref<10240x128xf32, #tpu.memory_space<vmem_shared>> -> memref<64x128xf32, #tpu.memory_space<vmem_shared>>
      tpu.enqueue_dma source(%arg8 : memref<64x128xf32, #tpu.memory_space<vmem>>) target(%dma_start3A_80 : memref<64x128xf32, #tpu.memory_space<vmem_shared>>) target_semaphore(%run_scoped3A : memref<!tpu.dma_semaphore, #tpu.memory_space<semaphore_mem>>)
      %dma_wait3A = arith.constant 0 : i32
      %dma_wait3A_81 = tpu.memref_slice %arg10[%add3A_16, %dma_wait3A] : memref<10240x128xf32, #tpu.memory_space<vmem_shared>> -> memref<64x128xf32, #tpu.memory_space<vmem_shared>>
      %dma_wait3A_82 = arith.constant 0 : i32
      %dma_wait3A_83 = tpu.memref_slice %arg10[%add3A_16, %dma_wait3A_82] : memref<10240x128xf32, #tpu.memory_space<vmem_shared>> -> memref<64x128xf32, #tpu.memory_space<vmem_shared>>
      tpu.wait_dma2 semaphore(%run_scoped3A : memref<!tpu.dma_semaphore, #tpu.memory_space<semaphore_mem>>) src(%arg8 : memref<64x128xf32, #tpu.memory_space<vmem>>) dst(%dma_wait3A_83 : memref<64x128xf32, #tpu.memory_space<vmem_shared>>)
      tpu.yield
    }) : () -> ()
    %add3A_17 = arith.constant 384 : i32
    %add3A_18 = arith.addi %mul3A_5, %add3A_17 : i32
    "tpu.region"() ({
      %run_scoped3A = tpu.sem_alloc : memref<!tpu.dma_semaphore, #tpu.memory_space<semaphore_mem>>
      %dma_start3A_77 = arith.constant 0 : i32
      %dma_start3A_78 = tpu.memref_slice %arg10[%add3A_18, %dma_start3A_77] : memref<10240x128xf32, #tpu.memory_space<vmem_shared>> -> memref<64x128xf32, #tpu.memory_space<vmem_shared>>
      %dma_start3A_79 = arith.constant 0 : i32
      %dma_start3A_80 = tpu.memref_slice %arg10[%add3A_18, %dma_start3A_79] : memref<10240x128xf32, #tpu.memory_space<vmem_shared>> -> memref<64x128xf32, #tpu.memory_space<vmem_shared>>
      tpu.enqueue_dma source(%arg8 : memref<64x128xf32, #tpu.memory_space<vmem>>) target(%dma_start3A_80 : memref<64x128xf32, #tpu.memory_space<vmem_shared>>) target_semaphore(%run_scoped3A : memref<!tpu.dma_semaphore, #tpu.memory_space<semaphore_mem>>)
      %dma_wait3A = arith.constant 0 : i32
      %dma_wait3A_81 = tpu.memref_slice %arg10[%add3A_18, %dma_wait3A] : memref<10240x128xf32, #tpu.memory_space<vmem_shared>> -> memref<64x128xf32, #tpu.memory_space<vmem_shared>>
      %dma_wait3A_82 = arith.constant 0 : i32
      %dma_wait3A_83 = tpu.memref_slice %arg10[%add3A_18, %dma_wait3A_82] : memref<10240x128xf32, #tpu.memory_space<vmem_shared>> -> memref<64x128xf32, #tpu.memory_space<vmem_shared>>
      tpu.wait_dma2 semaphore(%run_scoped3A : memref<!tpu.dma_semaphore, #tpu.memory_space<semaphore_mem>>) src(%arg8 : memref<64x128xf32, #tpu.memory_space<vmem>>) dst(%dma_wait3A_83 : memref<64x128xf32, #tpu.memory_space<vmem_shared>>)
      tpu.yield
    }) : () -> ()
    %add3A_19 = arith.constant 448 : i32
    %add3A_20 = arith.addi %mul3A_5, %add3A_19 : i32
    "tpu.region"() ({
      %run_scoped3A = tpu.sem_alloc : memref<!tpu.dma_semaphore, #tpu.memory_space<semaphore_mem>>
      %dma_start3A_77 = arith.constant 0 : i32
      %dma_start3A_78 = tpu.memref_slice %arg10[%add3A_20, %dma_start3A_77] : memref<10240x128xf32, #tpu.memory_space<vmem_shared>> -> memref<64x128xf32, #tpu.memory_space<vmem_shared>>
      %dma_start3A_79 = arith.constant 0 : i32
      %dma_start3A_80 = tpu.memref_slice %arg10[%add3A_20, %dma_start3A_79] : memref<10240x128xf32, #tpu.memory_space<vmem_shared>> -> memref<64x128xf32, #tpu.memory_space<vmem_shared>>
      tpu.enqueue_dma source(%arg8 : memref<64x128xf32, #tpu.memory_space<vmem>>) target(%dma_start3A_80 : memref<64x128xf32, #tpu.memory_space<vmem_shared>>) target_semaphore(%run_scoped3A : memref<!tpu.dma_semaphore, #tpu.memory_space<semaphore_mem>>)
      %dma_wait3A = arith.constant 0 : i32
      %dma_wait3A_81 = tpu.memref_slice %arg10[%add3A_20, %dma_wait3A] : memref<10240x128xf32, #tpu.memory_space<vmem_shared>> -> memref<64x128xf32, #tpu.memory_space<vmem_shared>>
      %dma_wait3A_82 = arith.constant 0 : i32
      %dma_wait3A_83 = tpu.memref_slice %arg10[%add3A_20, %dma_wait3A_82] : memref<10240x128xf32, #tpu.memory_space<vmem_shared>> -> memref<64x128xf32, #tpu.memory_space<vmem_shared>>
      tpu.wait_dma2 semaphore(%run_scoped3A : memref<!tpu.dma_semaphore, #tpu.memory_space<semaphore_mem>>) src(%arg8 : memref<64x128xf32, #tpu.memory_space<vmem>>) dst(%dma_wait3A_83 : memref<64x128xf32, #tpu.memory_space<vmem_shared>>)
      tpu.yield
    }) : () -> ()
    %add3A_21 = arith.constant 512 : i32
    %add3A_22 = arith.addi %mul3A_5, %add3A_21 : i32
    "tpu.region"() ({
      %run_scoped3A = tpu.sem_alloc : memref<!tpu.dma_semaphore, #tpu.memory_space<semaphore_mem>>
      %dma_start3A_77 = arith.constant 0 : i32
      %dma_start3A_78 = tpu.memref_slice %arg10[%add3A_22, %dma_start3A_77] : memref<10240x128xf32, #tpu.memory_space<vmem_shared>> -> memref<64x128xf32, #tpu.memory_space<vmem_shared>>
      %dma_start3A_79 = arith.constant 0 : i32
      %dma_start3A_80 = tpu.memref_slice %arg10[%add3A_22, %dma_start3A_79] : memref<10240x128xf32, #tpu.memory_space<vmem_shared>> -> memref<64x128xf32, #tpu.memory_space<vmem_shared>>
      tpu.enqueue_dma source(%arg8 : memref<64x128xf32, #tpu.memory_space<vmem>>) target(%dma_start3A_80 : memref<64x128xf32, #tpu.memory_space<vmem_shared>>) target_semaphore(%run_scoped3A : memref<!tpu.dma_semaphore, #tpu.memory_space<semaphore_mem>>)
      %dma_wait3A = arith.constant 0 : i32
      %dma_wait3A_81 = tpu.memref_slice %arg10[%add3A_22, %dma_wait3A] : memref<10240x128xf32, #tpu.memory_space<vmem_shared>> -> memref<64x128xf32, #tpu.memory_space<vmem_shared>>
      %dma_wait3A_82 = arith.constant 0 : i32
      %dma_wait3A_83 = tpu.memref_slice %arg10[%add3A_22, %dma_wait3A_82] : memref<10240x128xf32, #tpu.memory_space<vmem_shared>> -> memref<64x128xf32, #tpu.memory_space<vmem_shared>>
      tpu.wait_dma2 semaphore(%run_scoped3A : memref<!tpu.dma_semaphore, #tpu.memory_space<semaphore_mem>>) src(%arg8 : memref<64x128xf32, #tpu.memory_space<vmem>>) dst(%dma_wait3A_83 : memref<64x128xf32, #tpu.memory_space<vmem_shared>>)
      tpu.yield
    }) : () -> ()
    %add3A_23 = arith.constant 576 : i32
    %add3A_24 = arith.addi %mul3A_5, %add3A_23 : i32
    "tpu.region"() ({
      %run_scoped3A = tpu.sem_alloc : memref<!tpu.dma_semaphore, #tpu.memory_space<semaphore_mem>>
      %dma_start3A_77 = arith.constant 0 : i32
      %dma_start3A_78 = tpu.memref_slice %arg10[%add3A_24, %dma_start3A_77] : memref<10240x128xf32, #tpu.memory_space<vmem_shared>> -> memref<64x128xf32, #tpu.memory_space<vmem_shared>>
      %dma_start3A_79 = arith.constant 0 : i32
      %dma_start3A_80 = tpu.memref_slice %arg10[%add3A_24, %dma_start3A_79] : memref<10240x128xf32, #tpu.memory_space<vmem_shared>> -> memref<64x128xf32, #tpu.memory_space<vmem_shared>>
      tpu.enqueue_dma source(%arg8 : memref<64x128xf32, #tpu.memory_space<vmem>>) target(%dma_start3A_80 : memref<64x128xf32, #tpu.memory_space<vmem_shared>>) target_semaphore(%run_scoped3A : memref<!tpu.dma_semaphore, #tpu.memory_space<semaphore_mem>>)
      %dma_wait3A = arith.constant 0 : i32
      %dma_wait3A_81 = tpu.memref_slice %arg10[%add3A_24, %dma_wait3A] : memref<10240x128xf32, #tpu.memory_space<vmem_shared>> -> memref<64x128xf32, #tpu.memory_space<vmem_shared>>
      %dma_wait3A_82 = arith.constant 0 : i32
      %dma_wait3A_83 = tpu.memref_slice %arg10[%add3A_24, %dma_wait3A_82] : memref<10240x128xf32, #tpu.memory_space<vmem_shared>> -> memref<64x128xf32, #tpu.memory_space<vmem_shared>>
      tpu.wait_dma2 semaphore(%run_scoped3A : memref<!tpu.dma_semaphore, #tpu.memory_space<semaphore_mem>>) src(%arg8 : memref<64x128xf32, #tpu.memory_space<vmem>>) dst(%dma_wait3A_83 : memref<64x128xf32, #tpu.memory_space<vmem_shared>>)
      tpu.yield
    }) : () -> ()
    %eq3A = arith.constant 0 : i32
    %eq3A_25 = arith.cmpi eq, %arg0, %eq3A : i32
    %mul3A_26 = arith.constant 240 : i32
    %mul3A_27 = arith.muli %arg1, %mul3A_26 : i32
    %mul3A_28 = arith.constant 80 : i32
    %mul3A_29 = arith.muli %arg1, %mul3A_28 : i32
    %add3A_30 = arith.constant 3840 : i32
    %add3A_31 = arith.addi %add3A_30, %mul3A_29 : i32
    %select_n3A = arith.select %eq3A_25, %mul3A_27, %add3A_31 : i32
    %eq3A_32 = arith.constant 0 : i32
    %eq3A_33 = arith.cmpi eq, %arg0, %eq3A_32 : i32
    %jit3A = arith.constant 240 : i32
    %jit3A_34 = arith.constant 80 : i32
    %select_n3A_35 = arith.select %eq3A_33, %jit3A, %jit3A_34 : i32
    "tpu.region"() ({
      %run_scoped3A = tpu.sem_alloc : memref<!tpu.dma_semaphore, #tpu.memory_space<semaphore_mem>>
      %dma_start3A_77 = arith.constant 0 : i32
      %dma_start3A_78 = tpu.memref_slice %arg3[%select_n3A, %dma_start3A_77] : memref<5360x64xi32, #tpu.memory_space<hbm>> -> memref<240x64xi32, #tpu.memory_space<hbm>>
      %dma_start3A_79 = arith.constant 0 : i32
      %dma_start3A_80 = tpu.memref_slice %arg3[%select_n3A, %dma_start3A_79] : memref<5360x64xi32, #tpu.memory_space<hbm>> -> memref<240x64xi32, #tpu.memory_space<hbm>>
      tpu.enqueue_dma source(%dma_start3A_80 : memref<240x64xi32, #tpu.memory_space<hbm>>) target(%arg6 : memref<240x64xi32, #tpu.memory_space<vmem>>) target_semaphore(%run_scoped3A : memref<!tpu.dma_semaphore, #tpu.memory_space<semaphore_mem>>)
      %dma_wait3A = arith.constant 0 : i32
      %dma_wait3A_81 = tpu.memref_slice %arg3[%select_n3A, %dma_wait3A] : memref<5360x64xi32, #tpu.memory_space<hbm>> -> memref<240x64xi32, #tpu.memory_space<hbm>>
      %dma_wait3A_82 = arith.constant 0 : i32
      %dma_wait3A_83 = tpu.memref_slice %arg3[%select_n3A, %dma_wait3A_82] : memref<5360x64xi32, #tpu.memory_space<hbm>> -> memref<240x64xi32, #tpu.memory_space<hbm>>
      tpu.wait_dma2 semaphore(%run_scoped3A : memref<!tpu.dma_semaphore, #tpu.memory_space<semaphore_mem>>) src(%dma_wait3A_83 : memref<240x64xi32, #tpu.memory_space<hbm>>) dst(%arg6 : memref<240x64xi32, #tpu.memory_space<vmem>>)
      tpu.yield
    }) : () -> ()
    "tpu.region"() ({
      %run_scoped3A = tpu.sem_alloc : memref<!tpu.dma_semaphore, #tpu.memory_space<semaphore_mem>>
      %dma_start3A_77 = arith.constant 0 : i32
      %dma_start3A_78 = tpu.memref_slice %arg4[%select_n3A, %dma_start3A_77] : memref<5360x64xi32, #tpu.memory_space<hbm>> -> memref<240x64xi32, #tpu.memory_space<hbm>>
      %dma_start3A_79 = arith.constant 0 : i32
      %dma_start3A_80 = tpu.memref_slice %arg4[%select_n3A, %dma_start3A_79] : memref<5360x64xi32, #tpu.memory_space<hbm>> -> memref<240x64xi32, #tpu.memory_space<hbm>>
      tpu.enqueue_dma source(%dma_start3A_80 : memref<240x64xi32, #tpu.memory_space<hbm>>) target(%arg7 : memref<240x64xi32, #tpu.memory_space<vmem>>) target_semaphore(%run_scoped3A : memref<!tpu.dma_semaphore, #tpu.memory_space<semaphore_mem>>)
      %dma_wait3A = arith.constant 0 : i32
      %dma_wait3A_81 = tpu.memref_slice %arg4[%select_n3A, %dma_wait3A] : memref<5360x64xi32, #tpu.memory_space<hbm>> -> memref<240x64xi32, #tpu.memory_space<hbm>>
      %dma_wait3A_82 = arith.constant 0 : i32
      %dma_wait3A_83 = tpu.memref_slice %arg4[%select_n3A, %dma_wait3A_82] : memref<5360x64xi32, #tpu.memory_space<hbm>> -> memref<240x64xi32, #tpu.memory_space<hbm>>
      tpu.wait_dma2 semaphore(%run_scoped3A : memref<!tpu.dma_semaphore, #tpu.memory_space<semaphore_mem>>) src(%dma_wait3A_83 : memref<240x64xi32, #tpu.memory_space<hbm>>) dst(%arg7 : memref<240x64xi32, #tpu.memory_space<vmem>>)
      tpu.yield
    }) : () -> ()
    %barrier3A = arith.constant 0 : index
    tpu.barrier barrier_id(%barrier3A)
    %dma_start3A = arith.constant 0 : i32
    %dma_start3A_36 = arith.constant 0 : i32
    %dma_start3A_37 = tpu.memref_slice %arg6[%dma_start3A, %dma_start3A_36] : memref<240x64xi32, #tpu.memory_space<vmem>> -> memref<1x64xi32, #tpu.memory_space<vmem>>
    %dma_start3A_38 = tpu.memref_squeeze %dma_start3A_37 : memref<1x64xi32, #tpu.memory_space<vmem>> -> memref<64xi32, #tpu.memory_space<vmem>>
    %dma_start3A_39 = arith.constant 0 : i32
    %dma_start3A_40 = arith.constant 0 : i32
    %dma_start3A_41 = tpu.memref_slice %arg2[%dma_start3A_39, %dma_start3A_40] : memref<10240x128xf32, #tpu.memory_space<hbm>> -> memref<10240x128xf32, #tpu.memory_space<hbm>>
    tpu.enqueue_indirect_dma source(%dma_start3A_41 : memref<10240x128xf32, #tpu.memory_space<hbm>>) target(%arg8 : memref<64x128xf32, #tpu.memory_space<vmem>>) offsets(%dma_start3A_38 : memref<64xi32, #tpu.memory_space<vmem>>) semaphore(%arg11 : memref<!tpu.dma_semaphore, #tpu.memory_space<semaphore_mem>>)
    %dma_start3A_42 = arith.constant 1 : i32
    %dma_start3A_43 = arith.constant 0 : i32
    %dma_start3A_44 = tpu.memref_slice %arg6[%dma_start3A_42, %dma_start3A_43] : memref<240x64xi32, #tpu.memory_space<vmem>> -> memref<1x64xi32, #tpu.memory_space<vmem>>
    %dma_start3A_45 = tpu.memref_squeeze %dma_start3A_44 : memref<1x64xi32, #tpu.memory_space<vmem>> -> memref<64xi32, #tpu.memory_space<vmem>>
    %dma_start3A_46 = arith.constant 0 : i32
    %dma_start3A_47 = arith.constant 0 : i32
    %dma_start3A_48 = tpu.memref_slice %arg2[%dma_start3A_46, %dma_start3A_47] : memref<10240x128xf32, #tpu.memory_space<hbm>> -> memref<10240x128xf32, #tpu.memory_space<hbm>>
    tpu.enqueue_indirect_dma source(%dma_start3A_48 : memref<10240x128xf32, #tpu.memory_space<hbm>>) target(%arg9 : memref<64x128xf32, #tpu.memory_space<vmem>>) offsets(%dma_start3A_45 : memref<64xi32, #tpu.memory_space<vmem>>) semaphore(%arg12 : memref<!tpu.dma_semaphore, #tpu.memory_space<semaphore_mem>>)
    %jit3A_49 = arith.constant 2 : i32
    %div3A = arith.divsi %select_n3A_35, %jit3A_49 : i32
    %sign3A = arith.constant 0 : i32
    %sign3A_50 = arith.cmpi sgt, %select_n3A_35, %sign3A : i32
    %sign3A_51 = arith.extui %sign3A_50 : i1 to i32
    %sign3A_52 = arith.constant 0 : i32
    %sign3A_53 = arith.cmpi slt, %select_n3A_35, %sign3A_52 : i32
    %sign3A_54 = arith.extui %sign3A_53 : i1 to i32
    %sign3A_55 = arith.subi %sign3A_51, %sign3A_54 : i32
    %sign3A_56 = arith.constant 0 : i32
    %sign3A_57 = arith.cmpi sgt, %jit3A_49, %sign3A_56 : i32
    %sign3A_58 = arith.extui %sign3A_57 : i1 to i32
    %sign3A_59 = arith.constant 0 : i32
    %sign3A_60 = arith.cmpi slt, %jit3A_49, %sign3A_59 : i32
    %sign3A_61 = arith.extui %sign3A_60 : i1 to i32
    %sign3A_62 = arith.subi %sign3A_58, %sign3A_61 : i32
    %ne3A = arith.cmpi ne, %sign3A_55, %sign3A_62 : i32
    %rem3A = arith.remsi %select_n3A_35, %jit3A_49 : i32
    %ne3A_63 = arith.constant 0 : i32
    %ne3A_64 = arith.cmpi ne, %rem3A, %ne3A_63 : i32
    %and3A = arith.andi %ne3A, %ne3A_64 : i1
    %sub3A = arith.constant 1 : i32
    %sub3A_65 = arith.subi %div3A, %sub3A : i32
    %select_n3A_66 = arith.select %and3A, %sub3A_65, %div3A : i32
    %while3A = arith.constant 0 : i32
    %while3A_67 = arith.constant 0 : i32
    %while3A_68 = arith.subi %select_n3A_66, %while3A_67 : i32
    %while3A_69 = arith.addi %while3A_67, %while3A_68 : i32
    %while3A_70 = arith.constant 1 : i32
    %while3A_71 = arith.divsi %while3A_68, %while3A_70 : i32
    %while3A_72 = arith.muli %while3A_71, %while3A_70 : i32
    %while3A_73 = arith.addi %while3A_67, %while3A_72 : i32
    %while3A_74 = arith.constant 1 : i32
    scf.for %while3A_77 = %while3A_67 to %while3A_73 step %while3A_74  : i32 {
      %mul3A_78 = arith.constant 2 : i32
      %mul3A_79 = arith.muli %mul3A_78, %while3A_77 : i32
      %add3A_80 = arith.constant 0 : i32
      %add3A_81 = arith.addi %mul3A_79, %add3A_80 : i32
      %dma_wait3A = arith.constant 0 : i32
      %dma_wait3A_82 = arith.constant 0 : i32
      %dma_wait3A_83 = tpu.memref_slice %arg6[%dma_wait3A, %dma_wait3A_82] : memref<240x64xi32, #tpu.memory_space<vmem>> -> memref<1x64xi32, #tpu.memory_space<vmem>>
      %dma_wait3A_84 = tpu.memref_squeeze %dma_wait3A_83 : memref<1x64xi32, #tpu.memory_space<vmem>> -> memref<64xi32, #tpu.memory_space<vmem>>
      %dma_wait3A_85 = arith.constant 0 : i32
      %dma_wait3A_86 = arith.constant 0 : i32
      %dma_wait3A_87 = tpu.memref_slice %arg2[%dma_wait3A_85, %dma_wait3A_86] : memref<10240x128xf32, #tpu.memory_space<hbm>> -> memref<10240x128xf32, #tpu.memory_space<hbm>>
      tpu.wait_indirect_dma semaphore(%arg11 : memref<!tpu.dma_semaphore, #tpu.memory_space<semaphore_mem>>) src(%dma_wait3A_87 : memref<10240x128xf32, #tpu.memory_space<hbm>>) dst(%arg8 : memref<64x128xf32, #tpu.memory_space<vmem>>)
      "tpu.region"() ({
        %run_scoped3A = tpu.sem_alloc : memref<!tpu.dma_semaphore, #tpu.memory_space<semaphore_mem>>
        %dma_start3A_108 = arith.constant 0 : i32
        %dma_start3A_109 = tpu.memref_slice %arg7[%add3A_81, %dma_start3A_108] : memref<240x64xi32, #tpu.memory_space<vmem>> -> memref<1x64xi32, #tpu.memory_space<vmem>>
        %dma_start3A_110 = tpu.memref_squeeze %dma_start3A_109 : memref<1x64xi32, #tpu.memory_space<vmem>> -> memref<64xi32, #tpu.memory_space<vmem>>
        %dma_start3A_111 = arith.constant 0 : i32
        %dma_start3A_112 = arith.constant 0 : i32
        %dma_start3A_113 = tpu.memref_slice %arg10[%dma_start3A_111, %dma_start3A_112] : memref<10240x128xf32, #tpu.memory_space<vmem_shared>> -> memref<10240x128xf32, #tpu.memory_space<vmem_shared>>
        tpu.enqueue_indirect_dma source(%arg8 : memref<64x128xf32, #tpu.memory_space<vmem>>) target(%dma_start3A_113 : memref<10240x128xf32, #tpu.memory_space<vmem_shared>>) offsets(%dma_start3A_110 : memref<64xi32, #tpu.memory_space<vmem>>) semaphore(%run_scoped3A : memref<!tpu.dma_semaphore, #tpu.memory_space<semaphore_mem>>) {add = true}
        %dma_wait3A_114 = arith.constant 0 : i32
        %dma_wait3A_115 = tpu.memref_slice %arg7[%add3A_81, %dma_wait3A_114] : memref<240x64xi32, #tpu.memory_space<vmem>> -> memref<1x64xi32, #tpu.memory_space<vmem>>
        %dma_wait3A_116 = tpu.memref_squeeze %dma_wait3A_115 : memref<1x64xi32, #tpu.memory_space<vmem>> -> memref<64xi32, #tpu.memory_space<vmem>>
        %dma_wait3A_117 = arith.constant 0 : i32
        %dma_wait3A_118 = arith.constant 0 : i32
        %dma_wait3A_119 = tpu.memref_slice %arg10[%dma_wait3A_117, %dma_wait3A_118] : memref<10240x128xf32, #tpu.memory_space<vmem_shared>> -> memref<10240x128xf32, #tpu.memory_space<vmem_shared>>
        tpu.wait_indirect_dma semaphore(%run_scoped3A : memref<!tpu.dma_semaphore, #tpu.memory_space<semaphore_mem>>) src(%arg8 : memref<64x128xf32, #tpu.memory_space<vmem>>) dst(%dma_wait3A_119 : memref<10240x128xf32, #tpu.memory_space<vmem_shared>>)
        tpu.yield
      }) : () -> ()
      %add3A_88 = arith.constant 2 : i32
      %add3A_89 = arith.addi %add3A_81, %add3A_88 : i32
      %lt3A = arith.cmpi slt, %add3A_89, %select_n3A_35 : i32
      %convert_element_type3A = arith.extui %lt3A : i1 to i32
      %cond3A = arith.constant 0 : i32
      %cond3A_90 = arith.cmpi ne, %convert_element_type3A, %cond3A : i32
      scf.if %cond3A_90 {
        %dma_start3A_108 = arith.constant 0 : i32
        %dma_start3A_109 = tpu.memref_slice %arg6[%add3A_89, %dma_start3A_108] : memref<240x64xi32, #tpu.memory_space<vmem>> -> memref<1x64xi32, #tpu.memory_space<vmem>>
        %dma_start3A_110 = tpu.memref_squeeze %dma_start3A_109 : memref<1x64xi32, #tpu.memory_space<vmem>> -> memref<64xi32, #tpu.memory_space<vmem>>
        %dma_start3A_111 = arith.constant 0 : i32
        %dma_start3A_112 = arith.constant 0 : i32
        %dma_start3A_113 = tpu.memref_slice %arg2[%dma_start3A_111, %dma_start3A_112] : memref<10240x128xf32, #tpu.memory_space<hbm>> -> memref<10240x128xf32, #tpu.memory_space<hbm>>
        tpu.enqueue_indirect_dma source(%dma_start3A_113 : memref<10240x128xf32, #tpu.memory_space<hbm>>) target(%arg8 : memref<64x128xf32, #tpu.memory_space<vmem>>) offsets(%dma_start3A_110 : memref<64xi32, #tpu.memory_space<vmem>>) semaphore(%arg11 : memref<!tpu.dma_semaphore, #tpu.memory_space<semaphore_mem>>)
      } else {
      }
      %mul3A_91 = arith.constant 2 : i32
      %mul3A_92 = arith.muli %mul3A_91, %while3A_77 : i32
      %add3A_93 = arith.constant 1 : i32
      %add3A_94 = arith.addi %mul3A_92, %add3A_93 : i32
      %dma_wait3A_95 = arith.constant 1 : i32
      %dma_wait3A_96 = arith.constant 0 : i32
      %dma_wait3A_97 = tpu.memref_slice %arg6[%dma_wait3A_95, %dma_wait3A_96] : memref<240x64xi32, #tpu.memory_space<vmem>> -> memref<1x64xi32, #tpu.memory_space<vmem>>
      %dma_wait3A_98 = tpu.memref_squeeze %dma_wait3A_97 : memref<1x64xi32, #tpu.memory_space<vmem>> -> memref<64xi32, #tpu.memory_space<vmem>>
      %dma_wait3A_99 = arith.constant 0 : i32
      %dma_wait3A_100 = arith.constant 0 : i32
      %dma_wait3A_101 = tpu.memref_slice %arg2[%dma_wait3A_99, %dma_wait3A_100] : memref<10240x128xf32, #tpu.memory_space<hbm>> -> memref<10240x128xf32, #tpu.memory_space<hbm>>
      tpu.wait_indirect_dma semaphore(%arg12 : memref<!tpu.dma_semaphore, #tpu.memory_space<semaphore_mem>>) src(%dma_wait3A_101 : memref<10240x128xf32, #tpu.memory_space<hbm>>) dst(%arg9 : memref<64x128xf32, #tpu.memory_space<vmem>>)
      "tpu.region"() ({
        %run_scoped3A = tpu.sem_alloc : memref<!tpu.dma_semaphore, #tpu.memory_space<semaphore_mem>>
        %dma_start3A_108 = arith.constant 0 : i32
        %dma_start3A_109 = tpu.memref_slice %arg7[%add3A_94, %dma_start3A_108] : memref<240x64xi32, #tpu.memory_space<vmem>> -> memref<1x64xi32, #tpu.memory_space<vmem>>
        %dma_start3A_110 = tpu.memref_squeeze %dma_start3A_109 : memref<1x64xi32, #tpu.memory_space<vmem>> -> memref<64xi32, #tpu.memory_space<vmem>>
        %dma_start3A_111 = arith.constant 0 : i32
        %dma_start3A_112 = arith.constant 0 : i32
        %dma_start3A_113 = tpu.memref_slice %arg10[%dma_start3A_111, %dma_start3A_112] : memref<10240x128xf32, #tpu.memory_space<vmem_shared>> -> memref<10240x128xf32, #tpu.memory_space<vmem_shared>>
        tpu.enqueue_indirect_dma source(%arg9 : memref<64x128xf32, #tpu.memory_space<vmem>>) target(%dma_start3A_113 : memref<10240x128xf32, #tpu.memory_space<vmem_shared>>) offsets(%dma_start3A_110 : memref<64xi32, #tpu.memory_space<vmem>>) semaphore(%run_scoped3A : memref<!tpu.dma_semaphore, #tpu.memory_space<semaphore_mem>>) {add = true}
        %dma_wait3A_114 = arith.constant 0 : i32
        %dma_wait3A_115 = tpu.memref_slice %arg7[%add3A_94, %dma_wait3A_114] : memref<240x64xi32, #tpu.memory_space<vmem>> -> memref<1x64xi32, #tpu.memory_space<vmem>>
        %dma_wait3A_116 = tpu.memref_squeeze %dma_wait3A_115 : memref<1x64xi32, #tpu.memory_space<vmem>> -> memref<64xi32, #tpu.memory_space<vmem>>
        %dma_wait3A_117 = arith.constant 0 : i32
        %dma_wait3A_118 = arith.constant 0 : i32
        %dma_wait3A_119 = tpu.memref_slice %arg10[%dma_wait3A_117, %dma_wait3A_118] : memref<10240x128xf32, #tpu.memory_space<vmem_shared>> -> memref<10240x128xf32, #tpu.memory_space<vmem_shared>>
        tpu.wait_indirect_dma semaphore(%run_scoped3A : memref<!tpu.dma_semaphore, #tpu.memory_space<semaphore_mem>>) src(%arg9 : memref<64x128xf32, #tpu.memory_space<vmem>>) dst(%dma_wait3A_119 : memref<10240x128xf32, #tpu.memory_space<vmem_shared>>)
        tpu.yield
      }) : () -> ()
      %add3A_102 = arith.constant 2 : i32
      %add3A_103 = arith.addi %add3A_94, %add3A_102 : i32
      %lt3A_104 = arith.cmpi slt, %add3A_103, %select_n3A_35 : i32
      %convert_element_type3A_105 = arith.extui %lt3A_104 : i1 to i32
      %cond3A_106 = arith.constant 0 : i32
      %cond3A_107 = arith.cmpi ne, %convert_element_type3A_105, %cond3A_106 : i32
      scf.if %cond3A_107 {
        %dma_start3A_108 = arith.constant 0 : i32
        %dma_start3A_109 = tpu.memref_slice %arg6[%add3A_103, %dma_start3A_108] : memref<240x64xi32, #tpu.memory_space<vmem>> -> memref<1x64xi32, #tpu.memory_space<vmem>>
        %dma_start3A_110 = tpu.memref_squeeze %dma_start3A_109 : memref<1x64xi32, #tpu.memory_space<vmem>> -> memref<64xi32, #tpu.memory_space<vmem>>
        %dma_start3A_111 = arith.constant 0 : i32
        %dma_start3A_112 = arith.constant 0 : i32
        %dma_start3A_113 = tpu.memref_slice %arg2[%dma_start3A_111, %dma_start3A_112] : memref<10240x128xf32, #tpu.memory_space<hbm>> -> memref<10240x128xf32, #tpu.memory_space<hbm>>
        tpu.enqueue_indirect_dma source(%dma_start3A_113 : memref<10240x128xf32, #tpu.memory_space<hbm>>) target(%arg9 : memref<64x128xf32, #tpu.memory_space<vmem>>) offsets(%dma_start3A_110 : memref<64xi32, #tpu.memory_space<vmem>>) semaphore(%arg12 : memref<!tpu.dma_semaphore, #tpu.memory_space<semaphore_mem>>)
      } else {
      }
    }
    %while3A_75 = arith.constant 1 : i32
    scf.for %while3A_77 = %while3A_73 to %while3A_69 step %while3A_75  : i32 {
      %mul3A_78 = arith.constant 2 : i32
      %mul3A_79 = arith.muli %mul3A_78, %while3A_77 : i32
      %add3A_80 = arith.constant 0 : i32
      %add3A_81 = arith.addi %mul3A_79, %add3A_80 : i32
      %dma_wait3A = arith.constant 0 : i32
      %dma_wait3A_82 = arith.constant 0 : i32
      %dma_wait3A_83 = tpu.memref_slice %arg6[%dma_wait3A, %dma_wait3A_82] : memref<240x64xi32, #tpu.memory_space<vmem>> -> memref<1x64xi32, #tpu.memory_space<vmem>>
      %dma_wait3A_84 = tpu.memref_squeeze %dma_wait3A_83 : memref<1x64xi32, #tpu.memory_space<vmem>> -> memref<64xi32, #tpu.memory_space<vmem>>
      %dma_wait3A_85 = arith.constant 0 : i32
      %dma_wait3A_86 = arith.constant 0 : i32
      %dma_wait3A_87 = tpu.memref_slice %arg2[%dma_wait3A_85, %dma_wait3A_86] : memref<10240x128xf32, #tpu.memory_space<hbm>> -> memref<10240x128xf32, #tpu.memory_space<hbm>>
      tpu.wait_indirect_dma semaphore(%arg11 : memref<!tpu.dma_semaphore, #tpu.memory_space<semaphore_mem>>) src(%dma_wait3A_87 : memref<10240x128xf32, #tpu.memory_space<hbm>>) dst(%arg8 : memref<64x128xf32, #tpu.memory_space<vmem>>)
      "tpu.region"() ({
        %run_scoped3A = tpu.sem_alloc : memref<!tpu.dma_semaphore, #tpu.memory_space<semaphore_mem>>
        %dma_start3A_108 = arith.constant 0 : i32
        %dma_start3A_109 = tpu.memref_slice %arg7[%add3A_81, %dma_start3A_108] : memref<240x64xi32, #tpu.memory_space<vmem>> -> memref<1x64xi32, #tpu.memory_space<vmem>>
        %dma_start3A_110 = tpu.memref_squeeze %dma_start3A_109 : memref<1x64xi32, #tpu.memory_space<vmem>> -> memref<64xi32, #tpu.memory_space<vmem>>
        %dma_start3A_111 = arith.constant 0 : i32
        %dma_start3A_112 = arith.constant 0 : i32
        %dma_start3A_113 = tpu.memref_slice %arg10[%dma_start3A_111, %dma_start3A_112] : memref<10240x128xf32, #tpu.memory_space<vmem_shared>> -> memref<10240x128xf32, #tpu.memory_space<vmem_shared>>
        tpu.enqueue_indirect_dma source(%arg8 : memref<64x128xf32, #tpu.memory_space<vmem>>) target(%dma_start3A_113 : memref<10240x128xf32, #tpu.memory_space<vmem_shared>>) offsets(%dma_start3A_110 : memref<64xi32, #tpu.memory_space<vmem>>) semaphore(%run_scoped3A : memref<!tpu.dma_semaphore, #tpu.memory_space<semaphore_mem>>) {add = true}
        %dma_wait3A_114 = arith.constant 0 : i32
        %dma_wait3A_115 = tpu.memref_slice %arg7[%add3A_81, %dma_wait3A_114] : memref<240x64xi32, #tpu.memory_space<vmem>> -> memref<1x64xi32, #tpu.memory_space<vmem>>
        %dma_wait3A_116 = tpu.memref_squeeze %dma_wait3A_115 : memref<1x64xi32, #tpu.memory_space<vmem>> -> memref<64xi32, #tpu.memory_space<vmem>>
        %dma_wait3A_117 = arith.constant 0 : i32
        %dma_wait3A_118 = arith.constant 0 : i32
        %dma_wait3A_119 = tpu.memref_slice %arg10[%dma_wait3A_117, %dma_wait3A_118] : memref<10240x128xf32, #tpu.memory_space<vmem_shared>> -> memref<10240x128xf32, #tpu.memory_space<vmem_shared>>
        tpu.wait_indirect_dma semaphore(%run_scoped3A : memref<!tpu.dma_semaphore, #tpu.memory_space<semaphore_mem>>) src(%arg8 : memref<64x128xf32, #tpu.memory_space<vmem>>) dst(%dma_wait3A_119 : memref<10240x128xf32, #tpu.memory_space<vmem_shared>>)
        tpu.yield
      }) : () -> ()
      %add3A_88 = arith.constant 2 : i32
      %add3A_89 = arith.addi %add3A_81, %add3A_88 : i32
      %lt3A = arith.cmpi slt, %add3A_89, %select_n3A_35 : i32
      %convert_element_type3A = arith.extui %lt3A : i1 to i32
      %cond3A = arith.constant 0 : i32
      %cond3A_90 = arith.cmpi ne, %convert_element_type3A, %cond3A : i32
      scf.if %cond3A_90 {
        %dma_start3A_108 = arith.constant 0 : i32
        %dma_start3A_109 = tpu.memref_slice %arg6[%add3A_89, %dma_start3A_108] : memref<240x64xi32, #tpu.memory_space<vmem>> -> memref<1x64xi32, #tpu.memory_space<vmem>>
        %dma_start3A_110 = tpu.memref_squeeze %dma_start3A_109 : memref<1x64xi32, #tpu.memory_space<vmem>> -> memref<64xi32, #tpu.memory_space<vmem>>
        %dma_start3A_111 = arith.constant 0 : i32
        %dma_start3A_112 = arith.constant 0 : i32
        %dma_start3A_113 = tpu.memref_slice %arg2[%dma_start3A_111, %dma_start3A_112] : memref<10240x128xf32, #tpu.memory_space<hbm>> -> memref<10240x128xf32, #tpu.memory_space<hbm>>
        tpu.enqueue_indirect_dma source(%dma_start3A_113 : memref<10240x128xf32, #tpu.memory_space<hbm>>) target(%arg8 : memref<64x128xf32, #tpu.memory_space<vmem>>) offsets(%dma_start3A_110 : memref<64xi32, #tpu.memory_space<vmem>>) semaphore(%arg11 : memref<!tpu.dma_semaphore, #tpu.memory_space<semaphore_mem>>)
      } else {
      }
      %mul3A_91 = arith.constant 2 : i32
      %mul3A_92 = arith.muli %mul3A_91, %while3A_77 : i32
      %add3A_93 = arith.constant 1 : i32
      %add3A_94 = arith.addi %mul3A_92, %add3A_93 : i32
      %dma_wait3A_95 = arith.constant 1 : i32
      %dma_wait3A_96 = arith.constant 0 : i32
      %dma_wait3A_97 = tpu.memref_slice %arg6[%dma_wait3A_95, %dma_wait3A_96] : memref<240x64xi32, #tpu.memory_space<vmem>> -> memref<1x64xi32, #tpu.memory_space<vmem>>
      %dma_wait3A_98 = tpu.memref_squeeze %dma_wait3A_97 : memref<1x64xi32, #tpu.memory_space<vmem>> -> memref<64xi32, #tpu.memory_space<vmem>>
      %dma_wait3A_99 = arith.constant 0 : i32
      %dma_wait3A_100 = arith.constant 0 : i32
      %dma_wait3A_101 = tpu.memref_slice %arg2[%dma_wait3A_99, %dma_wait3A_100] : memref<10240x128xf32, #tpu.memory_space<hbm>> -> memref<10240x128xf32, #tpu.memory_space<hbm>>
      tpu.wait_indirect_dma semaphore(%arg12 : memref<!tpu.dma_semaphore, #tpu.memory_space<semaphore_mem>>) src(%dma_wait3A_101 : memref<10240x128xf32, #tpu.memory_space<hbm>>) dst(%arg9 : memref<64x128xf32, #tpu.memory_space<vmem>>)
      "tpu.region"() ({
        %run_scoped3A = tpu.sem_alloc : memref<!tpu.dma_semaphore, #tpu.memory_space<semaphore_mem>>
        %dma_start3A_108 = arith.constant 0 : i32
        %dma_start3A_109 = tpu.memref_slice %arg7[%add3A_94, %dma_start3A_108] : memref<240x64xi32, #tpu.memory_space<vmem>> -> memref<1x64xi32, #tpu.memory_space<vmem>>
        %dma_start3A_110 = tpu.memref_squeeze %dma_start3A_109 : memref<1x64xi32, #tpu.memory_space<vmem>> -> memref<64xi32, #tpu.memory_space<vmem>>
        %dma_start3A_111 = arith.constant 0 : i32
        %dma_start3A_112 = arith.constant 0 : i32
        %dma_start3A_113 = tpu.memref_slice %arg10[%dma_start3A_111, %dma_start3A_112] : memref<10240x128xf32, #tpu.memory_space<vmem_shared>> -> memref<10240x128xf32, #tpu.memory_space<vmem_shared>>
        tpu.enqueue_indirect_dma source(%arg9 : memref<64x128xf32, #tpu.memory_space<vmem>>) target(%dma_start3A_113 : memref<10240x128xf32, #tpu.memory_space<vmem_shared>>) offsets(%dma_start3A_110 : memref<64xi32, #tpu.memory_space<vmem>>) semaphore(%run_scoped3A : memref<!tpu.dma_semaphore, #tpu.memory_space<semaphore_mem>>) {add = true}
        %dma_wait3A_114 = arith.constant 0 : i32
        %dma_wait3A_115 = tpu.memref_slice %arg7[%add3A_94, %dma_wait3A_114] : memref<240x64xi32, #tpu.memory_space<vmem>> -> memref<1x64xi32, #tpu.memory_space<vmem>>
        %dma_wait3A_116 = tpu.memref_squeeze %dma_wait3A_115 : memref<1x64xi32, #tpu.memory_space<vmem>> -> memref<64xi32, #tpu.memory_space<vmem>>
        %dma_wait3A_117 = arith.constant 0 : i32
        %dma_wait3A_118 = arith.constant 0 : i32
        %dma_wait3A_119 = tpu.memref_slice %arg10[%dma_wait3A_117, %dma_wait3A_118] : memref<10240x128xf32, #tpu.memory_space<vmem_shared>> -> memref<10240x128xf32, #tpu.memory_space<vmem_shared>>
        tpu.wait_indirect_dma semaphore(%run_scoped3A : memref<!tpu.dma_semaphore, #tpu.memory_space<semaphore_mem>>) src(%arg9 : memref<64x128xf32, #tpu.memory_space<vmem>>) dst(%dma_wait3A_119 : memref<10240x128xf32, #tpu.memory_space<vmem_shared>>)
        tpu.yield
      }) : () -> ()
      %add3A_102 = arith.constant 2 : i32
      %add3A_103 = arith.addi %add3A_94, %add3A_102 : i32
      %lt3A_104 = arith.cmpi slt, %add3A_103, %select_n3A_35 : i32
      %convert_element_type3A_105 = arith.extui %lt3A_104 : i1 to i32
      %cond3A_106 = arith.constant 0 : i32
      %cond3A_107 = arith.cmpi ne, %convert_element_type3A_105, %cond3A_106 : i32
      scf.if %cond3A_107 {
        %dma_start3A_108 = arith.constant 0 : i32
        %dma_start3A_109 = tpu.memref_slice %arg6[%add3A_103, %dma_start3A_108] : memref<240x64xi32, #tpu.memory_space<vmem>> -> memref<1x64xi32, #tpu.memory_space<vmem>>
        %dma_start3A_110 = tpu.memref_squeeze %dma_start3A_109 : memref<1x64xi32, #tpu.memory_space<vmem>> -> memref<64xi32, #tpu.memory_space<vmem>>
        %dma_start3A_111 = arith.constant 0 : i32
        %dma_start3A_112 = arith.constant 0 : i32
        %dma_start3A_113 = tpu.memref_slice %arg2[%dma_start3A_111, %dma_start3A_112] : memref<10240x128xf32, #tpu.memory_space<hbm>> -> memref<10240x128xf32, #tpu.memory_space<hbm>>
        tpu.enqueue_indirect_dma source(%dma_start3A_113 : memref<10240x128xf32, #tpu.memory_space<hbm>>) target(%arg9 : memref<64x128xf32, #tpu.memory_space<vmem>>) offsets(%dma_start3A_110 : memref<64xi32, #tpu.memory_space<vmem>>) semaphore(%arg12 : memref<!tpu.dma_semaphore, #tpu.memory_space<semaphore_mem>>)
      } else {
      }
    }
    %barrier3A_76 = arith.constant 0 : index
    tpu.barrier barrier_id(%barrier3A_76)
    "tpu.region"() ({
      %run_scoped3A = tpu.sem_alloc : memref<!tpu.dma_semaphore, #tpu.memory_space<semaphore_mem>>
      %dma_start3A_77 = arith.constant 0 : i32
      %dma_start3A_78 = tpu.memref_slice %arg5[%arg0, %mul3A_5, %dma_start3A_77] : memref<2x10240x128xf32, #tpu.memory_space<hbm>> -> memref<1x640x128xf32, #tpu.memory_space<hbm>>
      %dma_start3A_79 = tpu.memref_squeeze %dma_start3A_78 : memref<1x640x128xf32, #tpu.memory_space<hbm>> -> memref<640x128xf32, #tpu.memory_space<hbm>>
      %dma_start3A_80 = arith.constant 0 : i32
      %dma_start3A_81 = tpu.memref_slice %arg10[%mul3A_5, %dma_start3A_80] : memref<10240x128xf32, #tpu.memory_space<vmem_shared>> -> memref<640x128xf32, #tpu.memory_space<vmem_shared>>
      tpu.enqueue_dma source(%dma_start3A_81 : memref<640x128xf32, #tpu.memory_space<vmem_shared>>) target(%dma_start3A_79 : memref<640x128xf32, #tpu.memory_space<hbm>>) target_semaphore(%run_scoped3A : memref<!tpu.dma_semaphore, #tpu.memory_space<semaphore_mem>>)
      %dma_wait3A = arith.constant 0 : i32
      %dma_wait3A_82 = tpu.memref_slice %arg5[%arg0, %mul3A_5, %dma_wait3A] : memref<2x10240x128xf32, #tpu.memory_space<hbm>> -> memref<1x640x128xf32, #tpu.memory_space<hbm>>
      %dma_wait3A_83 = tpu.memref_squeeze %dma_wait3A_82 : memref<1x640x128xf32, #tpu.memory_space<hbm>> -> memref<640x128xf32, #tpu.memory_space<hbm>>
      %dma_wait3A_84 = arith.constant 0 : i32
      %dma_wait3A_85 = tpu.memref_slice %arg10[%mul3A_5, %dma_wait3A_84] : memref<10240x128xf32, #tpu.memory_space<vmem_shared>> -> memref<640x128xf32, #tpu.memory_space<vmem_shared>>
      tpu.wait_dma2 semaphore(%run_scoped3A : memref<!tpu.dma_semaphore, #tpu.memory_space<semaphore_mem>>) src(%dma_wait3A_85 : memref<640x128xf32, #tpu.memory_space<vmem_shared>>) dst(%dma_wait3A_83 : memref<640x128xf32, #tpu.memory_space<hbm>>)
      tpu.yield
    }) : () -> ()
    return
  }
}

#map = affine_map<(d0, d1) -> (0, 0)>
#map1 = affine_map<(d0, d1) -> (0, 0, 0)>
module attributes {stable_mosaic.version = 14 : i64} {
  func.func @agg(%arg0: i32, %arg1: i32, %arg2: memref<10240x64xf32, #tpu.memory_space<hbm>>, %arg3: memref<2704x128xi32, #tpu.memory_space<hbm>>, %arg4: memref<2704x128xi32, #tpu.memory_space<hbm>>, %arg5: memref<2x10240x64xf32, #tpu.memory_space<hbm>>, %arg6: memref<144x128xi32, #tpu.memory_space<vmem>>, %arg7: memref<144x128xi32, #tpu.memory_space<vmem>>, %arg8: memref<128x64xf32, #tpu.memory_space<vmem>>, %arg9: memref<128x64xf32, #tpu.memory_space<vmem>>, %arg10: memref<10240x64xf32, #tpu.memory_space<vmem_shared>>, %arg11: memref<!tpu.dma_semaphore, #tpu.memory_space<semaphore_mem>>, %arg12: memref<!tpu.dma_semaphore, #tpu.memory_space<semaphore_mem>>) attributes {dimension_semantics = [#tpu.dimension_semantics<core_parallel>, #tpu.dimension_semantics<subcore_parallel>], iteration_bounds = array<i64: 2, 16>, scalar_prefetch = 0 : i64, scratch_operands = 7 : i64, tpu.core_type = #tpu.core_type<sc_vector_subcore>, window_params = [{transform_indices = #map}, {transform_indices = #map}, {transform_indices = #map}, {transform_indices = #map1}]} {
    %scan3A = arith.constant 0 : i32
    %scan3A_0 = arith.constant 0 : i32
    %scan3A_1 = arith.constant 512 : i32
    %scan3A_2 = arith.addi %scan3A_0, %scan3A_1 : i32
    %scan3A_3 = arith.constant 1 : i32
    scf.for %scan3A_67 = %scan3A_0 to %scan3A_2 step %scan3A_3  : i32 {
      %broadcast_in_dim3A = arith.constant 0.000000e+00 : f32
      %broadcast_in_dim3A_68 = vector.broadcast %broadcast_in_dim3A : f32 to vector<16xf32>
      %jit3A_69 = arith.constant 4 : i32
      %div3A_70 = arith.divsi %scan3A_67, %jit3A_69 : i32
      %sign3A_71 = arith.constant 0 : i32
      %sign3A_72 = arith.cmpi sgt, %scan3A_67, %sign3A_71 : i32
      %sign3A_73 = arith.extui %sign3A_72 : i1 to i32
      %sign3A_74 = arith.constant 0 : i32
      %sign3A_75 = arith.cmpi slt, %scan3A_67, %sign3A_74 : i32
      %sign3A_76 = arith.extui %sign3A_75 : i1 to i32
      %sign3A_77 = arith.subi %sign3A_73, %sign3A_76 : i32
      %sign3A_78 = arith.constant 0 : i32
      %sign3A_79 = arith.cmpi sgt, %jit3A_69, %sign3A_78 : i32
      %sign3A_80 = arith.extui %sign3A_79 : i1 to i32
      %sign3A_81 = arith.constant 0 : i32
      %sign3A_82 = arith.cmpi slt, %jit3A_69, %sign3A_81 : i32
      %sign3A_83 = arith.extui %sign3A_82 : i1 to i32
      %sign3A_84 = arith.subi %sign3A_80, %sign3A_83 : i32
      %ne3A_85 = arith.cmpi ne, %sign3A_77, %sign3A_84 : i32
      %rem3A_86 = arith.remsi %scan3A_67, %jit3A_69 : i32
      %ne3A_87 = arith.constant 0 : i32
      %ne3A_88 = arith.cmpi ne, %rem3A_86, %ne3A_87 : i32
      %and3A_89 = arith.andi %ne3A_85, %ne3A_88 : i1
      %sub3A_90 = arith.constant 1 : i32
      %sub3A_91 = arith.subi %div3A_70, %sub3A_90 : i32
      %select_n3A_92 = arith.select %and3A_89, %sub3A_91, %div3A_70 : i32
      %jit3A_93 = arith.constant 4 : i32
      %eq3A_94 = arith.constant 0 : i32
      %eq3A_95 = arith.cmpi eq, %jit3A_93, %eq3A_94 : i32
      %jit3A_96 = arith.constant 1 : i32
      %select_n3A_97 = arith.select %eq3A_95, %jit3A_96, %jit3A_93 : i32
      %rem3A_98 = arith.remsi %scan3A_67, %select_n3A_97 : i32
      %ne3A_99 = arith.constant 0 : i32
      %ne3A_100 = arith.cmpi ne, %rem3A_98, %ne3A_99 : i32
      %lt3A = arith.constant 0 : i32
      %lt3A_101 = arith.cmpi slt, %rem3A_98, %lt3A : i32
      %lt3A_102 = arith.constant 0 : i32
      %lt3A_103 = arith.cmpi slt, %select_n3A_97, %lt3A_102 : i32
      %ne3A_104 = arith.xori %lt3A_101, %lt3A_103 : i1
      %and3A_105 = arith.andi %ne3A_104, %ne3A_100 : i1
      %add3A_106 = arith.addi %rem3A_98, %select_n3A_97 : i32
      %select_n3A_107 = arith.select %and3A_105, %add3A_106, %rem3A_98 : i32
      %mul3A_108 = arith.constant 16 : i32
      %mul3A_109 = arith.muli %select_n3A_107, %mul3A_108 : i32
      %swap3A = arith.index_cast %select_n3A_92 : i32 to index
      %swap3A_110 = arith.index_cast %mul3A_109 : i32 to index
      %swap3A_111 = tpu.vector_load %arg8[%swap3A, %swap3A_110] {strides = array<i32>} : memref<128x64xf32, #tpu.memory_space<vmem>>, vector<16xf32>,
      tpu.vector_store %arg8[%swap3A, %swap3A_110], %broadcast_in_dim3A_68 {strides = array<i32>} : memref<128x64xf32, #tpu.memory_space<vmem>>, vector<16xf32>,
    }
    %scan3A_4 = arith.constant 512 : i32
    %mul3A = arith.constant 640 : i32
    %mul3A_5 = arith.muli %arg1, %mul3A : i32
    %add3A = arith.constant 0 : i32
    %add3A_6 = arith.addi %mul3A_5, %add3A : i32
    "tpu.region"() ({
      %run_scoped3A = tpu.sem_alloc : memref<!tpu.dma_semaphore, #tpu.memory_space<semaphore_mem>>
      %dma_start3A_67 = arith.constant 0 : i32
      %dma_start3A_68 = tpu.memref_slice %arg10[%add3A_6, %dma_start3A_67] : memref<10240x64xf32, #tpu.memory_space<vmem_shared>> -> memref<128x64xf32, #tpu.memory_space<vmem_shared>>
      %dma_start3A_69 = arith.constant 0 : i32
      %dma_start3A_70 = tpu.memref_slice %arg10[%add3A_6, %dma_start3A_69] : memref<10240x64xf32, #tpu.memory_space<vmem_shared>> -> memref<128x64xf32, #tpu.memory_space<vmem_shared>>
      tpu.enqueue_dma source(%arg8 : memref<128x64xf32, #tpu.memory_space<vmem>>) target(%dma_start3A_70 : memref<128x64xf32, #tpu.memory_space<vmem_shared>>) target_semaphore(%run_scoped3A : memref<!tpu.dma_semaphore, #tpu.memory_space<semaphore_mem>>)
      %dma_wait3A = arith.constant 0 : i32
      %dma_wait3A_71 = tpu.memref_slice %arg10[%add3A_6, %dma_wait3A] : memref<10240x64xf32, #tpu.memory_space<vmem_shared>> -> memref<128x64xf32, #tpu.memory_space<vmem_shared>>
      %dma_wait3A_72 = arith.constant 0 : i32
      %dma_wait3A_73 = tpu.memref_slice %arg10[%add3A_6, %dma_wait3A_72] : memref<10240x64xf32, #tpu.memory_space<vmem_shared>> -> memref<128x64xf32, #tpu.memory_space<vmem_shared>>
      tpu.wait_dma2 semaphore(%run_scoped3A : memref<!tpu.dma_semaphore, #tpu.memory_space<semaphore_mem>>) src(%arg8 : memref<128x64xf32, #tpu.memory_space<vmem>>) dst(%dma_wait3A_73 : memref<128x64xf32, #tpu.memory_space<vmem_shared>>)
      tpu.yield
    }) : () -> ()
    %add3A_7 = arith.constant 128 : i32
    %add3A_8 = arith.addi %mul3A_5, %add3A_7 : i32
    "tpu.region"() ({
      %run_scoped3A = tpu.sem_alloc : memref<!tpu.dma_semaphore, #tpu.memory_space<semaphore_mem>>
      %dma_start3A_67 = arith.constant 0 : i32
      %dma_start3A_68 = tpu.memref_slice %arg10[%add3A_8, %dma_start3A_67] : memref<10240x64xf32, #tpu.memory_space<vmem_shared>> -> memref<128x64xf32, #tpu.memory_space<vmem_shared>>
      %dma_start3A_69 = arith.constant 0 : i32
      %dma_start3A_70 = tpu.memref_slice %arg10[%add3A_8, %dma_start3A_69] : memref<10240x64xf32, #tpu.memory_space<vmem_shared>> -> memref<128x64xf32, #tpu.memory_space<vmem_shared>>
      tpu.enqueue_dma source(%arg8 : memref<128x64xf32, #tpu.memory_space<vmem>>) target(%dma_start3A_70 : memref<128x64xf32, #tpu.memory_space<vmem_shared>>) target_semaphore(%run_scoped3A : memref<!tpu.dma_semaphore, #tpu.memory_space<semaphore_mem>>)
      %dma_wait3A = arith.constant 0 : i32
      %dma_wait3A_71 = tpu.memref_slice %arg10[%add3A_8, %dma_wait3A] : memref<10240x64xf32, #tpu.memory_space<vmem_shared>> -> memref<128x64xf32, #tpu.memory_space<vmem_shared>>
      %dma_wait3A_72 = arith.constant 0 : i32
      %dma_wait3A_73 = tpu.memref_slice %arg10[%add3A_8, %dma_wait3A_72] : memref<10240x64xf32, #tpu.memory_space<vmem_shared>> -> memref<128x64xf32, #tpu.memory_space<vmem_shared>>
      tpu.wait_dma2 semaphore(%run_scoped3A : memref<!tpu.dma_semaphore, #tpu.memory_space<semaphore_mem>>) src(%arg8 : memref<128x64xf32, #tpu.memory_space<vmem>>) dst(%dma_wait3A_73 : memref<128x64xf32, #tpu.memory_space<vmem_shared>>)
      tpu.yield
    }) : () -> ()
    %add3A_9 = arith.constant 256 : i32
    %add3A_10 = arith.addi %mul3A_5, %add3A_9 : i32
    "tpu.region"() ({
      %run_scoped3A = tpu.sem_alloc : memref<!tpu.dma_semaphore, #tpu.memory_space<semaphore_mem>>
      %dma_start3A_67 = arith.constant 0 : i32
      %dma_start3A_68 = tpu.memref_slice %arg10[%add3A_10, %dma_start3A_67] : memref<10240x64xf32, #tpu.memory_space<vmem_shared>> -> memref<128x64xf32, #tpu.memory_space<vmem_shared>>
      %dma_start3A_69 = arith.constant 0 : i32
      %dma_start3A_70 = tpu.memref_slice %arg10[%add3A_10, %dma_start3A_69] : memref<10240x64xf32, #tpu.memory_space<vmem_shared>> -> memref<128x64xf32, #tpu.memory_space<vmem_shared>>
      tpu.enqueue_dma source(%arg8 : memref<128x64xf32, #tpu.memory_space<vmem>>) target(%dma_start3A_70 : memref<128x64xf32, #tpu.memory_space<vmem_shared>>) target_semaphore(%run_scoped3A : memref<!tpu.dma_semaphore, #tpu.memory_space<semaphore_mem>>)
      %dma_wait3A = arith.constant 0 : i32
      %dma_wait3A_71 = tpu.memref_slice %arg10[%add3A_10, %dma_wait3A] : memref<10240x64xf32, #tpu.memory_space<vmem_shared>> -> memref<128x64xf32, #tpu.memory_space<vmem_shared>>
      %dma_wait3A_72 = arith.constant 0 : i32
      %dma_wait3A_73 = tpu.memref_slice %arg10[%add3A_10, %dma_wait3A_72] : memref<10240x64xf32, #tpu.memory_space<vmem_shared>> -> memref<128x64xf32, #tpu.memory_space<vmem_shared>>
      tpu.wait_dma2 semaphore(%run_scoped3A : memref<!tpu.dma_semaphore, #tpu.memory_space<semaphore_mem>>) src(%arg8 : memref<128x64xf32, #tpu.memory_space<vmem>>) dst(%dma_wait3A_73 : memref<128x64xf32, #tpu.memory_space<vmem_shared>>)
      tpu.yield
    }) : () -> ()
    %add3A_11 = arith.constant 384 : i32
    %add3A_12 = arith.addi %mul3A_5, %add3A_11 : i32
    "tpu.region"() ({
      %run_scoped3A = tpu.sem_alloc : memref<!tpu.dma_semaphore, #tpu.memory_space<semaphore_mem>>
      %dma_start3A_67 = arith.constant 0 : i32
      %dma_start3A_68 = tpu.memref_slice %arg10[%add3A_12, %dma_start3A_67] : memref<10240x64xf32, #tpu.memory_space<vmem_shared>> -> memref<128x64xf32, #tpu.memory_space<vmem_shared>>
      %dma_start3A_69 = arith.constant 0 : i32
      %dma_start3A_70 = tpu.memref_slice %arg10[%add3A_12, %dma_start3A_69] : memref<10240x64xf32, #tpu.memory_space<vmem_shared>> -> memref<128x64xf32, #tpu.memory_space<vmem_shared>>
      tpu.enqueue_dma source(%arg8 : memref<128x64xf32, #tpu.memory_space<vmem>>) target(%dma_start3A_70 : memref<128x64xf32, #tpu.memory_space<vmem_shared>>) target_semaphore(%run_scoped3A : memref<!tpu.dma_semaphore, #tpu.memory_space<semaphore_mem>>)
      %dma_wait3A = arith.constant 0 : i32
      %dma_wait3A_71 = tpu.memref_slice %arg10[%add3A_12, %dma_wait3A] : memref<10240x64xf32, #tpu.memory_space<vmem_shared>> -> memref<128x64xf32, #tpu.memory_space<vmem_shared>>
      %dma_wait3A_72 = arith.constant 0 : i32
      %dma_wait3A_73 = tpu.memref_slice %arg10[%add3A_12, %dma_wait3A_72] : memref<10240x64xf32, #tpu.memory_space<vmem_shared>> -> memref<128x64xf32, #tpu.memory_space<vmem_shared>>
      tpu.wait_dma2 semaphore(%run_scoped3A : memref<!tpu.dma_semaphore, #tpu.memory_space<semaphore_mem>>) src(%arg8 : memref<128x64xf32, #tpu.memory_space<vmem>>) dst(%dma_wait3A_73 : memref<128x64xf32, #tpu.memory_space<vmem_shared>>)
      tpu.yield
    }) : () -> ()
    %add3A_13 = arith.constant 512 : i32
    %add3A_14 = arith.addi %mul3A_5, %add3A_13 : i32
    "tpu.region"() ({
      %run_scoped3A = tpu.sem_alloc : memref<!tpu.dma_semaphore, #tpu.memory_space<semaphore_mem>>
      %dma_start3A_67 = arith.constant 0 : i32
      %dma_start3A_68 = tpu.memref_slice %arg10[%add3A_14, %dma_start3A_67] : memref<10240x64xf32, #tpu.memory_space<vmem_shared>> -> memref<128x64xf32, #tpu.memory_space<vmem_shared>>
      %dma_start3A_69 = arith.constant 0 : i32
      %dma_start3A_70 = tpu.memref_slice %arg10[%add3A_14, %dma_start3A_69] : memref<10240x64xf32, #tpu.memory_space<vmem_shared>> -> memref<128x64xf32, #tpu.memory_space<vmem_shared>>
      tpu.enqueue_dma source(%arg8 : memref<128x64xf32, #tpu.memory_space<vmem>>) target(%dma_start3A_70 : memref<128x64xf32, #tpu.memory_space<vmem_shared>>) target_semaphore(%run_scoped3A : memref<!tpu.dma_semaphore, #tpu.memory_space<semaphore_mem>>)
      %dma_wait3A = arith.constant 0 : i32
      %dma_wait3A_71 = tpu.memref_slice %arg10[%add3A_14, %dma_wait3A] : memref<10240x64xf32, #tpu.memory_space<vmem_shared>> -> memref<128x64xf32, #tpu.memory_space<vmem_shared>>
      %dma_wait3A_72 = arith.constant 0 : i32
      %dma_wait3A_73 = tpu.memref_slice %arg10[%add3A_14, %dma_wait3A_72] : memref<10240x64xf32, #tpu.memory_space<vmem_shared>> -> memref<128x64xf32, #tpu.memory_space<vmem_shared>>
      tpu.wait_dma2 semaphore(%run_scoped3A : memref<!tpu.dma_semaphore, #tpu.memory_space<semaphore_mem>>) src(%arg8 : memref<128x64xf32, #tpu.memory_space<vmem>>) dst(%dma_wait3A_73 : memref<128x64xf32, #tpu.memory_space<vmem_shared>>)
      tpu.yield
    }) : () -> ()
    %eq3A = arith.constant 0 : i32
    %eq3A_15 = arith.cmpi eq, %arg0, %eq3A : i32
    %mul3A_16 = arith.constant 144 : i32
    %mul3A_17 = arith.muli %arg1, %mul3A_16 : i32
    %mul3A_18 = arith.constant 16 : i32
    %mul3A_19 = arith.muli %arg1, %mul3A_18 : i32
    %add3A_20 = arith.constant 2304 : i32
    %add3A_21 = arith.addi %add3A_20, %mul3A_19 : i32
    %select_n3A = arith.select %eq3A_15, %mul3A_17, %add3A_21 : i32
    %eq3A_22 = arith.constant 0 : i32
    %eq3A_23 = arith.cmpi eq, %arg0, %eq3A_22 : i32
    %jit3A = arith.constant 144 : i32
    %jit3A_24 = arith.constant 16 : i32
    %select_n3A_25 = arith.select %eq3A_23, %jit3A, %jit3A_24 : i32
    "tpu.region"() ({
      %run_scoped3A = tpu.sem_alloc : memref<!tpu.dma_semaphore, #tpu.memory_space<semaphore_mem>>
      %dma_start3A_67 = arith.constant 0 : i32
      %dma_start3A_68 = tpu.memref_slice %arg3[%select_n3A, %dma_start3A_67] : memref<2704x128xi32, #tpu.memory_space<hbm>> -> memref<144x128xi32, #tpu.memory_space<hbm>>
      %dma_start3A_69 = arith.constant 0 : i32
      %dma_start3A_70 = tpu.memref_slice %arg3[%select_n3A, %dma_start3A_69] : memref<2704x128xi32, #tpu.memory_space<hbm>> -> memref<144x128xi32, #tpu.memory_space<hbm>>
      tpu.enqueue_dma source(%dma_start3A_70 : memref<144x128xi32, #tpu.memory_space<hbm>>) target(%arg6 : memref<144x128xi32, #tpu.memory_space<vmem>>) target_semaphore(%run_scoped3A : memref<!tpu.dma_semaphore, #tpu.memory_space<semaphore_mem>>)
      %dma_wait3A = arith.constant 0 : i32
      %dma_wait3A_71 = tpu.memref_slice %arg3[%select_n3A, %dma_wait3A] : memref<2704x128xi32, #tpu.memory_space<hbm>> -> memref<144x128xi32, #tpu.memory_space<hbm>>
      %dma_wait3A_72 = arith.constant 0 : i32
      %dma_wait3A_73 = tpu.memref_slice %arg3[%select_n3A, %dma_wait3A_72] : memref<2704x128xi32, #tpu.memory_space<hbm>> -> memref<144x128xi32, #tpu.memory_space<hbm>>
      tpu.wait_dma2 semaphore(%run_scoped3A : memref<!tpu.dma_semaphore, #tpu.memory_space<semaphore_mem>>) src(%dma_wait3A_73 : memref<144x128xi32, #tpu.memory_space<hbm>>) dst(%arg6 : memref<144x128xi32, #tpu.memory_space<vmem>>)
      tpu.yield
    }) : () -> ()
    "tpu.region"() ({
      %run_scoped3A = tpu.sem_alloc : memref<!tpu.dma_semaphore, #tpu.memory_space<semaphore_mem>>
      %dma_start3A_67 = arith.constant 0 : i32
      %dma_start3A_68 = tpu.memref_slice %arg4[%select_n3A, %dma_start3A_67] : memref<2704x128xi32, #tpu.memory_space<hbm>> -> memref<144x128xi32, #tpu.memory_space<hbm>>
      %dma_start3A_69 = arith.constant 0 : i32
      %dma_start3A_70 = tpu.memref_slice %arg4[%select_n3A, %dma_start3A_69] : memref<2704x128xi32, #tpu.memory_space<hbm>> -> memref<144x128xi32, #tpu.memory_space<hbm>>
      tpu.enqueue_dma source(%dma_start3A_70 : memref<144x128xi32, #tpu.memory_space<hbm>>) target(%arg7 : memref<144x128xi32, #tpu.memory_space<vmem>>) target_semaphore(%run_scoped3A : memref<!tpu.dma_semaphore, #tpu.memory_space<semaphore_mem>>)
      %dma_wait3A = arith.constant 0 : i32
      %dma_wait3A_71 = tpu.memref_slice %arg4[%select_n3A, %dma_wait3A] : memref<2704x128xi32, #tpu.memory_space<hbm>> -> memref<144x128xi32, #tpu.memory_space<hbm>>
      %dma_wait3A_72 = arith.constant 0 : i32
      %dma_wait3A_73 = tpu.memref_slice %arg4[%select_n3A, %dma_wait3A_72] : memref<2704x128xi32, #tpu.memory_space<hbm>> -> memref<144x128xi32, #tpu.memory_space<hbm>>
      tpu.wait_dma2 semaphore(%run_scoped3A : memref<!tpu.dma_semaphore, #tpu.memory_space<semaphore_mem>>) src(%dma_wait3A_73 : memref<144x128xi32, #tpu.memory_space<hbm>>) dst(%arg7 : memref<144x128xi32, #tpu.memory_space<vmem>>)
      tpu.yield
    }) : () -> ()
    %barrier3A = arith.constant 0 : index
    tpu.barrier barrier_id(%barrier3A)
    %dma_start3A = arith.constant 0 : i32
    %dma_start3A_26 = arith.constant 0 : i32
    %dma_start3A_27 = tpu.memref_slice %arg6[%dma_start3A, %dma_start3A_26] : memref<144x128xi32, #tpu.memory_space<vmem>> -> memref<1x128xi32, #tpu.memory_space<vmem>>
    %dma_start3A_28 = tpu.memref_squeeze %dma_start3A_27 : memref<1x128xi32, #tpu.memory_space<vmem>> -> memref<128xi32, #tpu.memory_space<vmem>>
    %dma_start3A_29 = arith.constant 0 : i32
    %dma_start3A_30 = arith.constant 0 : i32
    %dma_start3A_31 = tpu.memref_slice %arg2[%dma_start3A_29, %dma_start3A_30] : memref<10240x64xf32, #tpu.memory_space<hbm>> -> memref<10240x64xf32, #tpu.memory_space<hbm>>
    tpu.enqueue_indirect_dma source(%dma_start3A_31 : memref<10240x64xf32, #tpu.memory_space<hbm>>) target(%arg8 : memref<128x64xf32, #tpu.memory_space<vmem>>) offsets(%dma_start3A_28 : memref<128xi32, #tpu.memory_space<vmem>>) semaphore(%arg11 : memref<!tpu.dma_semaphore, #tpu.memory_space<semaphore_mem>>)
    %dma_start3A_32 = arith.constant 1 : i32
    %dma_start3A_33 = arith.constant 0 : i32
    %dma_start3A_34 = tpu.memref_slice %arg6[%dma_start3A_32, %dma_start3A_33] : memref<144x128xi32, #tpu.memory_space<vmem>> -> memref<1x128xi32, #tpu.memory_space<vmem>>
    %dma_start3A_35 = tpu.memref_squeeze %dma_start3A_34 : memref<1x128xi32, #tpu.memory_space<vmem>> -> memref<128xi32, #tpu.memory_space<vmem>>
    %dma_start3A_36 = arith.constant 0 : i32
    %dma_start3A_37 = arith.constant 0 : i32
    %dma_start3A_38 = tpu.memref_slice %arg2[%dma_start3A_36, %dma_start3A_37] : memref<10240x64xf32, #tpu.memory_space<hbm>> -> memref<10240x64xf32, #tpu.memory_space<hbm>>
    tpu.enqueue_indirect_dma source(%dma_start3A_38 : memref<10240x64xf32, #tpu.memory_space<hbm>>) target(%arg9 : memref<128x64xf32, #tpu.memory_space<vmem>>) offsets(%dma_start3A_35 : memref<128xi32, #tpu.memory_space<vmem>>) semaphore(%arg12 : memref<!tpu.dma_semaphore, #tpu.memory_space<semaphore_mem>>)
    %jit3A_39 = arith.constant 2 : i32
    %div3A = arith.divsi %select_n3A_25, %jit3A_39 : i32
    %sign3A = arith.constant 0 : i32
    %sign3A_40 = arith.cmpi sgt, %select_n3A_25, %sign3A : i32
    %sign3A_41 = arith.extui %sign3A_40 : i1 to i32
    %sign3A_42 = arith.constant 0 : i32
    %sign3A_43 = arith.cmpi slt, %select_n3A_25, %sign3A_42 : i32
    %sign3A_44 = arith.extui %sign3A_43 : i1 to i32
    %sign3A_45 = arith.subi %sign3A_41, %sign3A_44 : i32
    %sign3A_46 = arith.constant 0 : i32
    %sign3A_47 = arith.cmpi sgt, %jit3A_39, %sign3A_46 : i32
    %sign3A_48 = arith.extui %sign3A_47 : i1 to i32
    %sign3A_49 = arith.constant 0 : i32
    %sign3A_50 = arith.cmpi slt, %jit3A_39, %sign3A_49 : i32
    %sign3A_51 = arith.extui %sign3A_50 : i1 to i32
    %sign3A_52 = arith.subi %sign3A_48, %sign3A_51 : i32
    %ne3A = arith.cmpi ne, %sign3A_45, %sign3A_52 : i32
    %rem3A = arith.remsi %select_n3A_25, %jit3A_39 : i32
    %ne3A_53 = arith.constant 0 : i32
    %ne3A_54 = arith.cmpi ne, %rem3A, %ne3A_53 : i32
    %and3A = arith.andi %ne3A, %ne3A_54 : i1
    %sub3A = arith.constant 1 : i32
    %sub3A_55 = arith.subi %div3A, %sub3A : i32
    %select_n3A_56 = arith.select %and3A, %sub3A_55, %div3A : i32
    %while3A = arith.constant 0 : i32
    %while3A_57 = arith.constant 0 : i32
    %while3A_58 = arith.subi %select_n3A_56, %while3A_57 : i32
    %while3A_59 = arith.addi %while3A_57, %while3A_58 : i32
    %while3A_60 = arith.constant 1 : i32
    %while3A_61 = arith.divsi %while3A_58, %while3A_60 : i32
    %while3A_62 = arith.muli %while3A_61, %while3A_60 : i32
    %while3A_63 = arith.addi %while3A_57, %while3A_62 : i32
    %while3A_64 = arith.constant 1 : i32
    scf.for %while3A_67 = %while3A_57 to %while3A_63 step %while3A_64  : i32 {
      %mul3A_68 = arith.constant 2 : i32
      %mul3A_69 = arith.muli %mul3A_68, %while3A_67 : i32
      %add3A_70 = arith.constant 0 : i32
      %add3A_71 = arith.addi %mul3A_69, %add3A_70 : i32
      %dma_wait3A = arith.constant 0 : i32
      %dma_wait3A_72 = arith.constant 0 : i32
      %dma_wait3A_73 = tpu.memref_slice %arg6[%dma_wait3A, %dma_wait3A_72] : memref<144x128xi32, #tpu.memory_space<vmem>> -> memref<1x128xi32, #tpu.memory_space<vmem>>
      %dma_wait3A_74 = tpu.memref_squeeze %dma_wait3A_73 : memref<1x128xi32, #tpu.memory_space<vmem>> -> memref<128xi32, #tpu.memory_space<vmem>>
      %dma_wait3A_75 = arith.constant 0 : i32
      %dma_wait3A_76 = arith.constant 0 : i32
      %dma_wait3A_77 = tpu.memref_slice %arg2[%dma_wait3A_75, %dma_wait3A_76] : memref<10240x64xf32, #tpu.memory_space<hbm>> -> memref<10240x64xf32, #tpu.memory_space<hbm>>
      tpu.wait_indirect_dma semaphore(%arg11 : memref<!tpu.dma_semaphore, #tpu.memory_space<semaphore_mem>>) src(%dma_wait3A_77 : memref<10240x64xf32, #tpu.memory_space<hbm>>) dst(%arg8 : memref<128x64xf32, #tpu.memory_space<vmem>>)
      "tpu.region"() ({
        %run_scoped3A = tpu.sem_alloc : memref<!tpu.dma_semaphore, #tpu.memory_space<semaphore_mem>>
        %dma_start3A_98 = arith.constant 0 : i32
        %dma_start3A_99 = tpu.memref_slice %arg7[%add3A_71, %dma_start3A_98] : memref<144x128xi32, #tpu.memory_space<vmem>> -> memref<1x128xi32, #tpu.memory_space<vmem>>
        %dma_start3A_100 = tpu.memref_squeeze %dma_start3A_99 : memref<1x128xi32, #tpu.memory_space<vmem>> -> memref<128xi32, #tpu.memory_space<vmem>>
        %dma_start3A_101 = arith.constant 0 : i32
        %dma_start3A_102 = arith.constant 0 : i32
        %dma_start3A_103 = tpu.memref_slice %arg10[%dma_start3A_101, %dma_start3A_102] : memref<10240x64xf32, #tpu.memory_space<vmem_shared>> -> memref<10240x64xf32, #tpu.memory_space<vmem_shared>>
        tpu.enqueue_indirect_dma source(%arg8 : memref<128x64xf32, #tpu.memory_space<vmem>>) target(%dma_start3A_103 : memref<10240x64xf32, #tpu.memory_space<vmem_shared>>) offsets(%dma_start3A_100 : memref<128xi32, #tpu.memory_space<vmem>>) semaphore(%run_scoped3A : memref<!tpu.dma_semaphore, #tpu.memory_space<semaphore_mem>>) {add = true}
        %dma_wait3A_104 = arith.constant 0 : i32
        %dma_wait3A_105 = tpu.memref_slice %arg7[%add3A_71, %dma_wait3A_104] : memref<144x128xi32, #tpu.memory_space<vmem>> -> memref<1x128xi32, #tpu.memory_space<vmem>>
        %dma_wait3A_106 = tpu.memref_squeeze %dma_wait3A_105 : memref<1x128xi32, #tpu.memory_space<vmem>> -> memref<128xi32, #tpu.memory_space<vmem>>
        %dma_wait3A_107 = arith.constant 0 : i32
        %dma_wait3A_108 = arith.constant 0 : i32
        %dma_wait3A_109 = tpu.memref_slice %arg10[%dma_wait3A_107, %dma_wait3A_108] : memref<10240x64xf32, #tpu.memory_space<vmem_shared>> -> memref<10240x64xf32, #tpu.memory_space<vmem_shared>>
        tpu.wait_indirect_dma semaphore(%run_scoped3A : memref<!tpu.dma_semaphore, #tpu.memory_space<semaphore_mem>>) src(%arg8 : memref<128x64xf32, #tpu.memory_space<vmem>>) dst(%dma_wait3A_109 : memref<10240x64xf32, #tpu.memory_space<vmem_shared>>)
        tpu.yield
      }) : () -> ()
      %add3A_78 = arith.constant 2 : i32
      %add3A_79 = arith.addi %add3A_71, %add3A_78 : i32
      %lt3A = arith.cmpi slt, %add3A_79, %select_n3A_25 : i32
      %convert_element_type3A = arith.extui %lt3A : i1 to i32
      %cond3A = arith.constant 0 : i32
      %cond3A_80 = arith.cmpi ne, %convert_element_type3A, %cond3A : i32
      scf.if %cond3A_80 {
        %dma_start3A_98 = arith.constant 0 : i32
        %dma_start3A_99 = tpu.memref_slice %arg6[%add3A_79, %dma_start3A_98] : memref<144x128xi32, #tpu.memory_space<vmem>> -> memref<1x128xi32, #tpu.memory_space<vmem>>
        %dma_start3A_100 = tpu.memref_squeeze %dma_start3A_99 : memref<1x128xi32, #tpu.memory_space<vmem>> -> memref<128xi32, #tpu.memory_space<vmem>>
        %dma_start3A_101 = arith.constant 0 : i32
        %dma_start3A_102 = arith.constant 0 : i32
        %dma_start3A_103 = tpu.memref_slice %arg2[%dma_start3A_101, %dma_start3A_102] : memref<10240x64xf32, #tpu.memory_space<hbm>> -> memref<10240x64xf32, #tpu.memory_space<hbm>>
        tpu.enqueue_indirect_dma source(%dma_start3A_103 : memref<10240x64xf32, #tpu.memory_space<hbm>>) target(%arg8 : memref<128x64xf32, #tpu.memory_space<vmem>>) offsets(%dma_start3A_100 : memref<128xi32, #tpu.memory_space<vmem>>) semaphore(%arg11 : memref<!tpu.dma_semaphore, #tpu.memory_space<semaphore_mem>>)
      } else {
      }
      %mul3A_81 = arith.constant 2 : i32
      %mul3A_82 = arith.muli %mul3A_81, %while3A_67 : i32
      %add3A_83 = arith.constant 1 : i32
      %add3A_84 = arith.addi %mul3A_82, %add3A_83 : i32
      %dma_wait3A_85 = arith.constant 1 : i32
      %dma_wait3A_86 = arith.constant 0 : i32
      %dma_wait3A_87 = tpu.memref_slice %arg6[%dma_wait3A_85, %dma_wait3A_86] : memref<144x128xi32, #tpu.memory_space<vmem>> -> memref<1x128xi32, #tpu.memory_space<vmem>>
      %dma_wait3A_88 = tpu.memref_squeeze %dma_wait3A_87 : memref<1x128xi32, #tpu.memory_space<vmem>> -> memref<128xi32, #tpu.memory_space<vmem>>
      %dma_wait3A_89 = arith.constant 0 : i32
      %dma_wait3A_90 = arith.constant 0 : i32
      %dma_wait3A_91 = tpu.memref_slice %arg2[%dma_wait3A_89, %dma_wait3A_90] : memref<10240x64xf32, #tpu.memory_space<hbm>> -> memref<10240x64xf32, #tpu.memory_space<hbm>>
      tpu.wait_indirect_dma semaphore(%arg12 : memref<!tpu.dma_semaphore, #tpu.memory_space<semaphore_mem>>) src(%dma_wait3A_91 : memref<10240x64xf32, #tpu.memory_space<hbm>>) dst(%arg9 : memref<128x64xf32, #tpu.memory_space<vmem>>)
      "tpu.region"() ({
        %run_scoped3A = tpu.sem_alloc : memref<!tpu.dma_semaphore, #tpu.memory_space<semaphore_mem>>
        %dma_start3A_98 = arith.constant 0 : i32
        %dma_start3A_99 = tpu.memref_slice %arg7[%add3A_84, %dma_start3A_98] : memref<144x128xi32, #tpu.memory_space<vmem>> -> memref<1x128xi32, #tpu.memory_space<vmem>>
        %dma_start3A_100 = tpu.memref_squeeze %dma_start3A_99 : memref<1x128xi32, #tpu.memory_space<vmem>> -> memref<128xi32, #tpu.memory_space<vmem>>
        %dma_start3A_101 = arith.constant 0 : i32
        %dma_start3A_102 = arith.constant 0 : i32
        %dma_start3A_103 = tpu.memref_slice %arg10[%dma_start3A_101, %dma_start3A_102] : memref<10240x64xf32, #tpu.memory_space<vmem_shared>> -> memref<10240x64xf32, #tpu.memory_space<vmem_shared>>
        tpu.enqueue_indirect_dma source(%arg9 : memref<128x64xf32, #tpu.memory_space<vmem>>) target(%dma_start3A_103 : memref<10240x64xf32, #tpu.memory_space<vmem_shared>>) offsets(%dma_start3A_100 : memref<128xi32, #tpu.memory_space<vmem>>) semaphore(%run_scoped3A : memref<!tpu.dma_semaphore, #tpu.memory_space<semaphore_mem>>) {add = true}
        %dma_wait3A_104 = arith.constant 0 : i32
        %dma_wait3A_105 = tpu.memref_slice %arg7[%add3A_84, %dma_wait3A_104] : memref<144x128xi32, #tpu.memory_space<vmem>> -> memref<1x128xi32, #tpu.memory_space<vmem>>
        %dma_wait3A_106 = tpu.memref_squeeze %dma_wait3A_105 : memref<1x128xi32, #tpu.memory_space<vmem>> -> memref<128xi32, #tpu.memory_space<vmem>>
        %dma_wait3A_107 = arith.constant 0 : i32
        %dma_wait3A_108 = arith.constant 0 : i32
        %dma_wait3A_109 = tpu.memref_slice %arg10[%dma_wait3A_107, %dma_wait3A_108] : memref<10240x64xf32, #tpu.memory_space<vmem_shared>> -> memref<10240x64xf32, #tpu.memory_space<vmem_shared>>
        tpu.wait_indirect_dma semaphore(%run_scoped3A : memref<!tpu.dma_semaphore, #tpu.memory_space<semaphore_mem>>) src(%arg9 : memref<128x64xf32, #tpu.memory_space<vmem>>) dst(%dma_wait3A_109 : memref<10240x64xf32, #tpu.memory_space<vmem_shared>>)
        tpu.yield
      }) : () -> ()
      %add3A_92 = arith.constant 2 : i32
      %add3A_93 = arith.addi %add3A_84, %add3A_92 : i32
      %lt3A_94 = arith.cmpi slt, %add3A_93, %select_n3A_25 : i32
      %convert_element_type3A_95 = arith.extui %lt3A_94 : i1 to i32
      %cond3A_96 = arith.constant 0 : i32
      %cond3A_97 = arith.cmpi ne, %convert_element_type3A_95, %cond3A_96 : i32
      scf.if %cond3A_97 {
        %dma_start3A_98 = arith.constant 0 : i32
        %dma_start3A_99 = tpu.memref_slice %arg6[%add3A_93, %dma_start3A_98] : memref<144x128xi32, #tpu.memory_space<vmem>> -> memref<1x128xi32, #tpu.memory_space<vmem>>
        %dma_start3A_100 = tpu.memref_squeeze %dma_start3A_99 : memref<1x128xi32, #tpu.memory_space<vmem>> -> memref<128xi32, #tpu.memory_space<vmem>>
        %dma_start3A_101 = arith.constant 0 : i32
        %dma_start3A_102 = arith.constant 0 : i32
        %dma_start3A_103 = tpu.memref_slice %arg2[%dma_start3A_101, %dma_start3A_102] : memref<10240x64xf32, #tpu.memory_space<hbm>> -> memref<10240x64xf32, #tpu.memory_space<hbm>>
        tpu.enqueue_indirect_dma source(%dma_start3A_103 : memref<10240x64xf32, #tpu.memory_space<hbm>>) target(%arg9 : memref<128x64xf32, #tpu.memory_space<vmem>>) offsets(%dma_start3A_100 : memref<128xi32, #tpu.memory_space<vmem>>) semaphore(%arg12 : memref<!tpu.dma_semaphore, #tpu.memory_space<semaphore_mem>>)
      } else {
      }
    }
    %while3A_65 = arith.constant 1 : i32
    scf.for %while3A_67 = %while3A_63 to %while3A_59 step %while3A_65  : i32 {
      %mul3A_68 = arith.constant 2 : i32
      %mul3A_69 = arith.muli %mul3A_68, %while3A_67 : i32
      %add3A_70 = arith.constant 0 : i32
      %add3A_71 = arith.addi %mul3A_69, %add3A_70 : i32
      %dma_wait3A = arith.constant 0 : i32
      %dma_wait3A_72 = arith.constant 0 : i32
      %dma_wait3A_73 = tpu.memref_slice %arg6[%dma_wait3A, %dma_wait3A_72] : memref<144x128xi32, #tpu.memory_space<vmem>> -> memref<1x128xi32, #tpu.memory_space<vmem>>
      %dma_wait3A_74 = tpu.memref_squeeze %dma_wait3A_73 : memref<1x128xi32, #tpu.memory_space<vmem>> -> memref<128xi32, #tpu.memory_space<vmem>>
      %dma_wait3A_75 = arith.constant 0 : i32
      %dma_wait3A_76 = arith.constant 0 : i32
      %dma_wait3A_77 = tpu.memref_slice %arg2[%dma_wait3A_75, %dma_wait3A_76] : memref<10240x64xf32, #tpu.memory_space<hbm>> -> memref<10240x64xf32, #tpu.memory_space<hbm>>
      tpu.wait_indirect_dma semaphore(%arg11 : memref<!tpu.dma_semaphore, #tpu.memory_space<semaphore_mem>>) src(%dma_wait3A_77 : memref<10240x64xf32, #tpu.memory_space<hbm>>) dst(%arg8 : memref<128x64xf32, #tpu.memory_space<vmem>>)
      "tpu.region"() ({
        %run_scoped3A = tpu.sem_alloc : memref<!tpu.dma_semaphore, #tpu.memory_space<semaphore_mem>>
        %dma_start3A_98 = arith.constant 0 : i32
        %dma_start3A_99 = tpu.memref_slice %arg7[%add3A_71, %dma_start3A_98] : memref<144x128xi32, #tpu.memory_space<vmem>> -> memref<1x128xi32, #tpu.memory_space<vmem>>
        %dma_start3A_100 = tpu.memref_squeeze %dma_start3A_99 : memref<1x128xi32, #tpu.memory_space<vmem>> -> memref<128xi32, #tpu.memory_space<vmem>>
        %dma_start3A_101 = arith.constant 0 : i32
        %dma_start3A_102 = arith.constant 0 : i32
        %dma_start3A_103 = tpu.memref_slice %arg10[%dma_start3A_101, %dma_start3A_102] : memref<10240x64xf32, #tpu.memory_space<vmem_shared>> -> memref<10240x64xf32, #tpu.memory_space<vmem_shared>>
        tpu.enqueue_indirect_dma source(%arg8 : memref<128x64xf32, #tpu.memory_space<vmem>>) target(%dma_start3A_103 : memref<10240x64xf32, #tpu.memory_space<vmem_shared>>) offsets(%dma_start3A_100 : memref<128xi32, #tpu.memory_space<vmem>>) semaphore(%run_scoped3A : memref<!tpu.dma_semaphore, #tpu.memory_space<semaphore_mem>>) {add = true}
        %dma_wait3A_104 = arith.constant 0 : i32
        %dma_wait3A_105 = tpu.memref_slice %arg7[%add3A_71, %dma_wait3A_104] : memref<144x128xi32, #tpu.memory_space<vmem>> -> memref<1x128xi32, #tpu.memory_space<vmem>>
        %dma_wait3A_106 = tpu.memref_squeeze %dma_wait3A_105 : memref<1x128xi32, #tpu.memory_space<vmem>> -> memref<128xi32, #tpu.memory_space<vmem>>
        %dma_wait3A_107 = arith.constant 0 : i32
        %dma_wait3A_108 = arith.constant 0 : i32
        %dma_wait3A_109 = tpu.memref_slice %arg10[%dma_wait3A_107, %dma_wait3A_108] : memref<10240x64xf32, #tpu.memory_space<vmem_shared>> -> memref<10240x64xf32, #tpu.memory_space<vmem_shared>>
        tpu.wait_indirect_dma semaphore(%run_scoped3A : memref<!tpu.dma_semaphore, #tpu.memory_space<semaphore_mem>>) src(%arg8 : memref<128x64xf32, #tpu.memory_space<vmem>>) dst(%dma_wait3A_109 : memref<10240x64xf32, #tpu.memory_space<vmem_shared>>)
        tpu.yield
      }) : () -> ()
      %add3A_78 = arith.constant 2 : i32
      %add3A_79 = arith.addi %add3A_71, %add3A_78 : i32
      %lt3A = arith.cmpi slt, %add3A_79, %select_n3A_25 : i32
      %convert_element_type3A = arith.extui %lt3A : i1 to i32
      %cond3A = arith.constant 0 : i32
      %cond3A_80 = arith.cmpi ne, %convert_element_type3A, %cond3A : i32
      scf.if %cond3A_80 {
        %dma_start3A_98 = arith.constant 0 : i32
        %dma_start3A_99 = tpu.memref_slice %arg6[%add3A_79, %dma_start3A_98] : memref<144x128xi32, #tpu.memory_space<vmem>> -> memref<1x128xi32, #tpu.memory_space<vmem>>
        %dma_start3A_100 = tpu.memref_squeeze %dma_start3A_99 : memref<1x128xi32, #tpu.memory_space<vmem>> -> memref<128xi32, #tpu.memory_space<vmem>>
        %dma_start3A_101 = arith.constant 0 : i32
        %dma_start3A_102 = arith.constant 0 : i32
        %dma_start3A_103 = tpu.memref_slice %arg2[%dma_start3A_101, %dma_start3A_102] : memref<10240x64xf32, #tpu.memory_space<hbm>> -> memref<10240x64xf32, #tpu.memory_space<hbm>>
        tpu.enqueue_indirect_dma source(%dma_start3A_103 : memref<10240x64xf32, #tpu.memory_space<hbm>>) target(%arg8 : memref<128x64xf32, #tpu.memory_space<vmem>>) offsets(%dma_start3A_100 : memref<128xi32, #tpu.memory_space<vmem>>) semaphore(%arg11 : memref<!tpu.dma_semaphore, #tpu.memory_space<semaphore_mem>>)
      } else {
      }
      %mul3A_81 = arith.constant 2 : i32
      %mul3A_82 = arith.muli %mul3A_81, %while3A_67 : i32
      %add3A_83 = arith.constant 1 : i32
      %add3A_84 = arith.addi %mul3A_82, %add3A_83 : i32
      %dma_wait3A_85 = arith.constant 1 : i32
      %dma_wait3A_86 = arith.constant 0 : i32
      %dma_wait3A_87 = tpu.memref_slice %arg6[%dma_wait3A_85, %dma_wait3A_86] : memref<144x128xi32, #tpu.memory_space<vmem>> -> memref<1x128xi32, #tpu.memory_space<vmem>>
      %dma_wait3A_88 = tpu.memref_squeeze %dma_wait3A_87 : memref<1x128xi32, #tpu.memory_space<vmem>> -> memref<128xi32, #tpu.memory_space<vmem>>
      %dma_wait3A_89 = arith.constant 0 : i32
      %dma_wait3A_90 = arith.constant 0 : i32
      %dma_wait3A_91 = tpu.memref_slice %arg2[%dma_wait3A_89, %dma_wait3A_90] : memref<10240x64xf32, #tpu.memory_space<hbm>> -> memref<10240x64xf32, #tpu.memory_space<hbm>>
      tpu.wait_indirect_dma semaphore(%arg12 : memref<!tpu.dma_semaphore, #tpu.memory_space<semaphore_mem>>) src(%dma_wait3A_91 : memref<10240x64xf32, #tpu.memory_space<hbm>>) dst(%arg9 : memref<128x64xf32, #tpu.memory_space<vmem>>)
      "tpu.region"() ({
        %run_scoped3A = tpu.sem_alloc : memref<!tpu.dma_semaphore, #tpu.memory_space<semaphore_mem>>
        %dma_start3A_98 = arith.constant 0 : i32
        %dma_start3A_99 = tpu.memref_slice %arg7[%add3A_84, %dma_start3A_98] : memref<144x128xi32, #tpu.memory_space<vmem>> -> memref<1x128xi32, #tpu.memory_space<vmem>>
        %dma_start3A_100 = tpu.memref_squeeze %dma_start3A_99 : memref<1x128xi32, #tpu.memory_space<vmem>> -> memref<128xi32, #tpu.memory_space<vmem>>
        %dma_start3A_101 = arith.constant 0 : i32
        %dma_start3A_102 = arith.constant 0 : i32
        %dma_start3A_103 = tpu.memref_slice %arg10[%dma_start3A_101, %dma_start3A_102] : memref<10240x64xf32, #tpu.memory_space<vmem_shared>> -> memref<10240x64xf32, #tpu.memory_space<vmem_shared>>
        tpu.enqueue_indirect_dma source(%arg9 : memref<128x64xf32, #tpu.memory_space<vmem>>) target(%dma_start3A_103 : memref<10240x64xf32, #tpu.memory_space<vmem_shared>>) offsets(%dma_start3A_100 : memref<128xi32, #tpu.memory_space<vmem>>) semaphore(%run_scoped3A : memref<!tpu.dma_semaphore, #tpu.memory_space<semaphore_mem>>) {add = true}
        %dma_wait3A_104 = arith.constant 0 : i32
        %dma_wait3A_105 = tpu.memref_slice %arg7[%add3A_84, %dma_wait3A_104] : memref<144x128xi32, #tpu.memory_space<vmem>> -> memref<1x128xi32, #tpu.memory_space<vmem>>
        %dma_wait3A_106 = tpu.memref_squeeze %dma_wait3A_105 : memref<1x128xi32, #tpu.memory_space<vmem>> -> memref<128xi32, #tpu.memory_space<vmem>>
        %dma_wait3A_107 = arith.constant 0 : i32
        %dma_wait3A_108 = arith.constant 0 : i32
        %dma_wait3A_109 = tpu.memref_slice %arg10[%dma_wait3A_107, %dma_wait3A_108] : memref<10240x64xf32, #tpu.memory_space<vmem_shared>> -> memref<10240x64xf32, #tpu.memory_space<vmem_shared>>
        tpu.wait_indirect_dma semaphore(%run_scoped3A : memref<!tpu.dma_semaphore, #tpu.memory_space<semaphore_mem>>) src(%arg9 : memref<128x64xf32, #tpu.memory_space<vmem>>) dst(%dma_wait3A_109 : memref<10240x64xf32, #tpu.memory_space<vmem_shared>>)
        tpu.yield
      }) : () -> ()
      %add3A_92 = arith.constant 2 : i32
      %add3A_93 = arith.addi %add3A_84, %add3A_92 : i32
      %lt3A_94 = arith.cmpi slt, %add3A_93, %select_n3A_25 : i32
      %convert_element_type3A_95 = arith.extui %lt3A_94 : i1 to i32
      %cond3A_96 = arith.constant 0 : i32
      %cond3A_97 = arith.cmpi ne, %convert_element_type3A_95, %cond3A_96 : i32
      scf.if %cond3A_97 {
        %dma_start3A_98 = arith.constant 0 : i32
        %dma_start3A_99 = tpu.memref_slice %arg6[%add3A_93, %dma_start3A_98] : memref<144x128xi32, #tpu.memory_space<vmem>> -> memref<1x128xi32, #tpu.memory_space<vmem>>
        %dma_start3A_100 = tpu.memref_squeeze %dma_start3A_99 : memref<1x128xi32, #tpu.memory_space<vmem>> -> memref<128xi32, #tpu.memory_space<vmem>>
        %dma_start3A_101 = arith.constant 0 : i32
        %dma_start3A_102 = arith.constant 0 : i32
        %dma_start3A_103 = tpu.memref_slice %arg2[%dma_start3A_101, %dma_start3A_102] : memref<10240x64xf32, #tpu.memory_space<hbm>> -> memref<10240x64xf32, #tpu.memory_space<hbm>>
        tpu.enqueue_indirect_dma source(%dma_start3A_103 : memref<10240x64xf32, #tpu.memory_space<hbm>>) target(%arg9 : memref<128x64xf32, #tpu.memory_space<vmem>>) offsets(%dma_start3A_100 : memref<128xi32, #tpu.memory_space<vmem>>) semaphore(%arg12 : memref<!tpu.dma_semaphore, #tpu.memory_space<semaphore_mem>>)
      } else {
      }
    }
    %barrier3A_66 = arith.constant 0 : index
    tpu.barrier barrier_id(%barrier3A_66)
    "tpu.region"() ({
      %run_scoped3A = tpu.sem_alloc : memref<!tpu.dma_semaphore, #tpu.memory_space<semaphore_mem>>
      %dma_start3A_67 = arith.constant 0 : i32
      %dma_start3A_68 = tpu.memref_slice %arg5[%arg0, %mul3A_5, %dma_start3A_67] : memref<2x10240x64xf32, #tpu.memory_space<hbm>> -> memref<1x640x64xf32, #tpu.memory_space<hbm>>
      %dma_start3A_69 = tpu.memref_squeeze %dma_start3A_68 : memref<1x640x64xf32, #tpu.memory_space<hbm>> -> memref<640x64xf32, #tpu.memory_space<hbm>>
      %dma_start3A_70 = arith.constant 0 : i32
      %dma_start3A_71 = tpu.memref_slice %arg10[%mul3A_5, %dma_start3A_70] : memref<10240x64xf32, #tpu.memory_space<vmem_shared>> -> memref<640x64xf32, #tpu.memory_space<vmem_shared>>
      tpu.enqueue_dma source(%dma_start3A_71 : memref<640x64xf32, #tpu.memory_space<vmem_shared>>) target(%dma_start3A_69 : memref<640x64xf32, #tpu.memory_space<hbm>>) target_semaphore(%run_scoped3A : memref<!tpu.dma_semaphore, #tpu.memory_space<semaphore_mem>>)
      %dma_wait3A = arith.constant 0 : i32
      %dma_wait3A_72 = tpu.memref_slice %arg5[%arg0, %mul3A_5, %dma_wait3A] : memref<2x10240x64xf32, #tpu.memory_space<hbm>> -> memref<1x640x64xf32, #tpu.memory_space<hbm>>
      %dma_wait3A_73 = tpu.memref_squeeze %dma_wait3A_72 : memref<1x640x64xf32, #tpu.memory_space<hbm>> -> memref<640x64xf32, #tpu.memory_space<hbm>>
      %dma_wait3A_74 = arith.constant 0 : i32
      %dma_wait3A_75 = tpu.memref_slice %arg10[%mul3A_5, %dma_wait3A_74] : memref<10240x64xf32, #tpu.memory_space<vmem_shared>> -> memref<640x64xf32, #tpu.memory_space<vmem_shared>>
      tpu.wait_dma2 semaphore(%run_scoped3A : memref<!tpu.dma_semaphore, #tpu.memory_space<semaphore_mem>>) src(%dma_wait3A_75 : memref<640x64xf32, #tpu.memory_space<vmem_shared>>) dst(%dma_wait3A_73 : memref<640x64xf32, #tpu.memory_space<hbm>>)
      tpu.yield
    }) : () -> ()
    return
  }
}

module attributes {stable_mosaic.version = 14 : i64} {
  func.func @_minmax_body(%arg0: i32, %arg1: memref<2000x128xf32, #tpu.memory_space<vmem>>, %arg2: memref<1x1xf32, #tpu.memory_space<smem>>, %arg3: memref<1x1xf32, #tpu.memory_space<smem>>) attributes {dimension_semantics = [#tpu.dimension_semantics<arbitrary>], iteration_bounds = array<i64: 5>, scalar_prefetch = 0 : i64, scratch_operands = 0 : i64, tpu.core_type = #tpu.core_type<tc>, window_params = [{transform_indices = @transform_0, window_bounds = array<i64: 2000, 128>}, {transform_indices = @transform_1, window_bounds = array<i64: 1, 1>}, {transform_indices = @transform_2, window_bounds = array<i64: 1, 1>}]} {
    %get3A = arith.constant 0 : index
    %get3A_0 = arith.constant 0 : index
    %get3A_1 = vector.load %arg1[%get3A, %get3A_0] : memref<2000x128xf32, #tpu.memory_space<vmem>>, vector<2000x128xf32>
    %reduce_min3A = vector.shape_cast %get3A_1 : vector<2000x128xf32> to vector<1x2000x128xf32>
    %reduce_min3A_2 = arith.constant dense<0x7F800000> : vector<1xf32>
    %reduce_min3A_3 = vector.multi_reduction <minimumf>, %reduce_min3A, %reduce_min3A_2 [1, 2] : vector<1x2000x128xf32> to vector<1xf32>
    %reduce_min3A_4 = vector.shape_cast %reduce_min3A_3 : vector<1xf32> to vector<1x1x1xf32>
    %reduce_min3A_5 = vector.extract %reduce_min3A_4[0, 0, 0] : f32 from vector<1x1x1xf32>
    %get3A_6 = arith.constant 0 : index
    %get3A_7 = arith.constant 0 : index
    %get3A_8 = vector.load %arg1[%get3A_6, %get3A_7] : memref<2000x128xf32, #tpu.memory_space<vmem>>, vector<2000x128xf32>
    %reduce_max3A = vector.shape_cast %get3A_8 : vector<2000x128xf32> to vector<1x2000x128xf32>
    %reduce_max3A_9 = arith.constant dense<0xFF800000> : vector<1xf32>
    %reduce_max3A_10 = vector.multi_reduction <maximumf>, %reduce_max3A, %reduce_max3A_9 [1, 2] : vector<1x2000x128xf32> to vector<1xf32>
    %reduce_max3A_11 = vector.shape_cast %reduce_max3A_10 : vector<1xf32> to vector<1x1x1xf32>
    %reduce_max3A_12 = vector.extract %reduce_max3A_11[0, 0, 0] : f32 from vector<1x1x1xf32>
    %eq3A = arith.constant 0 : i32
    %eq3A_13 = arith.cmpi eq, %arg0, %eq3A : i32
    %convert_element_type3A = arith.extui %eq3A_13 : i1 to i32
    %cond3A = arith.constant 0 : i32
    %cond3A_14 = arith.cmpi ne, %convert_element_type3A, %cond3A : i32
    scf.if %cond3A_14 {
      %swap3A = arith.constant 0 : index
      %swap3A_19 = arith.constant 0 : index
      %swap3A_20 = memref.load %arg2[%swap3A, %swap3A_19] : memref<1x1xf32, #tpu.memory_space<smem>>
      memref.store %reduce_min3A_5, %arg2[%swap3A, %swap3A_19] : memref<1x1xf32, #tpu.memory_space<smem>>
      %swap3A_21 = arith.constant 0 : index
      %swap3A_22 = arith.constant 0 : index
      %swap3A_23 = memref.load %arg3[%swap3A_21, %swap3A_22] : memref<1x1xf32, #tpu.memory_space<smem>>
      memref.store %reduce_max3A_12, %arg3[%swap3A_21, %swap3A_22] : memref<1x1xf32, #tpu.memory_space<smem>>
    } else {
    }
    %gt3A = arith.constant 0 : i32
    %gt3A_15 = arith.cmpi sgt, %arg0, %gt3A : i32
    %convert_element_type3A_16 = arith.extui %gt3A_15 : i1 to i32
    %cond3A_17 = arith.constant 0 : i32
    %cond3A_18 = arith.cmpi ne, %convert_element_type3A_16, %cond3A_17 : i32
    scf.if %cond3A_18 {
      %get3A_19 = arith.constant 0 : index
      %get3A_20 = arith.constant 0 : index
      %get3A_21 = memref.load %arg2[%get3A_19, %get3A_20] : memref<1x1xf32, #tpu.memory_space<smem>>
      %min3A = arith.minimumf %get3A_21, %reduce_min3A_5 : f32
      %swap3A = arith.constant 0 : index
      %swap3A_22 = arith.constant 0 : index
      %swap3A_23 = memref.load %arg2[%swap3A, %swap3A_22] : memref<1x1xf32, #tpu.memory_space<smem>>
      memref.store %min3A, %arg2[%swap3A, %swap3A_22] : memref<1x1xf32, #tpu.memory_space<smem>>
      %get3A_24 = arith.constant 0 : index
      %get3A_25 = arith.constant 0 : index
      %get3A_26 = memref.load %arg3[%get3A_24, %get3A_25] : memref<1x1xf32, #tpu.memory_space<smem>>
      %max3A = arith.maximumf %get3A_26, %reduce_max3A_12 : f32
      %swap3A_27 = arith.constant 0 : index
      %swap3A_28 = arith.constant 0 : index
      %swap3A_29 = memref.load %arg3[%swap3A_27, %swap3A_28] : memref<1x1xf32, #tpu.memory_space<smem>>
      memref.store %max3A, %arg3[%swap3A_27, %swap3A_28] : memref<1x1xf32, #tpu.memory_space<smem>>
    } else {
    }
    return
  }
  func.func @transform_0(%arg0: i32) -> (i32, i32) {
    %c0_i32 = arith.constant 0 : i32
    %c0_i32_0 = arith.constant 0 : i32
    return %arg0, %c0_i32 : i32, i32
  }
  func.func @transform_1(%arg0: i32) -> (i32, i32) {
    %c0_i32 = arith.constant 0 : i32
    %c0_i32_0 = arith.constant 0 : i32
    %c0_i32_1 = arith.constant 0 : i32
    return %c0_i32, %c0_i32_0 : i32, i32
  }
  func.func @transform_2(%arg0: i32) -> (i32, i32) {
    %c0_i32 = arith.constant 0 : i32
    %c0_i32_0 = arith.constant 0 : i32
    %c0_i32_1 = arith.constant 0 : i32
    return %c0_i32, %c0_i32_0 : i32, i32
  }
}

module attributes {stable_mosaic.version = 14 : i64} {
  func.func @_prep_body(%arg0: i32, %arg1: memref<1x1xf32, #tpu.memory_space<smem>>, %arg2: memref<32x80x128xf32, #tpu.memory_space<vmem>>, %arg3: memref<128x128xf32, #tpu.memory_space<vmem>>, %arg4: memref<16x128xf32, #tpu.memory_space<vmem>>, %arg5: memref<80x128xf32, #tpu.memory_space<vmem>>, %arg6: memref<8x128xf32, #tpu.memory_space<vmem>>) attributes {dimension_semantics = [#tpu.dimension_semantics<arbitrary>], iteration_bounds = array<i64: 1>, scalar_prefetch = 0 : i64, scratch_operands = 0 : i64, tpu.core_type = #tpu.core_type<tc>, window_params = [{transform_indices = @transform_0, window_bounds = array<i64: 1, 1>}, {pipeline_mode = #tpu.pipeline_mode<synchronous>, transform_indices = @transform_1, window_bounds = array<i64: 32, 80, 128>}, {pipeline_mode = #tpu.pipeline_mode<synchronous>, transform_indices = @transform_2, window_bounds = array<i64: 128, 128>}, {pipeline_mode = #tpu.pipeline_mode<synchronous>, transform_indices = @transform_3, window_bounds = array<i64: 16, 128>}, {pipeline_mode = #tpu.pipeline_mode<synchronous>, transform_indices = @transform_4, window_bounds = array<i64: 80, 128>}, {pipeline_mode = #tpu.pipeline_mode<synchronous>, transform_indices = @transform_5, window_bounds = array<i64: 8, 128>}]} {
    %get3A = arith.constant 0 : index
    %get3A_0 = arith.constant 0 : index
    %get3A_1 = memref.load %arg1[%get3A, %get3A_0] : memref<1x1xf32, #tpu.memory_space<smem>>
    %iota3A = tpu.iota {dimensions = array<i32: 1>} : vector<1x64xi32>
    %convert_element_type3A = arith.sitofp %iota3A : vector<1x64xi32> to vector<1x64xf32>
    %mul3A = arith.constant -0.146195874 : f32
    %mul3A_2 = vector.broadcast %mul3A : f32 to vector<1x64xf32>
    %mul3A_3 = arith.mulf %convert_element_type3A, %mul3A_2 : vector<1x64xf32>
    %exp3A = math.exp %mul3A_3 : vector<1x64xf32>
    %mul3A_4 = vector.broadcast %get3A_1 : f32 to vector<1x64xf32>
    %mul3A_5 = arith.mulf %mul3A_4, %exp3A : vector<1x64xf32>
    %sin3A = math.sin %mul3A_5 : vector<1x64xf32>
    %cos3A = math.cos %mul3A_5 : vector<1x64xf32>
    %concatenate3A = tpu.concatenate %sin3A, %cos3A in 1 : vector<1x64xf32>, vector<1x64xf32> -> vector<1x128xf32>
    %get3A_6 = arith.constant 1 : index
    %get3A_7 = arith.constant 0 : index
    %get3A_8 = vector.load %arg4[%get3A_6, %get3A_7] : memref<16x128xf32, #tpu.memory_space<vmem>>, vector<1x128xf32>
    %get3A_9 = arith.constant 0 : index
    %get3A_10 = arith.constant 0 : index
    %get3A_11 = vector.load %arg3[%get3A_9, %get3A_10] : memref<128x128xf32, #tpu.memory_space<vmem>>, vector<128x128xf32>
    %dot_general3A = arith.constant dense<0.000000e+00> : vector<1x128xf32>
    %dot_general3A_12 = tpu.matmul %concatenate3A, %get3A_11, %dot_general3A {dimension_numbers = #tpu.dot_dimension_numbers<[1], [0], [0], [1], [0, 0, 1, 1], [], []>, transpose_lhs_hint = false} : vector<1x128xf32>, vector<128x128xf32>, vector<1x128xf32> -> vector<1x128xf32>
    %add3A = arith.addf %dot_general3A_12, %get3A_8 : vector<1x128xf32>
    %max3A = arith.constant 0.000000e+00 : f32
    %max3A_13 = vector.broadcast %max3A : f32 to vector<1x128xf32>
    %max3A_14 = arith.maximumf %add3A, %max3A_13 : vector<1x128xf32>
    %broadcast_in_dim3A = vector.shape_cast %max3A_14 : vector<1x128xf32> to vector<1x128xf32>
    %broadcast_in_dim3A_15 = vector.broadcast %broadcast_in_dim3A : vector<1x128xf32> to vector<8x128xf32>
    %swap3A = arith.constant 0 : index
    %swap3A_16 = arith.constant 0 : index
    %swap3A_17 = vector.load %arg6[%swap3A, %swap3A_16] : memref<8x128xf32, #tpu.memory_space<vmem>>, vector<8x128xf32>
    tpu.vector_store %arg6[%swap3A, %swap3A_16], %broadcast_in_dim3A_15 {strides = array<i32>} : memref<8x128xf32, #tpu.memory_space<vmem>>, vector<8x128xf32>,
    %get3A_18 = arith.constant 0 : index
    %get3A_19 = arith.constant 0 : index
    %get3A_20 = arith.constant 0 : index
    %get3A_21 = vector.load %arg2[%get3A_18, %get3A_19, %get3A_20] : memref<32x80x128xf32, #tpu.memory_space<vmem>>, vector<32x80x128xf32>
    %reduce_sum3A = arith.constant dense<0.000000e+00> : vector<80x128xf32>
    %reduce_sum3A_22 = vector.multi_reduction <add>, %get3A_21, %reduce_sum3A [0] : vector<32x80x128xf32> to vector<80x128xf32>
    %add3A_23 = arith.constant 1.000000e+00 : f32
    %add3A_24 = vector.broadcast %add3A_23 : f32 to vector<80x128xf32>
    %add3A_25 = arith.addf %reduce_sum3A_22, %add3A_24 : vector<80x128xf32>
    %rsqrt3A = math.rsqrt %add3A_25 : vector<80x128xf32>
    %swap3A_26 = arith.constant 0 : index
    %swap3A_27 = arith.constant 0 : index
    %swap3A_28 = vector.load %arg5[%swap3A_26, %swap3A_27] : memref<80x128xf32, #tpu.memory_space<vmem>>, vector<80x128xf32>
    tpu.vector_store %arg5[%swap3A_26, %swap3A_27], %rsqrt3A {strides = array<i32>} : memref<80x128xf32, #tpu.memory_space<vmem>>, vector<80x128xf32>,
    return
  }
  func.func @transform_0(%arg0: i32) -> (i32, i32) {
    %c0_i32 = arith.constant 0 : i32
    %c0_i32_0 = arith.constant 0 : i32
    %c0_i32_1 = arith.constant 0 : i32
    return %c0_i32, %c0_i32_0 : i32, i32
  }
  func.func @transform_1(%arg0: i32) -> (i32, i32, i32) {
    %c0_i32 = arith.constant 0 : i32
    %c0_i32_0 = arith.constant 0 : i32
    %c0_i32_1 = arith.constant 0 : i32
    %c0_i32_2 = arith.constant 0 : i32
    return %c0_i32, %c0_i32_0, %c0_i32_1 : i32, i32, i32
  }
  func.func @transform_2(%arg0: i32) -> (i32, i32) {
    %c0_i32 = arith.constant 0 : i32
    %c0_i32_0 = arith.constant 0 : i32
    %c0_i32_1 = arith.constant 0 : i32
    return %c0_i32, %c0_i32_0 : i32, i32
  }
  func.func @transform_3(%arg0: i32) -> (i32, i32) {
    %c0_i32 = arith.constant 0 : i32
    %c0_i32_0 = arith.constant 0 : i32
    %c0_i32_1 = arith.constant 0 : i32
    return %c0_i32, %c0_i32_0 : i32, i32
  }
  func.func @transform_4(%arg0: i32) -> (i32, i32) {
    %c0_i32 = arith.constant 0 : i32
    %c0_i32_0 = arith.constant 0 : i32
    %c0_i32_1 = arith.constant 0 : i32
    return %c0_i32, %c0_i32_0 : i32, i32
  }
  func.func @transform_5(%arg0: i32) -> (i32, i32) {
    %c0_i32 = arith.constant 0 : i32
    %c0_i32_0 = arith.constant 0 : i32
    %c0_i32_1 = arith.constant 0 : i32
    return %c0_i32, %c0_i32_0 : i32, i32
  }
}

module attributes {stable_mosaic.version = 14 : i64} {
  func.func @_phase_b_body(%arg0: i32, %arg1: memref<2048x128xf32, #tpu.memory_space<vmem>>, %arg2: memref<1x1xf32, #tpu.memory_space<smem>>, %arg3: memref<1x1xf32, #tpu.memory_space<smem>>, %arg4: memref<2048x1xf32, #tpu.memory_space<vmem>>, %arg5: memref<128x128xf32, #tpu.memory_space<vmem>>, %arg6: memref<128x64xf32, #tpu.memory_space<vmem>>, %arg7: memref<16x128xf32, #tpu.memory_space<vmem>>, %arg8: memref<2048x64xf32, #tpu.memory_space<vmem>>) attributes {dimension_semantics = [#tpu.dimension_semantics<arbitrary>], iteration_bounds = array<i64: 5>, scalar_prefetch = 0 : i64, scratch_operands = 0 : i64, tpu.core_type = #tpu.core_type<tc>, window_params = [{transform_indices = @transform_0, window_bounds = array<i64: 2048, 128>}, {transform_indices = @transform_1, window_bounds = array<i64: 1, 1>}, {transform_indices = @transform_2, window_bounds = array<i64: 1, 1>}, {transform_indices = @transform_3, window_bounds = array<i64: 2048, 1>}, {pipeline_mode = #tpu.pipeline_mode<synchronous>, transform_indices = @transform_4, window_bounds = array<i64: 128, 128>}, {pipeline_mode = #tpu.pipeline_mode<synchronous>, transform_indices = @transform_5, window_bounds = array<i64: 128, 64>}, {pipeline_mode = #tpu.pipeline_mode<synchronous>, transform_indices = @transform_6, window_bounds = array<i64: 16, 128>}, {transform_indices = @transform_7, window_bounds = array<i64: 2048, 64>}]} {
    %get3A = arith.constant 0 : index
    %get3A_0 = arith.constant 0 : index
    %get3A_1 = memref.load %arg2[%get3A, %get3A_0] : memref<1x1xf32, #tpu.memory_space<smem>>
    %get3A_2 = arith.constant 0 : index
    %get3A_3 = arith.constant 0 : index
    %get3A_4 = memref.load %arg3[%get3A_2, %get3A_3] : memref<1x1xf32, #tpu.memory_space<smem>>
    %get3A_5 = arith.constant 0 : index
    %get3A_6 = arith.constant 0 : index
    %get3A_7 = vector.load %arg1[%get3A_5, %get3A_6] : memref<2048x128xf32, #tpu.memory_space<vmem>>, vector<2048x128xf32>
    %sub3A = vector.broadcast %get3A_1 : f32 to vector<2048x128xf32>
    %sub3A_8 = arith.subf %get3A_7, %sub3A : vector<2048x128xf32>
    %sub3A_9 = arith.subf %get3A_4, %get3A_1 : f32
    %add3A = arith.constant 9.99999996E-13 : f32
    %add3A_10 = arith.addf %sub3A_9, %add3A : f32
    %div3A = vector.broadcast %add3A_10 : f32 to vector<2048x128xf32>
    %div3A_11 = arith.divf %sub3A_8, %div3A : vector<2048x128xf32>
    %get3A_12 = arith.constant 0 : index
    %get3A_13 = arith.constant 0 : index
    %get3A_14 = vector.load %arg7[%get3A_12, %get3A_13] : memref<16x128xf32, #tpu.memory_space<vmem>>, vector<1x128xf32>
    %get3A_15 = arith.constant 0 : index
    %get3A_16 = arith.constant 0 : index
    %get3A_17 = vector.load %arg5[%get3A_15, %get3A_16] : memref<128x128xf32, #tpu.memory_space<vmem>>, vector<128x128xf32>
    %dot_general3A = arith.constant dense<0.000000e+00> : vector<2048x128xf32>
    %dot_general3A_18 = tpu.matmul %div3A_11, %get3A_17, %dot_general3A {dimension_numbers = #tpu.dot_dimension_numbers<[1], [0], [0], [1], [0, 0, 1, 1], [], []>, transpose_lhs_hint = false} : vector<2048x128xf32>, vector<128x128xf32>, vector<2048x128xf32> -> vector<2048x128xf32>
    %add3A_19 = vector.broadcast %get3A_14 : vector<1x128xf32> to vector<2048x128xf32>
    %add3A_20 = arith.addf %dot_general3A_18, %add3A_19 : vector<2048x128xf32>
    %get3A_21 = arith.constant 0 : index
    %get3A_22 = arith.constant 0 : index
    %get3A_23 = vector.load %arg6[%get3A_21, %get3A_22] : memref<128x64xf32, #tpu.memory_space<vmem>>, vector<128x64xf32>
    %dot_general3A_24 = arith.constant dense<0.000000e+00> : vector<2048x64xf32>
    %dot_general3A_25 = tpu.matmul %add3A_20, %get3A_23, %dot_general3A_24 {dimension_numbers = #tpu.dot_dimension_numbers<[1], [0], [0], [1], [0, 0, 1, 1], [], []>, transpose_lhs_hint = false} : vector<2048x128xf32>, vector<128x64xf32>, vector<2048x64xf32> -> vector<2048x64xf32>
    %get3A_26 = arith.constant 0 : index
    %get3A_27 = arith.constant 0 : index
    %get3A_28 = vector.load %arg4[%get3A_26, %get3A_27] : memref<2048x1xf32, #tpu.memory_space<vmem>>, vector<2048x1xf32>
    %mul3A = vector.broadcast %get3A_28 : vector<2048x1xf32> to vector<2048x64xf32>
    %mul3A_29 = arith.mulf %dot_general3A_25, %mul3A : vector<2048x64xf32>
    %swap3A = arith.constant 0 : index
    %swap3A_30 = arith.constant 0 : index
    %swap3A_31 = vector.load %arg8[%swap3A, %swap3A_30] : memref<2048x64xf32, #tpu.memory_space<vmem>>, vector<2048x64xf32>
    tpu.vector_store %arg8[%swap3A, %swap3A_30], %mul3A_29 {strides = array<i32>} : memref<2048x64xf32, #tpu.memory_space<vmem>>, vector<2048x64xf32>,
    return
  }
  func.func @transform_0(%arg0: i32) -> (i32, i32) {
    %c0_i32 = arith.constant 0 : i32
    %c0_i32_0 = arith.constant 0 : i32
    return %arg0, %c0_i32 : i32, i32
  }
  func.func @transform_1(%arg0: i32) -> (i32, i32) {
    %c0_i32 = arith.constant 0 : i32
    %c0_i32_0 = arith.constant 0 : i32
    %c0_i32_1 = arith.constant 0 : i32
    return %c0_i32, %c0_i32_0 : i32, i32
  }
  func.func @transform_2(%arg0: i32) -> (i32, i32) {
    %c0_i32 = arith.constant 0 : i32
    %c0_i32_0 = arith.constant 0 : i32
    %c0_i32_1 = arith.constant 0 : i32
    return %c0_i32, %c0_i32_0 : i32, i32
  }
  func.func @transform_3(%arg0: i32) -> (i32, i32) {
    %c0_i32 = arith.constant 0 : i32
    %c0_i32_0 = arith.constant 0 : i32
    return %arg0, %c0_i32 : i32, i32
  }
  func.func @transform_4(%arg0: i32) -> (i32, i32) {
    %c0_i32 = arith.constant 0 : i32
    %c0_i32_0 = arith.constant 0 : i32
    %c0_i32_1 = arith.constant 0 : i32
    return %c0_i32, %c0_i32_0 : i32, i32
  }
  func.func @transform_5(%arg0: i32) -> (i32, i32) {
    %c0_i32 = arith.constant 0 : i32
    %c0_i32_0 = arith.constant 0 : i32
    %c0_i32_1 = arith.constant 0 : i32
    return %c0_i32, %c0_i32_0 : i32, i32
  }
  func.func @transform_6(%arg0: i32) -> (i32, i32) {
    %c0_i32 = arith.constant 0 : i32
    %c0_i32_0 = arith.constant 0 : i32
    %c0_i32_1 = arith.constant 0 : i32
    return %c0_i32, %c0_i32_0 : i32, i32
  }
  func.func @transform_7(%arg0: i32) -> (i32, i32) {
    %c0_i32 = arith.constant 0 : i32
    %c0_i32_0 = arith.constant 0 : i32
    return %arg0, %c0_i32 : i32, i32
  }
}

module attributes {stable_mosaic.version = 14 : i64} {
  func.func @_phase_d_body(%arg0: i32, %arg1: memref<2048x64xf32, #tpu.memory_space<vmem>>, %arg2: memref<2048x64xf32, #tpu.memory_space<vmem>>, %arg3: memref<2048x64xf32, #tpu.memory_space<vmem>>, %arg4: memref<2048x1xf32, #tpu.memory_space<vmem>>, %arg5: memref<8x128xf32, #tpu.memory_space<vmem>>, %arg6: memref<128x64xf32, #tpu.memory_space<vmem>>, %arg7: memref<64x64xf32, #tpu.memory_space<vmem>>, %arg8: memref<64x64xf32, #tpu.memory_space<vmem>>, %arg9: memref<64x64xf32, #tpu.memory_space<vmem>>, %arg10: memref<64x128xf32, #tpu.memory_space<vmem>>, %arg11: memref<16x128xf32, #tpu.memory_space<vmem>>, %arg12: memref<2048x128xf32, #tpu.memory_space<vmem>>) attributes {dimension_semantics = [#tpu.dimension_semantics<arbitrary>], iteration_bounds = array<i64: 5>, scalar_prefetch = 0 : i64, scratch_operands = 0 : i64, tpu.core_type = #tpu.core_type<tc>, window_params = [{transform_indices = @transform_0, window_bounds = array<i64: 2048, 64>}, {transform_indices = @transform_1, window_bounds = array<i64: 2048, 64>}, {transform_indices = @transform_2, window_bounds = array<i64: 2048, 64>}, {transform_indices = @transform_3, window_bounds = array<i64: 2048, 1>}, {pipeline_mode = #tpu.pipeline_mode<synchronous>, transform_indices = @transform_4, window_bounds = array<i64: 8, 128>}, {pipeline_mode = #tpu.pipeline_mode<synchronous>, transform_indices = @transform_5, window_bounds = array<i64: 128, 64>}, {pipeline_mode = #tpu.pipeline_mode<synchronous>, transform_indices = @transform_6, window_bounds = array<i64: 64, 64>}, {pipeline_mode = #tpu.pipeline_mode<synchronous>, transform_indices = @transform_7, window_bounds = array<i64: 64, 64>}, {pipeline_mode = #tpu.pipeline_mode<synchronous>, transform_indices = @transform_8, window_bounds = array<i64: 64, 64>}, {pipeline_mode = #tpu.pipeline_mode<synchronous>, transform_indices = @transform_9, window_bounds = array<i64: 64, 128>}, {pipeline_mode = #tpu.pipeline_mode<synchronous>, transform_indices = @transform_10, window_bounds = array<i64: 16, 128>}, {transform_indices = @transform_11, window_bounds = array<i64: 2048, 128>}]} {
    %get3A = arith.constant 0 : index
    %get3A_0 = arith.constant 0 : index
    %get3A_1 = vector.load %arg4[%get3A, %get3A_0] : memref<2048x1xf32, #tpu.memory_space<vmem>>, vector<2048x1xf32>
    %get3A_2 = arith.constant 0 : index
    %get3A_3 = arith.constant 0 : index
    %get3A_4 = vector.load %arg1[%get3A_2, %get3A_3] : memref<2048x64xf32, #tpu.memory_space<vmem>>, vector<2048x64xf32>
    %get3A_5 = arith.constant 0 : index
    %get3A_6 = arith.constant 0 : index
    %get3A_7 = vector.load %arg2[%get3A_5, %get3A_6] : memref<2048x64xf32, #tpu.memory_space<vmem>>, vector<2048x64xf32>
    %add3A = arith.addf %get3A_4, %get3A_7 : vector<2048x64xf32>
    %get3A_8 = arith.constant 0 : index
    %get3A_9 = arith.constant 0 : index
    %get3A_10 = vector.load %arg3[%get3A_8, %get3A_9] : memref<2048x64xf32, #tpu.memory_space<vmem>>, vector<2048x64xf32>
    %add3A_11 = arith.addf %add3A, %get3A_10 : vector<2048x64xf32>
    %mul3A = vector.broadcast %get3A_1 : vector<2048x1xf32> to vector<2048x64xf32>
    %mul3A_12 = arith.mulf %add3A_11, %mul3A : vector<2048x64xf32>
    %get3A_13 = arith.constant 2 : index
    %get3A_14 = arith.constant 0 : index
    %get3A_15 = vector.load %arg11[%get3A_13, %get3A_14] : memref<16x128xf32, #tpu.memory_space<vmem>>, vector<1x64xf32>
    %add3A_16 = vector.broadcast %get3A_15 : vector<1x64xf32> to vector<2048x64xf32>
    %add3A_17 = arith.addf %mul3A_12, %add3A_16 : vector<2048x64xf32>
    %logistic3A = arith.negf %add3A_17 : vector<2048x64xf32>
    %logistic3A_18 = math.exp %logistic3A : vector<2048x64xf32>
    %logistic3A_19 = arith.constant 1.000000e+00 : f32
    %logistic3A_20 = vector.broadcast %logistic3A_19 : f32 to vector<2048x64xf32>
    %logistic3A_21 = arith.addf %logistic3A_20, %logistic3A_18 : vector<2048x64xf32>
    %logistic3A_22 = arith.divf %logistic3A_20, %logistic3A_21 : vector<2048x64xf32>
    %mul3A_23 = arith.mulf %add3A_17, %logistic3A_22 : vector<2048x64xf32>
    %get3A_24 = arith.constant 0 : index
    %get3A_25 = arith.constant 0 : index
    %get3A_26 = vector.load %arg5[%get3A_24, %get3A_25] : memref<8x128xf32, #tpu.memory_space<vmem>>, vector<1x128xf32>
    %get3A_27 = arith.constant 0 : index
    %get3A_28 = arith.constant 0 : index
    %get3A_29 = vector.load %arg6[%get3A_27, %get3A_28] : memref<128x64xf32, #tpu.memory_space<vmem>>, vector<128x64xf32>
    %dot_general3A = arith.constant dense<0.000000e+00> : vector<1x64xf32>
    %dot_general3A_30 = tpu.matmul %get3A_26, %get3A_29, %dot_general3A {dimension_numbers = #tpu.dot_dimension_numbers<[1], [0], [0], [1], [0, 0, 1, 1], [], []>, transpose_lhs_hint = false} : vector<1x128xf32>, vector<128x64xf32>, vector<1x64xf32> -> vector<1x64xf32>
    %get3A_31 = arith.constant 3 : index
    %get3A_32 = arith.constant 0 : index
    %get3A_33 = vector.load %arg11[%get3A_31, %get3A_32] : memref<16x128xf32, #tpu.memory_space<vmem>>, vector<1x64xf32>
    %add3A_34 = arith.addf %dot_general3A_30, %get3A_33 : vector<1x64xf32>
    %logistic3A_35 = arith.negf %add3A_34 : vector<1x64xf32>
    %logistic3A_36 = math.exp %logistic3A_35 : vector<1x64xf32>
    %logistic3A_37 = arith.constant 1.000000e+00 : f32
    %logistic3A_38 = vector.broadcast %logistic3A_37 : f32 to vector<1x64xf32>
    %logistic3A_39 = arith.addf %logistic3A_38, %logistic3A_36 : vector<1x64xf32>
    %logistic3A_40 = arith.divf %logistic3A_38, %logistic3A_39 : vector<1x64xf32>
    %mul3A_41 = arith.mulf %add3A_34, %logistic3A_40 : vector<1x64xf32>
    %add3A_42 = vector.broadcast %mul3A_41 : vector<1x64xf32> to vector<2048x64xf32>
    %add3A_43 = arith.addf %mul3A_23, %add3A_42 : vector<2048x64xf32>
    %get3A_44 = arith.constant 0 : index
    %get3A_45 = arith.constant 0 : index
    %get3A_46 = vector.load %arg7[%get3A_44, %get3A_45] : memref<64x64xf32, #tpu.memory_space<vmem>>, vector<64x64xf32>
    %dot_general3A_47 = arith.constant dense<0.000000e+00> : vector<2048x64xf32>
    %dot_general3A_48 = tpu.matmul %add3A_43, %get3A_46, %dot_general3A_47 {dimension_numbers = #tpu.dot_dimension_numbers<[1], [0], [0], [1], [0, 0, 1, 1], [], []>, transpose_lhs_hint = false} : vector<2048x64xf32>, vector<64x64xf32>, vector<2048x64xf32> -> vector<2048x64xf32>
    %get3A_49 = arith.constant 4 : index
    %get3A_50 = arith.constant 0 : index
    %get3A_51 = vector.load %arg11[%get3A_49, %get3A_50] : memref<16x128xf32, #tpu.memory_space<vmem>>, vector<1x64xf32>
    %add3A_52 = vector.broadcast %get3A_51 : vector<1x64xf32> to vector<2048x64xf32>
    %add3A_53 = arith.addf %dot_general3A_48, %add3A_52 : vector<2048x64xf32>
    %logistic3A_54 = arith.negf %add3A_53 : vector<2048x64xf32>
    %logistic3A_55 = math.exp %logistic3A_54 : vector<2048x64xf32>
    %logistic3A_56 = arith.constant 1.000000e+00 : f32
    %logistic3A_57 = vector.broadcast %logistic3A_56 : f32 to vector<2048x64xf32>
    %logistic3A_58 = arith.addf %logistic3A_57, %logistic3A_55 : vector<2048x64xf32>
    %logistic3A_59 = arith.divf %logistic3A_57, %logistic3A_58 : vector<2048x64xf32>
    %mul3A_60 = arith.mulf %add3A_53, %logistic3A_59 : vector<2048x64xf32>
    %reduce_sum3A = arith.constant dense<0.000000e+00> : vector<2048xf32>
    %reduce_sum3A_61 = vector.multi_reduction <add>, %mul3A_60, %reduce_sum3A [1] : vector<2048x64xf32> to vector<2048xf32>
    %broadcast_in_dim3A = vector.shape_cast %reduce_sum3A_61 : vector<2048xf32> to vector<2048x1xf32>
    %div3A = arith.constant 6.400000e+01 : f32
    %div3A_62 = vector.broadcast %div3A : f32 to vector<2048x1xf32>
    %div3A_63 = arith.divf %broadcast_in_dim3A, %div3A_62 : vector<2048x1xf32>
    %mul3A_64 = arith.mulf %mul3A_60, %mul3A_60 : vector<2048x64xf32>
    %reduce_sum3A_65 = arith.constant dense<0.000000e+00> : vector<2048xf32>
    %reduce_sum3A_66 = vector.multi_reduction <add>, %mul3A_64, %reduce_sum3A_65 [1] : vector<2048x64xf32> to vector<2048xf32>
    %broadcast_in_dim3A_67 = vector.shape_cast %reduce_sum3A_66 : vector<2048xf32> to vector<2048x1xf32>
    %div3A_68 = arith.constant 6.400000e+01 : f32
    %div3A_69 = vector.broadcast %div3A_68 : f32 to vector<2048x1xf32>
    %div3A_70 = arith.divf %broadcast_in_dim3A_67, %div3A_69 : vector<2048x1xf32>
    %mul3A_71 = arith.mulf %div3A_63, %div3A_63 : vector<2048x1xf32>
    %sub3A = arith.subf %div3A_70, %mul3A_71 : vector<2048x1xf32>
    %sub3A_72 = vector.broadcast %div3A_63 : vector<2048x1xf32> to vector<2048x64xf32>
    %sub3A_73 = arith.subf %mul3A_60, %sub3A_72 : vector<2048x64xf32>
    %add3A_74 = arith.constant 9.99999974E-6 : f32
    %add3A_75 = vector.broadcast %add3A_74 : f32 to vector<2048x1xf32>
    %add3A_76 = arith.addf %sub3A, %add3A_75 : vector<2048x1xf32>
    %rsqrt3A = math.rsqrt %add3A_76 : vector<2048x1xf32>
    %mul3A_77 = vector.broadcast %rsqrt3A : vector<2048x1xf32> to vector<2048x64xf32>
    %mul3A_78 = arith.mulf %sub3A_73, %mul3A_77 : vector<2048x64xf32>
    %get3A_79 = arith.constant 5 : index
    %get3A_80 = arith.constant 0 : index
    %get3A_81 = vector.load %arg11[%get3A_79, %get3A_80] : memref<16x128xf32, #tpu.memory_space<vmem>>, vector<1x64xf32>
    %mul3A_82 = vector.broadcast %get3A_81 : vector<1x64xf32> to vector<2048x64xf32>
    %mul3A_83 = arith.mulf %mul3A_78, %mul3A_82 : vector<2048x64xf32>
    %get3A_84 = arith.constant 6 : index
    %get3A_85 = arith.constant 0 : index
    %get3A_86 = vector.load %arg11[%get3A_84, %get3A_85] : memref<16x128xf32, #tpu.memory_space<vmem>>, vector<1x64xf32>
    %add3A_87 = vector.broadcast %get3A_86 : vector<1x64xf32> to vector<2048x64xf32>
    %add3A_88 = arith.addf %mul3A_83, %add3A_87 : vector<2048x64xf32>
    %get3A_89 = arith.constant 0 : index
    %get3A_90 = arith.constant 0 : index
    %get3A_91 = vector.load %arg8[%get3A_89, %get3A_90] : memref<64x64xf32, #tpu.memory_space<vmem>>, vector<64x64xf32>
    %dot_general3A_92 = arith.constant dense<0.000000e+00> : vector<2048x64xf32>
    %dot_general3A_93 = tpu.matmul %add3A_88, %get3A_91, %dot_general3A_92 {dimension_numbers = #tpu.dot_dimension_numbers<[1], [0], [0], [1], [0, 0, 1, 1], [], []>, transpose_lhs_hint = false} : vector<2048x64xf32>, vector<64x64xf32>, vector<2048x64xf32> -> vector<2048x64xf32>
    %get3A_94 = arith.constant 7 : index
    %get3A_95 = arith.constant 0 : index
    %get3A_96 = vector.load %arg11[%get3A_94, %get3A_95] : memref<16x128xf32, #tpu.memory_space<vmem>>, vector<1x64xf32>
    %add3A_97 = vector.broadcast %get3A_96 : vector<1x64xf32> to vector<2048x64xf32>
    %add3A_98 = arith.addf %dot_general3A_93, %add3A_97 : vector<2048x64xf32>
    %logistic3A_99 = arith.negf %add3A_98 : vector<2048x64xf32>
    %logistic3A_100 = math.exp %logistic3A_99 : vector<2048x64xf32>
    %logistic3A_101 = arith.constant 1.000000e+00 : f32
    %logistic3A_102 = vector.broadcast %logistic3A_101 : f32 to vector<2048x64xf32>
    %logistic3A_103 = arith.addf %logistic3A_102, %logistic3A_100 : vector<2048x64xf32>
    %logistic3A_104 = arith.divf %logistic3A_102, %logistic3A_103 : vector<2048x64xf32>
    %mul3A_105 = arith.mulf %add3A_98, %logistic3A_104 : vector<2048x64xf32>
    %get3A_106 = arith.constant 0 : index
    %get3A_107 = arith.constant 0 : index
    %get3A_108 = vector.load %arg9[%get3A_106, %get3A_107] : memref<64x64xf32, #tpu.memory_space<vmem>>, vector<64x64xf32>
    %dot_general3A_109 = arith.constant dense<0.000000e+00> : vector<2048x64xf32>
    %dot_general3A_110 = tpu.matmul %mul3A_105, %get3A_108, %dot_general3A_109 {dimension_numbers = #tpu.dot_dimension_numbers<[1], [0], [0], [1], [0, 0, 1, 1], [], []>, transpose_lhs_hint = false} : vector<2048x64xf32>, vector<64x64xf32>, vector<2048x64xf32> -> vector<2048x64xf32>
    %get3A_111 = arith.constant 8 : index
    %get3A_112 = arith.constant 0 : index
    %get3A_113 = vector.load %arg11[%get3A_111, %get3A_112] : memref<16x128xf32, #tpu.memory_space<vmem>>, vector<1x64xf32>
    %add3A_114 = vector.broadcast %get3A_113 : vector<1x64xf32> to vector<2048x64xf32>
    %add3A_115 = arith.addf %dot_general3A_110, %add3A_114 : vector<2048x64xf32>
    %get3A_116 = arith.constant 0 : index
    %get3A_117 = arith.constant 0 : index
    %get3A_118 = vector.load %arg10[%get3A_116, %get3A_117] : memref<64x128xf32, #tpu.memory_space<vmem>>, vector<64x128xf32>
    %dot_general3A_119 = arith.constant dense<0.000000e+00> : vector<2048x128xf32>
    %dot_general3A_120 = tpu.matmul %add3A_115, %get3A_118, %dot_general3A_119 {dimension_numbers = #tpu.dot_dimension_numbers<[1], [0], [0], [1], [0, 0, 1, 1], [], []>, transpose_lhs_hint = false} : vector<2048x64xf32>, vector<64x128xf32>, vector<2048x128xf32> -> vector<2048x128xf32>
    %mul3A_121 = vector.broadcast %get3A_1 : vector<2048x1xf32> to vector<2048x128xf32>
    %mul3A_122 = arith.mulf %dot_general3A_120, %mul3A_121 : vector<2048x128xf32>
    %swap3A = arith.constant 0 : index
    %swap3A_123 = arith.constant 0 : index
    %swap3A_124 = vector.load %arg12[%swap3A, %swap3A_123] : memref<2048x128xf32, #tpu.memory_space<vmem>>, vector<2048x128xf32>
    tpu.vector_store %arg12[%swap3A, %swap3A_123], %mul3A_122 {strides = array<i32>} : memref<2048x128xf32, #tpu.memory_space<vmem>>, vector<2048x128xf32>,
    return
  }
  func.func @transform_0(%arg0: i32) -> (i32, i32) {
    %c0_i32 = arith.constant 0 : i32
    %c0_i32_0 = arith.constant 0 : i32
    return %arg0, %c0_i32 : i32, i32
  }
  func.func @transform_1(%arg0: i32) -> (i32, i32) {
    %c0_i32 = arith.constant 0 : i32
    %c0_i32_0 = arith.constant 0 : i32
    return %arg0, %c0_i32 : i32, i32
  }
  func.func @transform_2(%arg0: i32) -> (i32, i32) {
    %c0_i32 = arith.constant 0 : i32
    %c0_i32_0 = arith.constant 0 : i32
    return %arg0, %c0_i32 : i32, i32
  }
  func.func @transform_3(%arg0: i32) -> (i32, i32) {
    %c0_i32 = arith.constant 0 : i32
    %c0_i32_0 = arith.constant 0 : i32
    return %arg0, %c0_i32 : i32, i32
  }
  func.func @transform_4(%arg0: i32) -> (i32, i32) {
    %c0_i32 = arith.constant 0 : i32
    %c0_i32_0 = arith.constant 0 : i32
    %c0_i32_1 = arith.constant 0 : i32
    return %c0_i32, %c0_i32_0 : i32, i32
  }
  func.func @transform_5(%arg0: i32) -> (i32, i32) {
    %c0_i32 = arith.constant 0 : i32
    %c0_i32_0 = arith.constant 0 : i32
    %c0_i32_1 = arith.constant 0 : i32
    return %c0_i32, %c0_i32_0 : i32, i32
  }
  func.func @transform_6(%arg0: i32) -> (i32, i32) {
    %c0_i32 = arith.constant 0 : i32
    %c0_i32_0 = arith.constant 0 : i32
    %c0_i32_1 = arith.constant 0 : i32
    return %c0_i32, %c0_i32_0 : i32, i32
  }
  func.func @transform_7(%arg0: i32) -> (i32, i32) {
    %c0_i32 = arith.constant 0 : i32
    %c0_i32_0 = arith.constant 0 : i32
    %c0_i32_1 = arith.constant 0 : i32
    return %c0_i32, %c0_i32_0 : i32, i32
  }
  func.func @transform_8(%arg0: i32) -> (i32, i32) {
    %c0_i32 = arith.constant 0 : i32
    %c0_i32_0 = arith.constant 0 : i32
    %c0_i32_1 = arith.constant 0 : i32
    return %c0_i32, %c0_i32_0 : i32, i32
  }
  func.func @transform_9(%arg0: i32) -> (i32, i32) {
    %c0_i32 = arith.constant 0 : i32
    %c0_i32_0 = arith.constant 0 : i32
    %c0_i32_1 = arith.constant 0 : i32
    return %c0_i32, %c0_i32_0 : i32, i32
  }
  func.func @transform_10(%arg0: i32) -> (i32, i32) {
    %c0_i32 = arith.constant 0 : i32
    %c0_i32_0 = arith.constant 0 : i32
    %c0_i32_1 = arith.constant 0 : i32
    return %c0_i32, %c0_i32_0 : i32, i32
  }
  func.func @transform_11(%arg0: i32) -> (i32, i32) {
    %c0_i32 = arith.constant 0 : i32
    %c0_i32_0 = arith.constant 0 : i32
    return %arg0, %c0_i32 : i32, i32
  }
}

module attributes {stable_mosaic.version = 14 : i64} {
  func.func @_phase_f_body(%arg0: i32, %arg1: memref<2048x128xf32, #tpu.memory_space<vmem>>, %arg2: memref<2048x128xf32, #tpu.memory_space<vmem>>, %arg3: memref<2048x128xf32, #tpu.memory_space<vmem>>, %arg4: memref<2048x1xf32, #tpu.memory_space<vmem>>, %arg5: memref<8x128xf32, #tpu.memory_space<vmem>>, %arg6: memref<128x128xf32, #tpu.memory_space<vmem>>, %arg7: memref<128x128xf32, #tpu.memory_space<vmem>>, %arg8: memref<128x128xf32, #tpu.memory_space<vmem>>, %arg9: memref<16x128xf32, #tpu.memory_space<vmem>>, %arg10: memref<2048x128xf32, #tpu.memory_space<vmem>>) attributes {dimension_semantics = [#tpu.dimension_semantics<arbitrary>], iteration_bounds = array<i64: 5>, scalar_prefetch = 0 : i64, scratch_operands = 0 : i64, tpu.core_type = #tpu.core_type<tc>, window_params = [{transform_indices = @transform_0, window_bounds = array<i64: 2048, 128>}, {transform_indices = @transform_1, window_bounds = array<i64: 2048, 128>}, {transform_indices = @transform_2, window_bounds = array<i64: 2048, 128>}, {transform_indices = @transform_3, window_bounds = array<i64: 2048, 1>}, {pipeline_mode = #tpu.pipeline_mode<synchronous>, transform_indices = @transform_4, window_bounds = array<i64: 8, 128>}, {pipeline_mode = #tpu.pipeline_mode<synchronous>, transform_indices = @transform_5, window_bounds = array<i64: 128, 128>}, {pipeline_mode = #tpu.pipeline_mode<synchronous>, transform_indices = @transform_6, window_bounds = array<i64: 128, 128>}, {pipeline_mode = #tpu.pipeline_mode<synchronous>, transform_indices = @transform_7, window_bounds = array<i64: 128, 128>}, {pipeline_mode = #tpu.pipeline_mode<synchronous>, transform_indices = @transform_8, window_bounds = array<i64: 16, 128>}, {transform_indices = @transform_9, window_bounds = array<i64: 2048, 128>}]} {
    %get3A = arith.constant 0 : index
    %get3A_0 = arith.constant 0 : index
    %get3A_1 = vector.load %arg4[%get3A, %get3A_0] : memref<2048x1xf32, #tpu.memory_space<vmem>>, vector<2048x1xf32>
    %get3A_2 = arith.constant 0 : index
    %get3A_3 = arith.constant 0 : index
    %get3A_4 = vector.load %arg1[%get3A_2, %get3A_3] : memref<2048x128xf32, #tpu.memory_space<vmem>>, vector<2048x128xf32>
    %get3A_5 = arith.constant 0 : index
    %get3A_6 = arith.constant 0 : index
    %get3A_7 = vector.load %arg2[%get3A_5, %get3A_6] : memref<2048x128xf32, #tpu.memory_space<vmem>>, vector<2048x128xf32>
    %add3A = arith.addf %get3A_4, %get3A_7 : vector<2048x128xf32>
    %get3A_8 = arith.constant 0 : index
    %get3A_9 = arith.constant 0 : index
    %get3A_10 = vector.load %arg3[%get3A_8, %get3A_9] : memref<2048x128xf32, #tpu.memory_space<vmem>>, vector<2048x128xf32>
    %add3A_11 = arith.addf %add3A, %get3A_10 : vector<2048x128xf32>
    %mul3A = vector.broadcast %get3A_1 : vector<2048x1xf32> to vector<2048x128xf32>
    %mul3A_12 = arith.mulf %add3A_11, %mul3A : vector<2048x128xf32>
    %get3A_13 = arith.constant 9 : index
    %get3A_14 = arith.constant 0 : index
    %get3A_15 = vector.load %arg9[%get3A_13, %get3A_14] : memref<16x128xf32, #tpu.memory_space<vmem>>, vector<1x128xf32>
    %add3A_16 = vector.broadcast %get3A_15 : vector<1x128xf32> to vector<2048x128xf32>
    %add3A_17 = arith.addf %mul3A_12, %add3A_16 : vector<2048x128xf32>
    %logistic3A = arith.negf %add3A_17 : vector<2048x128xf32>
    %logistic3A_18 = math.exp %logistic3A : vector<2048x128xf32>
    %logistic3A_19 = arith.constant 1.000000e+00 : f32
    %logistic3A_20 = vector.broadcast %logistic3A_19 : f32 to vector<2048x128xf32>
    %logistic3A_21 = arith.addf %logistic3A_20, %logistic3A_18 : vector<2048x128xf32>
    %logistic3A_22 = arith.divf %logistic3A_20, %logistic3A_21 : vector<2048x128xf32>
    %mul3A_23 = arith.mulf %add3A_17, %logistic3A_22 : vector<2048x128xf32>
    %get3A_24 = arith.constant 0 : index
    %get3A_25 = arith.constant 0 : index
    %get3A_26 = vector.load %arg5[%get3A_24, %get3A_25] : memref<8x128xf32, #tpu.memory_space<vmem>>, vector<1x128xf32>
    %get3A_27 = arith.constant 0 : index
    %get3A_28 = arith.constant 0 : index
    %get3A_29 = vector.load %arg6[%get3A_27, %get3A_28] : memref<128x128xf32, #tpu.memory_space<vmem>>, vector<128x128xf32>
    %dot_general3A = arith.constant dense<0.000000e+00> : vector<1x128xf32>
    %dot_general3A_30 = tpu.matmul %get3A_26, %get3A_29, %dot_general3A {dimension_numbers = #tpu.dot_dimension_numbers<[1], [0], [0], [1], [0, 0, 1, 1], [], []>, transpose_lhs_hint = false} : vector<1x128xf32>, vector<128x128xf32>, vector<1x128xf32> -> vector<1x128xf32>
    %get3A_31 = arith.constant 10 : index
    %get3A_32 = arith.constant 0 : index
    %get3A_33 = vector.load %arg9[%get3A_31, %get3A_32] : memref<16x128xf32, #tpu.memory_space<vmem>>, vector<1x128xf32>
    %add3A_34 = arith.addf %dot_general3A_30, %get3A_33 : vector<1x128xf32>
    %logistic3A_35 = arith.negf %add3A_34 : vector<1x128xf32>
    %logistic3A_36 = math.exp %logistic3A_35 : vector<1x128xf32>
    %logistic3A_37 = arith.constant 1.000000e+00 : f32
    %logistic3A_38 = vector.broadcast %logistic3A_37 : f32 to vector<1x128xf32>
    %logistic3A_39 = arith.addf %logistic3A_38, %logistic3A_36 : vector<1x128xf32>
    %logistic3A_40 = arith.divf %logistic3A_38, %logistic3A_39 : vector<1x128xf32>
    %mul3A_41 = arith.mulf %add3A_34, %logistic3A_40 : vector<1x128xf32>
    %add3A_42 = vector.broadcast %mul3A_41 : vector<1x128xf32> to vector<2048x128xf32>
    %add3A_43 = arith.addf %mul3A_23, %add3A_42 : vector<2048x128xf32>
    %get3A_44 = arith.constant 0 : index
    %get3A_45 = arith.constant 0 : index
    %get3A_46 = vector.load %arg7[%get3A_44, %get3A_45] : memref<128x128xf32, #tpu.memory_space<vmem>>, vector<128x128xf32>
    %dot_general3A_47 = arith.constant dense<0.000000e+00> : vector<2048x128xf32>
    %dot_general3A_48 = tpu.matmul %add3A_43, %get3A_46, %dot_general3A_47 {dimension_numbers = #tpu.dot_dimension_numbers<[1], [0], [0], [1], [0, 0, 1, 1], [], []>, transpose_lhs_hint = false} : vector<2048x128xf32>, vector<128x128xf32>, vector<2048x128xf32> -> vector<2048x128xf32>
    %get3A_49 = arith.constant 11 : index
    %get3A_50 = arith.constant 0 : index
    %get3A_51 = vector.load %arg9[%get3A_49, %get3A_50] : memref<16x128xf32, #tpu.memory_space<vmem>>, vector<1x128xf32>
    %add3A_52 = vector.broadcast %get3A_51 : vector<1x128xf32> to vector<2048x128xf32>
    %add3A_53 = arith.addf %dot_general3A_48, %add3A_52 : vector<2048x128xf32>
    %logistic3A_54 = arith.negf %add3A_53 : vector<2048x128xf32>
    %logistic3A_55 = math.exp %logistic3A_54 : vector<2048x128xf32>
    %logistic3A_56 = arith.constant 1.000000e+00 : f32
    %logistic3A_57 = vector.broadcast %logistic3A_56 : f32 to vector<2048x128xf32>
    %logistic3A_58 = arith.addf %logistic3A_57, %logistic3A_55 : vector<2048x128xf32>
    %logistic3A_59 = arith.divf %logistic3A_57, %logistic3A_58 : vector<2048x128xf32>
    %mul3A_60 = arith.mulf %add3A_53, %logistic3A_59 : vector<2048x128xf32>
    %reduce_sum3A = arith.constant dense<0.000000e+00> : vector<2048xf32>
    %reduce_sum3A_61 = vector.multi_reduction <add>, %mul3A_60, %reduce_sum3A [1] : vector<2048x128xf32> to vector<2048xf32>
    %broadcast_in_dim3A = vector.shape_cast %reduce_sum3A_61 : vector<2048xf32> to vector<2048x1xf32>
    %div3A = arith.constant 1.280000e+02 : f32
    %div3A_62 = vector.broadcast %div3A : f32 to vector<2048x1xf32>
    %div3A_63 = arith.divf %broadcast_in_dim3A, %div3A_62 : vector<2048x1xf32>
    %mul3A_64 = arith.mulf %mul3A_60, %mul3A_60 : vector<2048x128xf32>
    %reduce_sum3A_65 = arith.constant dense<0.000000e+00> : vector<2048xf32>
    %reduce_sum3A_66 = vector.multi_reduction <add>, %mul3A_64, %reduce_sum3A_65 [1] : vector<2048x128xf32> to vector<2048xf32>
    %broadcast_in_dim3A_67 = vector.shape_cast %reduce_sum3A_66 : vector<2048xf32> to vector<2048x1xf32>
    %div3A_68 = arith.constant 1.280000e+02 : f32
    %div3A_69 = vector.broadcast %div3A_68 : f32 to vector<2048x1xf32>
    %div3A_70 = arith.divf %broadcast_in_dim3A_67, %div3A_69 : vector<2048x1xf32>
    %mul3A_71 = arith.mulf %div3A_63, %div3A_63 : vector<2048x1xf32>
    %sub3A = arith.subf %div3A_70, %mul3A_71 : vector<2048x1xf32>
    %sub3A_72 = vector.broadcast %div3A_63 : vector<2048x1xf32> to vector<2048x128xf32>
    %sub3A_73 = arith.subf %mul3A_60, %sub3A_72 : vector<2048x128xf32>
    %add3A_74 = arith.constant 9.99999974E-6 : f32
    %add3A_75 = vector.broadcast %add3A_74 : f32 to vector<2048x1xf32>
    %add3A_76 = arith.addf %sub3A, %add3A_75 : vector<2048x1xf32>
    %rsqrt3A = math.rsqrt %add3A_76 : vector<2048x1xf32>
    %mul3A_77 = vector.broadcast %rsqrt3A : vector<2048x1xf32> to vector<2048x128xf32>
    %mul3A_78 = arith.mulf %sub3A_73, %mul3A_77 : vector<2048x128xf32>
    %get3A_79 = arith.constant 12 : index
    %get3A_80 = arith.constant 0 : index
    %get3A_81 = vector.load %arg9[%get3A_79, %get3A_80] : memref<16x128xf32, #tpu.memory_space<vmem>>, vector<1x128xf32>
    %mul3A_82 = vector.broadcast %get3A_81 : vector<1x128xf32> to vector<2048x128xf32>
    %mul3A_83 = arith.mulf %mul3A_78, %mul3A_82 : vector<2048x128xf32>
    %get3A_84 = arith.constant 13 : index
    %get3A_85 = arith.constant 0 : index
    %get3A_86 = vector.load %arg9[%get3A_84, %get3A_85] : memref<16x128xf32, #tpu.memory_space<vmem>>, vector<1x128xf32>
    %add3A_87 = vector.broadcast %get3A_86 : vector<1x128xf32> to vector<2048x128xf32>
    %add3A_88 = arith.addf %mul3A_83, %add3A_87 : vector<2048x128xf32>
    %get3A_89 = arith.constant 0 : index
    %get3A_90 = arith.constant 0 : index
    %get3A_91 = vector.load %arg8[%get3A_89, %get3A_90] : memref<128x128xf32, #tpu.memory_space<vmem>>, vector<128x128xf32>
    %dot_general3A_92 = arith.constant dense<0.000000e+00> : vector<2048x128xf32>
    %dot_general3A_93 = tpu.matmul %add3A_88, %get3A_91, %dot_general3A_92 {dimension_numbers = #tpu.dot_dimension_numbers<[1], [0], [0], [1], [0, 0, 1, 1], [], []>, transpose_lhs_hint = false} : vector<2048x128xf32>, vector<128x128xf32>, vector<2048x128xf32> -> vector<2048x128xf32>
    %get3A_94 = arith.constant 14 : index
    %get3A_95 = arith.constant 0 : index
    %get3A_96 = vector.load %arg9[%get3A_94, %get3A_95] : memref<16x128xf32, #tpu.memory_space<vmem>>, vector<1x128xf32>
    %add3A_97 = vector.broadcast %get3A_96 : vector<1x128xf32> to vector<2048x128xf32>
    %add3A_98 = arith.addf %dot_general3A_93, %add3A_97 : vector<2048x128xf32>
    %swap3A = arith.constant 0 : index
    %swap3A_99 = arith.constant 0 : index
    %swap3A_100 = vector.load %arg10[%swap3A, %swap3A_99] : memref<2048x128xf32, #tpu.memory_space<vmem>>, vector<2048x128xf32>
    tpu.vector_store %arg10[%swap3A, %swap3A_99], %add3A_98 {strides = array<i32>} : memref<2048x128xf32, #tpu.memory_space<vmem>>, vector<2048x128xf32>,
    return
  }
  func.func @transform_0(%arg0: i32) -> (i32, i32) {
    %c0_i32 = arith.constant 0 : i32
    %c0_i32_0 = arith.constant 0 : i32
    return %arg0, %c0_i32 : i32, i32
  }
  func.func @transform_1(%arg0: i32) -> (i32, i32) {
    %c0_i32 = arith.constant 0 : i32
    %c0_i32_0 = arith.constant 0 : i32
    return %arg0, %c0_i32 : i32, i32
  }
  func.func @transform_2(%arg0: i32) -> (i32, i32) {
    %c0_i32 = arith.constant 0 : i32
    %c0_i32_0 = arith.constant 0 : i32
    return %arg0, %c0_i32 : i32, i32
  }
  func.func @transform_3(%arg0: i32) -> (i32, i32) {
    %c0_i32 = arith.constant 0 : i32
    %c0_i32_0 = arith.constant 0 : i32
    return %arg0, %c0_i32 : i32, i32
  }
  func.func @transform_4(%arg0: i32) -> (i32, i32) {
    %c0_i32 = arith.constant 0 : i32
    %c0_i32_0 = arith.constant 0 : i32
    %c0_i32_1 = arith.constant 0 : i32
    return %c0_i32, %c0_i32_0 : i32, i32
  }
  func.func @transform_5(%arg0: i32) -> (i32, i32) {
    %c0_i32 = arith.constant 0 : i32
    %c0_i32_0 = arith.constant 0 : i32
    %c0_i32_1 = arith.constant 0 : i32
    return %c0_i32, %c0_i32_0 : i32, i32
  }
  func.func @transform_6(%arg0: i32) -> (i32, i32) {
    %c0_i32 = arith.constant 0 : i32
    %c0_i32_0 = arith.constant 0 : i32
    %c0_i32_1 = arith.constant 0 : i32
    return %c0_i32, %c0_i32_0 : i32, i32
  }
  func.func @transform_7(%arg0: i32) -> (i32, i32) {
    %c0_i32 = arith.constant 0 : i32
    %c0_i32_0 = arith.constant 0 : i32
    %c0_i32_1 = arith.constant 0 : i32
    return %c0_i32, %c0_i32_0 : i32, i32
  }
  func.func @transform_8(%arg0: i32) -> (i32, i32) {
    %c0_i32 = arith.constant 0 : i32
    %c0_i32_0 = arith.constant 0 : i32
    %c0_i32_1 = arith.constant 0 : i32
    return %c0_i32, %c0_i32_0 : i32, i32
  }
  func.func @transform_9(%arg0: i32) -> (i32, i32) {
    %c0_i32 = arith.constant 0 : i32
    %c0_i32_0 = arith.constant 0 : i32
    return %arg0, %c0_i32 : i32, i32
  }
}

</mosaic_0001>

<sc_bundles>
// kernel: kernel.10.cloned.1.call-start
scs
__scs_entry_jumppad:
0x0: {  	(pc) =	sbr.rel $0x88, $3  }
0x1: {  	(tag) =	ssettag $0x0;
	lr =	simm.s32 $0x1  }
0x2: {  	[smem:$0x3F84] =	sst lr;
	_ =	strace $0xD0000000  }
0x3: {  	_ = 	snop  }
0x4: {  	_ = 	snop  }
0x5: {  	_ = 	snop  }
0x6: {  	_ = 	snop  }
0x7: {  	_ = 	snop  }
__scs_overlays_trampoline_lowered:
0x8: {  	[smem:$0x3F93] =	sst s0  }
0x9: {  	[smem:$0x3F94] =	sst s1  }
0xa: {  	[smem:$0x3F95] =	sst s2  }
0xb: {  	[smem:$0x3F96] =	sst s3  }
0xc: {  	[smem:$0x3F97] =	sst s4  }
0xd: {  	[smem:$0x3F98] =	sst s5  }
0xe: {  	[smem:$0x3F99] =	sst s6  }
0xf: {  	[smem:$0x3F9A] =	sst s7  }
0x10: {  	[smem:$0x3F9B] =	sst s8  }
0x11: {  	[smem:$0x3F9C] =	sst s9;
	s0 =	simm.s32 @!p0 $0x0  }
0x12: {  	s1 =	sld [smem:$0x3F82];
	s0 =	simm.s32 @p0 $0x1  }
0x13: {  	[smem:$0x3F9D] =	sst s0;
	s0 =	simm.s32 @!p1 $0x0  }
0x14: {  	s2 =	sld [smem:$0x3F81];
	s0 =	simm.s32 @p1 $0x1  }
0x15: {  	[smem:$0x3F9E] =	sst s0;
	s0 =	simm.s32 @!p2 $0x0  }
0x16: {  	s3 =	sld [smem:$0x3FDB];
	s0 =	simm.s32 @p2 $0x1  }
0x17: {  	s4 =	simm.s32 $0x1BF5;
	[smem:$0x3FA0] =	sst s0  }
0x18: {  	s0 =	sld [smem:$0x3F83];
	_ =	swait.ge [sflag:s4], $0x0  }
0x19: {  	s7 =	sld [smem:$0x3F84]  }
0x1a: {  	s8 =	sadd.s32 $0xFFFFE003, lr  }
0x1b: {  	s9 =	sadd.s32 $0xFFFFFEF7, lr;
	s5 =	simm.s32 $0xFFFFFFFF;
	p2 =	slt.u32 s8, $0xFFFFF086  }
0x1c: {  	p1 =	slt.u32 s9, $0xF7A;
	s5 =	simm.s32 @!p2 $0x0  }
0x1d: {  	s5 =	simm.s32 @p1 $0x1;
	p0 =	seq.s32 s7, s2  }
0x1e: {  	s7 =	smul.u32 @!p0 $0xF7A, s2;
	p2 =	seq.s32 @!p0 s5, $0x0  }
0x1f: {  	s9 =	smul.u32 $0xF7A, s1;
	s8 =	simm.s32 @!p0 $0x1BF5;
	p2 =	por !p2, p0  }
0x20: {  	[sflag:s8] =	ssyncset.s32 @!p0 $0xFFFFF086;
	s6 =	sadd.s32 @!p0 s3, s7;
	s7 =	simm.s32 @!p0 $0x108  }
0x21: {  	s3 =	sadd.s32 s3, s9;
	s6 =	sadd.s32 @!p0 $0x88, s6;
	s7 =	simm.s32 @p2 $0x1082  }
0x22: {  	[simem:s7], [sflag:s8] =	dma.local @!p0 [hbm:s6], $0xF7A  }
0x23: {  	s9 =	sor.u32 $0xD0000000, s2;
	s6 =	simm.s32 $0x108;
	_ =	swait.ge @!p0 [sflag:s8], $0x0  }
0x24: {  	s3 =	sadd.s32 $0x88, s3;
	s6 =	simm.s32 @!p1 $0x1082;
	[sflag:s4] =	ssyncset.s32 $0xFFFFF086  }
0x25: {  	[simem:s6], [sflag:s4] =	dma.local [hbm:s3], $0xF7A  }
0x26: {  	[smem:$0x3F84] =	sst s1;
	(tag) =	ssettag s2;
	_ =	strace s9  }
0x27: {  	s1 =	sld [smem:$0x3F94]  }
0x28: {  	s2 =	sld [smem:$0x3F95]  }
0x29: {  	s4 =	sld [smem:$0x3F97]  }
0x2a: {  	p0 =	seq.s32 s5, $0x0;
	s5 =	sld [smem:$0x3F98]  }
0x2b: {  	s6 =	sld [smem:$0x3F99]  }
0x2c: {  	s7 =	sld [smem:$0x3F9A]  }
0x2d: {  	s3 =	simm.s32 $0x108;
	s8 =	sld [smem:$0x3F9B]  }
0x2e: {  	s3 =	simm.s32 @!p0 $0x1082;
	s9 =	sld [smem:$0x3F9C]  }
0x2f: {  	lr =	sadd.s32 s0, s3;
	s0 =	sld [smem:$0x3F93]  }
0x30: {  	s3 =	sld [smem:$0x3F96]  }
0x31: {  	[smem:$0x3F9F] =	sst s10  }
0x32: {  	s10 =	sld [smem:$0x3F9D];
	_ =	sdelay $0x3  }
0x33: {  	p0 =	seq.s32 s10, $0x1;
	s10 =	sld [smem:$0x3F9F];
	_ =	sdelay $0x3  }
0x34: {  	[smem:$0x3F9F] =	sst s10  }
0x35: {  	s10 =	sld [smem:$0x3F9E];
	_ =	sdelay $0x3  }
0x36: {  	p1 =	seq.s32 s10, $0x1;
	s10 =	sld [smem:$0x3F9F];
	_ =	sdelay $0x3  }
0x37: {  	[smem:$0x3F9F] =	sst s10  }
0x38: {  	s10 =	sld [smem:$0x3FA0]  }
0x39: {  	_ = 	snop;
	(pc) =	sbr.ind lr, $3  }
0x3a: {  	_ = 	snop  }
0x3b: {  	_ = 	snop  }
0x3c: {  	p2 =	seq.s32 s10, $0x1;
	s10 =	sld [smem:$0x3F9F]  }
0x3d: {  	_ =	shalt  }
0x3e: {  	_ =	shalt  }
0x3f: {  	_ =	shalt  }
0x40: {  	_ =	shalt  }
0x41: {  	_ =	shalt  }
0x42: {  	_ =	shalt  }
0x43: {  	_ =	shalt  }
0x44: {  	_ =	shalt  }
0x45: {  	_ =	shalt  }
0x46: {  	_ =	shalt  }
0x47: {  	_ =	shalt  }
0x48: {  	_ =	shalt  }
0x49: {  	_ =	shalt  }
0x4a: {  	_ =	shalt  }
0x4b: {  	_ =	shalt  }
0x4c: {  	_ =	shalt  }
0x4d: {  	_ =	shalt  }
0x4e: {  	_ =	shalt  }
0x4f: {  	_ =	shalt  }
0x50: {  	_ =	shalt  }
0x51: {  	_ =	shalt  }
0x52: {  	_ =	shalt  }
0x53: {  	_ =	shalt  }
0x54: {  	_ =	shalt  }
0x55: {  	_ =	shalt  }
0x56: {  	_ =	shalt  }
0x57: {  	_ =	shalt  }
0x58: {  	_ =	shalt  }
0x59: {  	_ =	shalt  }
0x5a: {  	_ =	shalt  }
0x5b: {  	_ =	shalt  }
0x5c: {  	_ =	shalt  }
0x5d: {  	_ =	shalt  }
0x5e: {  	_ =	shalt  }
0x5f: {  	_ =	shalt  }
0x60: {  	_ =	shalt  }
0x61: {  	_ =	shalt  }
0x62: {  	_ =	shalt  }
0x63: {  	_ =	shalt  }
0x64: {  	_ =	shalt  }
0x65: {  	_ =	shalt  }
0x66: {  	_ =	shalt  }
0x67: {  	_ =	shalt  }
0x68: {  	_ =	shalt  }
0x69: {  	_ =	shalt  }
0x6a: {  	_ =	shalt  }
0x6b: {  	_ =	shalt  }
0x6c: {  	_ =	shalt  }
0x6d: {  	_ =	shalt  }
0x6e: {  	_ =	shalt  }
0x6f: {  	_ =	shalt  }
0x70: {  	_ =	shalt  }
0x71: {  	_ =	shalt  }
0x72: {  	_ =	shalt  }
0x73: {  	_ =	shalt  }
0x74: {  	_ =	shalt  }
0x75: {  	_ =	shalt  }
0x76: {  	_ =	shalt  }
0x77: {  	_ =	shalt  }
0x78: {  	_ =	shalt  }
0x79: {  	_ =	shalt  }
0x7a: {  	_ =	shalt  }
0x7b: {  	_ =	shalt  }
0x7c: {  	_ =	shalt  }
0x7d: {  	_ =	shalt  }
0x7e: {  	_ =	shalt  }
0x7f: {  	_ =	shalt  }
0x80: {  	_ =	shalt  }
0x81: {  	_ =	shalt  }
0x82: {  	_ =	shalt  }
0x83: {  	_ =	shalt  }
0x84: {  	_ =	shalt  }
0x85: {  	_ =	shalt  }
0x86: {  	_ =	shalt  }
0x87: {  	_ =	shalt  }
.Lfunc_end0:
.L_simem_size_0:
called_computation_lowered:
.L_overlay_start_0:
0x88: {  	s2 =	sld [smem:$0x3FD9]  }
0x89: {  	s3 =	sld [smem:$0x3FFE];
	_ =	sdelay $0x1  }
0x8a: {  	s1 =	srdreg.scid  }
0x8b: {  	s0 =	sand.u32 $0x1, s1  }
0x8c: {  	s17 =	sshll.u32 s0, $0xA;
	s2 =	sadd.s32 s3, s2  }
0x8d: {  	s2 =	sadd.s32 s2, s17  }
0x8e: {  	[smem:$0x3FAB] =	sst s2  }
0x8f: {  	_ = 	snop  }
0x90: {  	s2 =	sld [smem:$0x3FD0];
	(tm) =	ssettm $0x1  }
0x91: {  	s18 =	sld [smem:$0x3FFB];
	_ =	sdelay $0x3  }
0x92: {  	_ =	strace s18  }
0x93: {  	s3 =	sld [smem:$0x3FFC];
	_ =	sdelay $0x3  }
0x94: {  	_ =	strace s3  }
0x95: {  	s3 =	sld [smem:$0x3FFD];
	_ =	sdelay $0x3  }
0x96: {  	_ =	strace s3  }
0x97: {  	_ =	strace $0x8FFFFFFF  }
0x98: {  	s19 =	sld [smem:$0x3FDB];
	_ =	sdelay $0x1  }
0x99: {  	s4 =	simm.s32 $_scs_section_size  }
0x9a: {  	s5 =	simm.s32 $_size__tile_overlayer_lowered;
	s6 =	simm.s32 $_tile_overlayer_lowered  }
0x9b: {  	s22 =	simm.s32 $0x1BFF;
	s21 =	sshll.u32 s6, $0x1;
	s3 =	sadd.s32 s4, s19  }
0x9c: {  	s7 =	simm.s32 $0x0;
	s20 =	sshll.u32 s5, $0x1;
	s5 =	sadd.s32 s21, s3  }
0x9d: {  	[timem:s7], [sflag:s22] =	dma.local [hbm:s5], s20  }
0x9e: {  	_ =	swait.ge [sflag:s22], s20  }
0x9f: {  	s4 =	ssub.s32 $0x0, s20;
	[sflag:s22] =	ssyncset.done $0x0  }
0xa0: {  	[sflag:s22] =	ssyncadd.s32 s4;
	_ =	sdelay $0x1  }
0xa1: {  	s23 =	simm.s32 $0x1B8B  }
0xa2: {  	_ =	swait.ge [sflag:s23], $0x1  }
0xa3: {  	[sflag:s23] =	ssyncset.done $0x0  }
0xa4: {  	s25 =	simm.s32 $0x1B8E;
	s24 =	sld [smem:$0x3FFE];
	[sflag:s23] =	ssyncadd.s32 $0xFFFFFFFF  }
0xa5: {  	s26 =	simm.s32 $execute0_lowered;
	[smem:$0x3FD2] =	sst s25  }
0xa6: {  	s5 =	sshll.u32 s26, $0x1;
	_ =	strace $0x80000046;
	[dreg:$0x1] =	wrdreg $0xFFFFFFFF  }
0xa7: {  	s28 =	simm.s32 $_size_execute0_lowered;
	s3 =	sadd.s32 s3, s5;
	[dreg:$0x0] =	wrdreg $0x0  }
0xa8: {  	s5 =	sshll.u32 s28, $0x1;
	[dreg:$0x2] =	wrdreg s3  }
0xa9: {  	[dreg:$0x3] =	wrdreg s5  }
0xaa: {  	[dreg:$0x4] =	wrdreg $0xC0  }
0xab: {  	_ =	task [dreg:s7], $0x5FFFF  }
0xac: {  	[dreg:$0x1] =	wrdreg $0xFFFFFFFF  }
0xad: {  	[dreg:$0x0] =	wrdreg $0x60  }
0xae: {  	[dreg:$0x2] =	wrdreg s2  }
0xaf: {  	[dreg:$0x3] =	wrdreg s24  }
0xb0: {  	[dreg:$0x4] =	wrdreg $0x9  }
0xb1: {  	_ =	task.clear_ibuf [dreg:s7], $0x5FFFF;
	_ =	strace $0x90000046  }
0xb2: {  	s29 =	simm.s32 $0x9;
	_ =	strace $0x80000048  }
0xb3: {  	_ =	swait.ge [sflag:s29], $0x1  }
0xb4: {  	[sflag:s29] =	ssyncadd.s32 $0xFFFFFFFF  }
0xb5: {  	_ =	strace $0x90000048  }
0xb6: {  	_ =	sfence  }
0xb7: {  	s30 =	sld [smem:$0x0];
	_ =	sdelay $0x2  }
0xb8: {  	s31 =	sshll.u32 s1, $0xD;
	s1 =	sshrl.u32 s1, $0x2  }
0xb9: {  	s3 =	sand.u32 $0x4000, s31;
	s1 =	sadd.s32 s1, s30  }
0xba: {  	s0 =	sor.u32 s3, s0;
	s1 =	sshll.u32 s1, $0x11  }
0xbb: {  	s0 =	sor.u32 s1, s0  }
0xbc: {  	s0 =	sadd.s32 $0x8F2B, s0  }
0xbd: {  	[sflag:s0] =	ssyncadd.remote.s32 $0x1  }
0xbe: {  	_ =	sfence.sel $0xFFFF  }
0xbf: {  	[dreg:$0x0] =	wrdreg $0xFFFFFFFF;
	(pc) =	sbr.abs _section_cstart, $3  }
0xc0: {  	[dreg:$0x1] =	wrdreg $0xFFFFFFFF  }
0xc1: {  	_ =	task.clear_ibuf [dreg:s7], $0x2FFFF;
	_ =	strace $0x9FFFFFFF  }
0xc2: {  	(tm) =	ssettm $0x7FFFFFFF  }
0xc3: {  	_ =	shalt  }
tec
execute0_lowered:
.L_overlay_start_1:
0x0: {  	(tag) =	ssettag $0x1  }
0x1: {  	s0 =	srdreg.scid;
	s3 =	rddreg [dreg:$0x0]  }
0x2: {  	s5 =	rddreg [dreg:$0x1];
	s4 =	sand.u32 $0x1, s0  }
0x3: {  	s1 =	stileid.u32;
	s8 =	simm.s32 $0x0;
	s2 =	sshll.u32 s4, $0x4  }
0x4: {  	s4 =	ssub.s32 $0x2, s4;
	s6 =	sor.u32 s1, s2;
	s2 =	simm.s32 $0x0  }
0x5: {  	s7 =	sshrl.u32 s4, $0x1;
	s6 =	smul.u32 $0x500, s6;
	[smem:$0x7FF] =	sst s2  }
0x6: {  	s0 =	rddreg [dreg:$0x2];
	s7 =	ssub.s32 s4, s7;
	_ =	strace $0x80000047  }
0x7: {  	s5 =	sadd.s32 s6, s5;
	s3 =	sadd.s32 s3, s6;
	s6 =	simm.s32 $0x1  }
0x8: {  	v0 =	vimm.f32 $0.0e+00;
	v1 =	vimm.f32 $1.000000000e+00;
	s4 =	sadd.s32 $0x6000, s5;
	s5 =	smax.u32 s7, $0x1;
	s7 =	simm.s32 $0x2800  }
.LBB2_1:
0x9: {  	s9 =	simm.s32 $0x40;
	s10 =	simm.s32 $0x0  }
.LBB2_2:
0xa: {  	p0 =	sne.s32 s9, $0x9FC0;
	[tilespmem:s10+$0x2800] =	vst v0;
	s10 =	smov.u32 s9;
	s9 =	sadd.s32 $0x40, s9  }
.Ltmp0:
0xb: {  	(pc) =	sbr.rel @p0 .LBB2_2-.Ltmp0, $2  }
0xc: {  	_ =	sdelay $0x2  }
0xd: {  	s10 =	sshra.s32 s10, $0x2  }
0xe: {  	[tilespmem:s10+$0x2800] =	vst v0;
	s9 =	simm.s32 $0x0  }
0xf: {  	[tilespmem:s9], [sflag:$0x1] =	stream.linear.gather [hbm4b:s3+s9], $0x2800, $0x38;
	[tilespmem:$0x5000] =	vst v63  }
0x10: {  	s31 =	sand.u32 $0xFE00, s9;
	_ =	swait.ge [sflag:s6], $0x2800  }
0x11: {  	s9 =	sand.u32 $0x70, s9;
	s10 =	sshrl.u32 s31, $0x2;
	[sflag:s6] =	ssyncset.done $0x0  }
0x12: {  	s9 =	sor.u32 s9, s10;
	[sflag:s6] =	ssyncadd.s32 $0xFFFFD800  }
0x13: {  	v2 =	vld [tilespmem:s9+$0x0];
	_ =	sdelay $0x4  }
0x14: {  	s11 =	simm.s32 $0x40  }
0x15: {  	s11 =	sand.u32 $0xFE00, s11;
	s10 =	simm.s32 $0x80;
	s9 =	simm.s32 $0x10  }
.LBB2_4:
0x16: {  	p0 =	sne.s32 s10, $0x9FC0;
	s12 =	sand.u32 $0x70, s9;
	s11 =	sshrl.u32 s11, $0x2  }
0x17: {  	s11 =	sor.u32 s12, s11;
	[tilespmem:v2+s7+$0x0] =	vst.idx.add.f32.msk $0xffff, v1  }
0x18: {  	v2 =	vld [tilespmem:s11+$0x0];
	_ =	sdelay $0x1  }
.Ltmp1:
0x19: {  	(pc) =	sbr.rel @p0 .LBB2_4-.Ltmp1, $2  }
0x1a: {  	_ =	sdelay $0x2  }
0x1b: {  	s9 =	sadd.s32 $0x10, s9;
	s11 =	sand.u32 $0xFE00, s10;
	s10 =	sadd.s32 $0x40, s10  }
0x1c: {  	_ =	sdelay $0x2  }
0x1d: {  	s9 =	sand.u32 $0x70, s9;
	s10 =	sshrl.u32 s11, $0x2  }
0x1e: {  	[tilespmem:v2+s7+$0x0] =	vst.idx.add.f32.msk $0xffff, v1;
	s9 =	sor.u32 s9, s10  }
0x1f: {  	v2 =	vld [tilespmem:s9+$0x0];
	_ =	sdelay $0x5  }
0x20: {  	s8 =	sadd.s32 $0x1, s8  }
0x21: {  	p0 =	sne.s32 s8, s5  }
.Ltmp2:
0x22: {  	[tilespmem:v2+s7+$0x0] =	vst.idx.add.f32.msk $0xffff, v1;
	(pc) =	sbr.rel @p0 .LBB2_1-.Ltmp2, $4  }
0x23: {  	[hbm4b:s4+s2] =	stream.linear.scatter [tilespmem:s7], [sflag:$0x1], $0x2800, $0x38;
	[tilespmem:$0x5000] =	vst v63  }
0x24: {  	_ =	swait.ge [sflag:s6], $0x2800  }
0x25: {  	[sflag:s6] =	ssyncset.done $0x0  }
0x26: {  	[sflag:s6] =	ssyncadd.s32 $0xFFFFD800  }
0x27: {  	_ =	sfence.sel $0x180000  }
0x28: {  	[bflag:$0x0] =	sbarrier.arrive $0xFFFF  }
0x29: {  	p0 =	sne.s32 s1, $0x0;
	_ =	strace $0x90000047  }
0x2a: {  	s0 =	sadd.s32 @!p0 $0x100000, s0;
	[bflag:$0x2] =	sbarrier.arrive $0xFFFF  }
0x2b: {  	[sflag:s0] =	ssyncadd.tile.s32 @!p0 $0x1;
	_ =	shalt  }
.Lfunc_end2:
_tile_overlayer_lowered:
.L_overlay_start_2:
0x2c: {  	(tag) =	ssettag $0x2  }
0x2d: {  	s0 =	rddreg [dreg:$0x0];
	s2 =	stileid.u32  }
0x2e: {  	s1 =	rddreg [dreg:$0x1];
	p0 =	sne.s32 s2, $0x0  }
0x2f: {  	s3 =	rddreg [dreg:$0x2];
	[bflag:$0x3] =	sbarrier.arrive $0xFFFF;
	s2 =	simm.s32 @!p0 $0x1C01  }
0x30: {  	[timem:s3], [sflag:s2] =	dma.local @!p0 [hbm:s0], s1  }
0x31: {  	s0 =	simm.s32 @!p0 $0x1  }
0x32: {  	_ =	swait.ge @!p0 [sflag:s0], s1  }
0x33: {  	s1 =	ssub.s32 @!p0 $0x0, s1;
	[sflag:s0] =	ssyncset.done @!p0 $0x0  }
0x34: {  	[sflag:s0] =	ssyncadd.s32 @!p0 s1  }
0x35: {  	[bflag:$0x3] =	sbarrier.arrive $0xFFFF  }
0x36: {  	_ =	shalt  }

// kernel: kernel.13.cloned.1.call-start
scs
__scs_entry_jumppad:
0x0: {  	(pc) =	sbr.rel $0x88, $3  }
0x1: {  	(tag) =	ssettag $0x0;
	lr =	simm.s32 $0x1  }
0x2: {  	[smem:$0x3F84] =	sst lr;
	_ =	strace $0xD0000000  }
0x3: {  	_ = 	snop  }
0x4: {  	_ = 	snop  }
0x5: {  	_ = 	snop  }
0x6: {  	_ = 	snop  }
0x7: {  	_ = 	snop  }
__scs_overlays_trampoline_lowered:
0x8: {  	[smem:$0x3F93] =	sst s0  }
0x9: {  	[smem:$0x3F94] =	sst s1  }
0xa: {  	[smem:$0x3F95] =	sst s2  }
0xb: {  	[smem:$0x3F96] =	sst s3  }
0xc: {  	[smem:$0x3F97] =	sst s4  }
0xd: {  	[smem:$0x3F98] =	sst s5  }
0xe: {  	[smem:$0x3F99] =	sst s6  }
0xf: {  	[smem:$0x3F9A] =	sst s7  }
0x10: {  	[smem:$0x3F9B] =	sst s8  }
0x11: {  	[smem:$0x3F9C] =	sst s9;
	s0 =	simm.s32 @!p0 $0x0  }
0x12: {  	s1 =	sld [smem:$0x3F82];
	s0 =	simm.s32 @p0 $0x1  }
0x13: {  	[smem:$0x3F9D] =	sst s0;
	s0 =	simm.s32 @!p1 $0x0  }
0x14: {  	s2 =	sld [smem:$0x3F81];
	s0 =	simm.s32 @p1 $0x1  }
0x15: {  	[smem:$0x3F9E] =	sst s0;
	s0 =	simm.s32 @!p2 $0x0  }
0x16: {  	s3 =	sld [smem:$0x3FDB];
	s0 =	simm.s32 @p2 $0x1  }
0x17: {  	s4 =	simm.s32 $0x1BF5;
	[smem:$0x3FA0] =	sst s0  }
0x18: {  	s0 =	sld [smem:$0x3F83];
	_ =	swait.ge [sflag:s4], $0x0  }
0x19: {  	s7 =	sld [smem:$0x3F84]  }
0x1a: {  	s8 =	sadd.s32 $0xFFFFE003, lr  }
0x1b: {  	s9 =	sadd.s32 $0xFFFFFEF7, lr;
	s5 =	simm.s32 $0xFFFFFFFF;
	p2 =	slt.u32 s8, $0xFFFFF086  }
0x1c: {  	p1 =	slt.u32 s9, $0xF7A;
	s5 =	simm.s32 @!p2 $0x0  }
0x1d: {  	s5 =	simm.s32 @p1 $0x1;
	p0 =	seq.s32 s7, s2  }
0x1e: {  	s7 =	smul.u32 @!p0 $0xF7A, s2;
	p2 =	seq.s32 @!p0 s5, $0x0  }
0x1f: {  	s9 =	smul.u32 $0xF7A, s1;
	s8 =	simm.s32 @!p0 $0x1BF5;
	p2 =	por !p2, p0  }
0x20: {  	[sflag:s8] =	ssyncset.s32 @!p0 $0xFFFFF086;
	s6 =	sadd.s32 @!p0 s3, s7;
	s7 =	simm.s32 @!p0 $0x108  }
0x21: {  	s3 =	sadd.s32 s3, s9;
	s6 =	sadd.s32 @!p0 $0x88, s6;
	s7 =	simm.s32 @p2 $0x1082  }
0x22: {  	[simem:s7], [sflag:s8] =	dma.local @!p0 [hbm:s6], $0xF7A  }
0x23: {  	s9 =	sor.u32 $0xD0000000, s2;
	s6 =	simm.s32 $0x108;
	_ =	swait.ge @!p0 [sflag:s8], $0x0  }
0x24: {  	s3 =	sadd.s32 $0x88, s3;
	s6 =	simm.s32 @!p1 $0x1082;
	[sflag:s4] =	ssyncset.s32 $0xFFFFF086  }
0x25: {  	[simem:s6], [sflag:s4] =	dma.local [hbm:s3], $0xF7A  }
0x26: {  	[smem:$0x3F84] =	sst s1;
	(tag) =	ssettag s2;
	_ =	strace s9  }
0x27: {  	s1 =	sld [smem:$0x3F94]  }
0x28: {  	s2 =	sld [smem:$0x3F95]  }
0x29: {  	s4 =	sld [smem:$0x3F97]  }
0x2a: {  	p0 =	seq.s32 s5, $0x0;
	s5 =	sld [smem:$0x3F98]  }
0x2b: {  	s6 =	sld [smem:$0x3F99]  }
0x2c: {  	s7 =	sld [smem:$0x3F9A]  }
0x2d: {  	s3 =	simm.s32 $0x108;
	s8 =	sld [smem:$0x3F9B]  }
0x2e: {  	s3 =	simm.s32 @!p0 $0x1082;
	s9 =	sld [smem:$0x3F9C]  }
0x2f: {  	lr =	sadd.s32 s0, s3;
	s0 =	sld [smem:$0x3F93]  }
0x30: {  	s3 =	sld [smem:$0x3F96]  }
0x31: {  	[smem:$0x3F9F] =	sst s10  }
0x32: {  	s10 =	sld [smem:$0x3F9D];
	_ =	sdelay $0x3  }
0x33: {  	p0 =	seq.s32 s10, $0x1;
	s10 =	sld [smem:$0x3F9F];
	_ =	sdelay $0x3  }
0x34: {  	[smem:$0x3F9F] =	sst s10  }
0x35: {  	s10 =	sld [smem:$0x3F9E];
	_ =	sdelay $0x3  }
0x36: {  	p1 =	seq.s32 s10, $0x1;
	s10 =	sld [smem:$0x3F9F];
	_ =	sdelay $0x3  }
0x37: {  	[smem:$0x3F9F] =	sst s10  }
0x38: {  	s10 =	sld [smem:$0x3FA0]  }
0x39: {  	_ = 	snop;
	(pc) =	sbr.ind lr, $3  }
0x3a: {  	_ = 	snop  }
0x3b: {  	_ = 	snop  }
0x3c: {  	p2 =	seq.s32 s10, $0x1;
	s10 =	sld [smem:$0x3F9F]  }
0x3d: {  	_ =	shalt  }
0x3e: {  	_ =	shalt  }
0x3f: {  	_ =	shalt  }
0x40: {  	_ =	shalt  }
0x41: {  	_ =	shalt  }
0x42: {  	_ =	shalt  }
0x43: {  	_ =	shalt  }
0x44: {  	_ =	shalt  }
0x45: {  	_ =	shalt  }
0x46: {  	_ =	shalt  }
0x47: {  	_ =	shalt  }
0x48: {  	_ =	shalt  }
0x49: {  	_ =	shalt  }
0x4a: {  	_ =	shalt  }
0x4b: {  	_ =	shalt  }
0x4c: {  	_ =	shalt  }
0x4d: {  	_ =	shalt  }
0x4e: {  	_ =	shalt  }
0x4f: {  	_ =	shalt  }
0x50: {  	_ =	shalt  }
0x51: {  	_ =	shalt  }
0x52: {  	_ =	shalt  }
0x53: {  	_ =	shalt  }
0x54: {  	_ =	shalt  }
0x55: {  	_ =	shalt  }
0x56: {  	_ =	shalt  }
0x57: {  	_ =	shalt  }
0x58: {  	_ =	shalt  }
0x59: {  	_ =	shalt  }
0x5a: {  	_ =	shalt  }
0x5b: {  	_ =	shalt  }
0x5c: {  	_ =	shalt  }
0x5d: {  	_ =	shalt  }
0x5e: {  	_ =	shalt  }
0x5f: {  	_ =	shalt  }
0x60: {  	_ =	shalt  }
0x61: {  	_ =	shalt  }
0x62: {  	_ =	shalt  }
0x63: {  	_ =	shalt  }
0x64: {  	_ =	shalt  }
0x65: {  	_ =	shalt  }
0x66: {  	_ =	shalt  }
0x67: {  	_ =	shalt  }
0x68: {  	_ =	shalt  }
0x69: {  	_ =	shalt  }
0x6a: {  	_ =	shalt  }
0x6b: {  	_ =	shalt  }
0x6c: {  	_ =	shalt  }
0x6d: {  	_ =	shalt  }
0x6e: {  	_ =	shalt  }
0x6f: {  	_ =	shalt  }
0x70: {  	_ =	shalt  }
0x71: {  	_ =	shalt  }
0x72: {  	_ =	shalt  }
0x73: {  	_ =	shalt  }
0x74: {  	_ =	shalt  }
0x75: {  	_ =	shalt  }
0x76: {  	_ =	shalt  }
0x77: {  	_ =	shalt  }
0x78: {  	_ =	shalt  }
0x79: {  	_ =	shalt  }
0x7a: {  	_ =	shalt  }
0x7b: {  	_ =	shalt  }
0x7c: {  	_ =	shalt  }
0x7d: {  	_ =	shalt  }
0x7e: {  	_ =	shalt  }
0x7f: {  	_ =	shalt  }
0x80: {  	_ =	shalt  }
0x81: {  	_ =	shalt  }
0x82: {  	_ =	shalt  }
0x83: {  	_ =	shalt  }
0x84: {  	_ =	shalt  }
0x85: {  	_ =	shalt  }
0x86: {  	_ =	shalt  }
0x87: {  	_ =	shalt  }
.Lfunc_end0:
.L_simem_size_0:
called_computation.1_lowered:
.L_overlay_start_0:
0x88: {  	s2 =	sld [smem:$0x3FD9]  }
0x89: {  	s3 =	sld [smem:$0x3FFE];
	_ =	sdelay $0x1  }
0x8a: {  	s1 =	srdreg.scid  }
0x8b: {  	s0 =	sand.u32 $0x1, s1  }
0x8c: {  	s17 =	sshll.u32 s0, $0xA;
	s2 =	sadd.s32 s3, s2  }
0x8d: {  	s2 =	sadd.s32 s2, s17  }
0x8e: {  	[smem:$0x3FAB] =	sst s2  }
0x8f: {  	_ = 	snop  }
0x90: {  	s2 =	sld [smem:$0x3FD0];
	(tm) =	ssettm $0x1  }
0x91: {  	s18 =	sld [smem:$0x3FFB];
	_ =	sdelay $0x3  }
0x92: {  	_ =	strace s18  }
0x93: {  	s3 =	sld [smem:$0x3FFC];
	_ =	sdelay $0x3  }
0x94: {  	_ =	strace s3  }
0x95: {  	s3 =	sld [smem:$0x3FFD];
	_ =	sdelay $0x3  }
0x96: {  	_ =	strace s3  }
0x97: {  	_ =	strace $0x8FFFFFFF  }
0x98: {  	s19 =	sld [smem:$0x3FDB];
	_ =	sdelay $0x1  }
0x99: {  	s4 =	simm.s32 $_scs_section_size  }
0x9a: {  	s5 =	simm.s32 $_size__tile_overlayer_lowered;
	s6 =	simm.s32 $_tile_overlayer_lowered  }
0x9b: {  	s22 =	simm.s32 $0x1BFF;
	s21 =	sshll.u32 s6, $0x1;
	s3 =	sadd.s32 s4, s19  }
0x9c: {  	s7 =	simm.s32 $0x0;
	s20 =	sshll.u32 s5, $0x1;
	s5 =	sadd.s32 s21, s3  }
0x9d: {  	[timem:s7], [sflag:s22] =	dma.local [hbm:s5], s20  }
0x9e: {  	_ =	swait.ge [sflag:s22], s20  }
0x9f: {  	s4 =	ssub.s32 $0x0, s20;
	[sflag:s22] =	ssyncset.done $0x0  }
0xa0: {  	[sflag:s22] =	ssyncadd.s32 s4;
	_ =	sdelay $0x1  }
0xa1: {  	s23 =	simm.s32 $0x1B8B  }
0xa2: {  	_ =	swait.ge [sflag:s23], $0x1  }
0xa3: {  	[sflag:s23] =	ssyncset.done $0x0  }
0xa4: {  	s25 =	simm.s32 $0x1B8E;
	s24 =	sld [smem:$0x3FFE];
	[sflag:s23] =	ssyncadd.s32 $0xFFFFFFFF  }
0xa5: {  	s26 =	simm.s32 $execute0_lowered;
	[smem:$0x3FD2] =	sst s25  }
0xa6: {  	s5 =	sshll.u32 s26, $0x1;
	_ =	strace $0x80000049;
	[dreg:$0x1] =	wrdreg $0xFFFFFFFF  }
0xa7: {  	s28 =	simm.s32 $_size_execute0_lowered;
	s3 =	sadd.s32 s3, s5;
	[dreg:$0x0] =	wrdreg $0x0  }
0xa8: {  	s5 =	sshll.u32 s28, $0x1;
	[dreg:$0x2] =	wrdreg s3  }
0xa9: {  	[dreg:$0x3] =	wrdreg s5  }
0xaa: {  	[dreg:$0x4] =	wrdreg $0xC0  }
0xab: {  	_ =	task [dreg:s7], $0x5FFFF  }
0xac: {  	[dreg:$0x1] =	wrdreg $0xFFFFFFFF  }
0xad: {  	[dreg:$0x0] =	wrdreg $0x60  }
0xae: {  	[dreg:$0x2] =	wrdreg s2  }
0xaf: {  	[dreg:$0x3] =	wrdreg s24  }
0xb0: {  	[dreg:$0x4] =	wrdreg $0xD0000  }
0xb1: {  	[dreg:$0x5] =	wrdreg $0x9  }
0xb2: {  	_ =	task.clear_ibuf [dreg:s7], $0x6FFFF;
	_ =	strace $0x90000049  }
0xb3: {  	s29 =	simm.s32 $0x9;
	_ =	strace $0x8000004B  }
0xb4: {  	_ =	swait.ge [sflag:s29], $0x1  }
0xb5: {  	[sflag:s29] =	ssyncadd.s32 $0xFFFFFFFF  }
0xb6: {  	_ =	strace $0x9000004B  }
0xb7: {  	_ =	sfence  }
0xb8: {  	s30 =	sld [smem:$0x0];
	_ =	sdelay $0x2  }
0xb9: {  	s31 =	sshll.u32 s1, $0xD;
	s1 =	sshrl.u32 s1, $0x2  }
0xba: {  	s3 =	sand.u32 $0x4000, s31;
	s1 =	sadd.s32 s1, s30  }
0xbb: {  	s0 =	sor.u32 s3, s0;
	s1 =	sshll.u32 s1, $0x11  }
0xbc: {  	s0 =	sor.u32 s1, s0  }
0xbd: {  	s0 =	sadd.s32 $0x8F2B, s0  }
0xbe: {  	[sflag:s0] =	ssyncadd.remote.s32 $0x1  }
0xbf: {  	_ =	sfence.sel $0xFFFF  }
0xc0: {  	[dreg:$0x0] =	wrdreg $0xFFFFFFFF;
	(pc) =	sbr.abs _section_cstart, $3  }
0xc1: {  	[dreg:$0x1] =	wrdreg $0xFFFFFFFF  }
0xc2: {  	_ =	task.clear_ibuf [dreg:s7], $0x2FFFF;
	_ =	strace $0x9FFFFFFF  }
0xc3: {  	(tm) =	ssettm $0x7FFFFFFF  }
tec
execute0_lowered:
.L_overlay_start_1:
0x0: {  	(tag) =	ssettag $0x1  }
0x1: {  	s1 =	rddreg [dreg:$0x0]  }
0x2: {  	s0 =	rddreg [dreg:$0x1]  }
0x3: {  	s2 =	rddreg [dreg:$0x2]  }
0x4: {  	s4 =	simm.s32 $0x0;
	s3 =	srdreg.scid;
	s8 =	stileid.u32  }
0x5: {  	s10 =	simm.s32 $0x90;
	s16 =	simm.s32 $0x9000;
	s18 =	simm.s32 $0x80  }
0x6: {  	s19 =	simm.s32 $0xB000;
	s20 =	simm.s32 $0x1;
	s21 =	simm.s32 $0x3  }
0x7: {  	s22 =	simm.s32 $0x2;
	s23 =	simm.s32 $0x0;
	s5 =	smul.u32 $0x90, s8  }
0x8: {  	[smem:$0x7FF] =	sst s4;
	s3 =	sand.u32 $0x1, s3;
	s7 =	smul.u32 $0xA000, s8  }
0x9: {  	s6 =	sshll.u32 s8, $0x4;
	s8 =	smul.u32 $0x28000, s8;
	p0 =	seq.s32 s3, $0x0  }
0xa: {  	s6 =	sor.u32 $0x900, s6;
	s29 =	smul.u32 $0xA0000, s3;
	s3 =	ssub.s32 $0x2, s3  }
0xb: {  	_ =	strace $0x8000004A;
	s6 =	smov.u32 @p0 s5;
	s30 =	sshrl.u32 s3, $0x1  }
0xc: {  	s8 =	sshrl.u32 s8, $0x2;
	s10 =	simm.s32 @!p0 $0x10;
	s6 =	sshll.u32 s6, $0x4  }
0xd: {  	s5 =	sadd.s32 s7, s29;
	s3 =	ssub.s32 s3, s30;
	s9 =	sadd.s32 s8, s2  }
0xe: {  	s15 =	sshrl.u32 s10, $0x1;
	s12 =	sadd.s32 s6, s0;
	s5 =	sshrl.u32 s5, $0x3  }
0xf: {  	s31 =	sadd.s32 $0x2000, s9;
	s8 =	sadd.s32 $0x6000, s9;
	s14 =	smax.u32 s3, $0x1  }
0x10: {  	s15 =	sadd.s32 $0xFFFFFFFF, s15;
	s0 =	sadd.s32 s5, s0;
	s5 =	sadd.s32 s7, s2  }
0x11: {  	[dreg:$0x4] =	wrdreg s31;
	s7 =	sadd.s32 $0x4000, s9;
	s9 =	sadd.s32 $0x8000, s9  }
0x12: {  	v0 =	vimm.f32 $0.0e+00;
	s11 =	sadd.s32 $0x10600, s12;
	s12 =	sadd.s32 $0x1B000, s12;
	s13 =	sadd.s32 $0x4DA00, s0  }
.LBB2_1:
0x13: {  	s0 =	sand.u32 $0x7F00, s4  }
0x14: {  	s3 =	sand.u32 $0x30, s4;
	s0 =	sshrl.u32 s0, $0x2  }
0x15: {  	s24 =	simm.s32 $0x40;
	s3 =	sor.u32 s3, s0;
	s0 =	simm.s32 $0x0  }
.LBB2_2:
0x16: {  	p0 =	sne.s32 s24, $0x7FC0  }
0x17: {  	[tilespmem:s3+$0x9000] =	vst v0;
	s0 =	sadd.s32 $0x10, s0;
	s3 =	smov.u32 s24;
	s24 =	sadd.s32 $0x40, s24  }
.Ltmp0:
0x18: {  	(pc) =	sbr.rel @p0 .LBB2_2-.Ltmp0, $4  }
0x19: {  	_ = 	snop  }
0x1a: {  	s3 =	sand.u32 $0x7F00, s3  }
0x1b: {  	s25 =	sand.u32 $0x30, s0;
	s3 =	sshrl.u32 s3, $0x2  }
0x1c: {  	s3 =	sor.u32 s25, s3  }
0x1d: {  	[tilespmem:s3+$0x9000] =	vst v0;
	s0 =	simm.s32 $0x3  }
0x1e: {  	[spmem:s5] =	stream.linear.scatter [tilespmem:s16], [sflag:$0x3], $0x2000, $0x38;
	[tilespmem:$0x17000] =	vst v63  }
0x1f: {  	_ =	swait.ge [sflag:s0], $0x2000  }
0x20: {  	[sflag:s0] =	ssyncset.done $0x0  }
0x21: {  	s24 =	rddreg [dreg:$0x4];
	[sflag:s0] =	ssyncadd.s32 $0xFFFFE000  }
0x22: {  	[spmem:s24] =	stream.linear.scatter [tilespmem:s16], [sflag:$0x3], $0x2000, $0x38;
	[tilespmem:$0x17000] =	vst v63  }
0x23: {  	_ =	swait.ge [sflag:s0], $0x2000  }
0x24: {  	[sflag:s0] =	ssyncset.done $0x0  }
0x25: {  	[sflag:s0] =	ssyncadd.s32 $0xFFFFE000  }
0x26: {  	[spmem:s7] =	stream.linear.scatter [tilespmem:s16], [sflag:$0x3], $0x2000, $0x38;
	[tilespmem:$0x17000] =	vst v63  }
0x27: {  	_ =	swait.ge [sflag:s0], $0x2000  }
0x28: {  	[sflag:s0] =	ssyncset.done $0x0  }
0x29: {  	[sflag:s0] =	ssyncadd.s32 $0xFFFFE000  }
0x2a: {  	[spmem:s8] =	stream.linear.scatter [tilespmem:s16], [sflag:$0x3], $0x2000, $0x38;
	[tilespmem:$0x17000] =	vst v63  }
0x2b: {  	_ =	swait.ge [sflag:s0], $0x2000  }
0x2c: {  	[sflag:s0] =	ssyncset.done $0x0  }
0x2d: {  	[sflag:s0] =	ssyncadd.s32 $0xFFFFE000  }
0x2e: {  	[spmem:s9] =	stream.linear.scatter [tilespmem:s16], [sflag:$0x3], $0x2000, $0x38;
	[tilespmem:$0x17000] =	vst v63  }
0x2f: {  	_ =	swait.ge [sflag:s0], $0x2000  }
0x30: {  	[sflag:s0] =	ssyncset.done $0x0  }
0x31: {  	[sflag:s0] =	ssyncadd.s32 $0xFFFFE000  }
0x32: {  	[tilespmem:s4], [sflag:$0x3] =	stream.linear.gather [hbm4b:s11+s4], $0x4800, $0x38;
	[tilespmem:$0x17000] =	vst v63  }
0x33: {  	_ =	swait.ge [sflag:s0], $0x4800  }
0x34: {  	[sflag:s0] =	ssyncset.done $0x0  }
0x35: {  	s25 =	simm.s32 $0x4800;
	[sflag:s0] =	ssyncadd.s32 $0xFFFFB800  }
0x36: {  	[tilespmem:s25], [sflag:$0x3] =	stream.linear.gather [hbm4b:s12+s4], $0x4800, $0x38;
	[tilespmem:$0x17000] =	vst v63  }
0x37: {  	_ =	swait.ge [sflag:s0], $0x4800  }
0x38: {  	[sflag:s0] =	ssyncset.done $0x0  }
0x39: {  	[sflag:s0] =	ssyncadd.s32 $0xFFFFB800  }
0x3a: {  	[bflag:$0x0] =	sbarrier.arrive $0xFFFF  }
0x3b: {  	[tilespmem:s16], [sflag:$0x1] =	stream.indirect.gather [hbm4b:s1+s18], $0x40, s4, s18, $0xb8;
	[tilespmem:$0x17000] =	vst v63  }
0x3c: {  	_ = 	snop  }
0x3d: {  	[tilespmem:s19], [sflag:$0x2] =	stream.indirect.gather [hbm4b:s1+s18], $0x40, s18, s18, $0xb8;
	[tilespmem:$0x17000] =	vst v63  }
0x3e: {  	_ =	swait.ge [sflag:s20], $0x2000  }
0x3f: {  	[sflag:s20] =	ssyncset.done $0x0  }
0x40: {  	s26 =	simm.s32 $0x4800;
	[sflag:s20] =	ssyncadd.s32 $0xFFFFE000  }
0x41: {  	[spmem:s2] =	stream.indirect.scatter.add.f32 [tilespmem:s16], [sflag:$0x3], $0x40, s26, s18, $0xb8;
	[tilespmem:$0x17000] =	vst v63  }
0x42: {  	p0 =	sle.u32 s10, $0x2;
	s29 =	sadd.s32 $0xFFFFFFFF, s15;
	_ =	swait.ge [sflag:s21], $0x2000  }
0x43: {  	s28 =	simm.s32 $0x4880;
	s3 =	simm.s32 @!p0 $0x80;
	[sflag:s21] =	ssyncset.done $0x0  }
0x44: {  	s24 =	simm.s32 @!p0 $0x9000;
	s0 =	simm.s32 @!p0 $0x100;
	[sflag:s21] =	ssyncadd.s32 $0xFFFFE000  }
0x45: {  	[tilespmem:s24], [sflag:$0x1] =	stream.indirect.gather @!p0 [hbm4b:s1+s3], $0x40, s0, s3, $0xb8;
	[tilespmem:$0x17000] =	vst v63  }
0x46: {  	p1 =	sle.u32 s10, $0x3;
	p0 =	sne.s32 s29, $0x0;
	_ =	swait.ge [sflag:s22], $0x2000  }
.Ltmp1:
0x47: {  	s31 =	simm.s32 $0x180;
	[sflag:s22] =	ssyncset.done $0x0;
	(pc) =	sbr.rel @!p0 .LBB2_5-.Ltmp1, $4  }
0x48: {  	s30 =	simm.s32 $0x180;
	s25 =	simm.s32 $0x5;
	[sflag:s22] =	ssyncadd.s32 $0xFFFFE000  }
0x49: {  	[spmem:s2] =	stream.indirect.scatter.add.f32 [tilespmem:s19], [sflag:$0x3], $0x40, s28, s18, $0xb8;
	[tilespmem:$0x17000] =	vst v63  }
0x4a: {  	s26 =	simm.s32 $0x4980;
	s24 =	simm.s32 $0x180;
	_ =	swait.ge [sflag:s21], $0x2000  }
0x4b: {  	s0 =	simm.s32 @!p1 $0x80;
	s3 =	simm.s32 @!p1 $0xB000;
	[sflag:s21] =	ssyncset.done $0x0  }
.LBB2_4:
0x4c: {  	s30 =	smov.u32 s24;
	s28 =	smov.u32 s26  }
0x4d: {  	s29 =	sadd.s32 $0xFFFFFFFF, s29;
	s24 =	sadd.s32 $0x100, s24;
	[sflag:s21] =	ssyncadd.s32 $0xFFFFE000  }
0x4e: {  	[tilespmem:s3], [sflag:$0x2] =	stream.indirect.gather @!p1 [hbm4b:s1+s0], $0x40, s31, s0, $0xb8;
	[tilespmem:$0x17000] =	vst v63  }
0x4f: {  	p0 =	sne.s32 s29, $0x0;
	s31 =	smov.u32 s24;
	_ =	swait.ge [sflag:s20], $0x2000  }
0x50: {  	s0 =	sadd.s32 $0xFFFFFF80, s26;
	s3 =	smov.u32 s26;
	[sflag:s20] =	ssyncset.done $0x0  }
0x51: {  	s17 =	sadd.s32 $0xFFFFFFFF, s25;
	[sflag:s20] =	ssyncadd.s32 $0xFFFFE000  }
0x52: {  	[spmem:s2] =	stream.indirect.scatter.add.f32 [tilespmem:s16], [sflag:$0x3], $0x40, s0, s18, $0xb8;
	[tilespmem:$0x17000] =	vst v63  }
0x53: {  	p1 =	sge.u32 s17, s10;
	_ =	swait.ge [sflag:s21], $0x2000  }
0x54: {  	s17 =	simm.s32 @!p1 $0x80;
	s0 =	sadd.s32 @!p1 $0xFFFFFF80, s24;
	[sflag:s21] =	ssyncset.done $0x0  }
0x55: {  	s6 =	simm.s32 @!p1 $0x9000;
	[sflag:s21] =	ssyncadd.s32 $0xFFFFE000  }
0x56: {  	[tilespmem:s6], [sflag:$0x1] =	stream.indirect.gather @!p1 [hbm4b:s1+s17], $0x40, s0, s17, $0xb8;
	[tilespmem:$0x17000] =	vst v63  }
0x57: {  	_ =	swait.ge [sflag:s22], $0x2000  }
.Ltmp2:
0x58: {  	[sflag:s22] =	ssyncset.done $0x0;
	(pc) =	sbr.rel @p0 .LBB2_4-.Ltmp2, $4  }
0x59: {  	s26 =	sadd.s32 $0x100, s26;
	[sflag:s22] =	ssyncadd.s32 $0xFFFFE000  }
0x5a: {  	[spmem:s2] =	stream.indirect.scatter.add.f32 [tilespmem:s19], [sflag:$0x3], $0x40, s3, s18, $0xb8;
	[tilespmem:$0x17000] =	vst v63  }
0x5b: {  	p1 =	sge.u32 s25, s10;
	s25 =	sadd.s32 $0x2, s25;
	_ =	swait.ge [sflag:s21], $0x2000  }
0x5c: {  	s0 =	simm.s32 @!p1 $0x80;
	s3 =	simm.s32 @!p1 $0xB000;
	[sflag:s21] =	ssyncset.done $0x0  }
.LBB2_5:
0x5d: {  	[sflag:s21] =	ssyncadd.s32 $0xFFFFE000  }
0x5e: {  	[tilespmem:s3], [sflag:$0x2] =	stream.indirect.gather @!p1 [hbm4b:s1+s0], $0x40, s31, s0, $0xb8;
	[tilespmem:$0x17000] =	vst v63  }
0x5f: {  	_ =	swait.ge [sflag:s20], $0x2000  }
0x60: {  	[sflag:s20] =	ssyncset.done $0x0  }
0x61: {  	s28 =	sadd.s32 $0x80, s28;
	s29 =	sadd.s32 $0xFFFFFFFF, s25;
	[sflag:s20] =	ssyncadd.s32 $0xFFFFE000  }
0x62: {  	[spmem:s2] =	stream.indirect.scatter.add.f32 [tilespmem:s16], [sflag:$0x3], $0x40, s28, s18, $0xb8;
	[tilespmem:$0x17000] =	vst v63  }
0x63: {  	p0 =	sge.u32 s29, s10;
	_ =	swait.ge [sflag:s21], $0x2000  }
0x64: {  	s0 =	sadd.s32 @!p0 $0x80, s30;
	[sflag:s21] =	ssyncset.done $0x0  }
0x65: {  	s3 =	simm.s32 @!p0 $0x80;
	s6 =	simm.s32 @!p0 $0x9000;
	[sflag:s21] =	ssyncadd.s32 $0xFFFFE000  }
0x66: {  	[tilespmem:s6], [sflag:$0x1] =	stream.indirect.gather @!p0 [hbm4b:s1+s3], $0x40, s0, s3, $0xb8;
	[tilespmem:$0x17000] =	vst v63  }
0x67: {  	_ =	swait.ge [sflag:s22], $0x2000  }
0x68: {  	[sflag:s22] =	ssyncset.done $0x0  }
0x69: {  	[sflag:s22] =	ssyncadd.s32 $0xFFFFE000  }
0x6a: {  	[spmem:s2] =	stream.indirect.scatter.add.f32 [tilespmem:s19], [sflag:$0x3], $0x40, s26, s18, $0xb8;
	[tilespmem:$0x17000] =	vst v63  }
0x6b: {  	s23 =	sadd.s32 $0x1, s23;
	s30 =	stileid.u32;
	_ =	swait.ge [sflag:s21], $0x2000  }
0x6c: {  	s0 =	sadd.s32 $0x100, s24;
	p0 =	sge.u32 s25, s10;
	[sflag:s21] =	ssyncset.done $0x0  }
0x6d: {  	s3 =	simm.s32 @!p0 $0x80;
	s6 =	simm.s32 @!p0 $0xB000;
	[sflag:s21] =	ssyncadd.s32 $0xFFFFE000  }
0x6e: {  	[tilespmem:s6], [sflag:$0x2] =	stream.indirect.gather @!p0 [hbm4b:s1+s3], $0x40, s0, s3, $0xb8;
	[tilespmem:$0x17000] =	vst v63  }
0x6f: {  	s31 =	sshrl.u32 s5, $0x3;
	s0 =	sshll.u32 s30, $0x6;
	p0 =	sne.s32 s23, s14  }
.Ltmp3:
0x70: {  	[bflag:$0x0] =	sbarrier.arrive $0xFFFF;
	s0 =	sor.u32 $0x1C03, s0;
	(pc) =	sbr.rel @p0 .LBB2_1-.Ltmp3, $4  }
0x71: {  	[hbm:s13], [sflag:s0] =	dma.local [spmem:s31], $0x1400  }
0x72: {  	_ =	swait.ge [sflag:s21], $0x1400  }
0x73: {  	[sflag:s21] =	ssyncset.done $0x0  }
0x74: {  	[sflag:s21] =	ssyncadd.s32 $0xFFFFEC00  }
0x75: {  	_ =	sfence.sel $0x180000  }
0x76: {  	[bflag:$0x0] =	sbarrier.arrive $0xFFFF  }
0x77: {  	_ =	strace $0x9000004A  }
0x78: {  	s0 =	stileid.u32;
	[bflag:$0x2] =	sbarrier.arrive $0xFFFF  }
0x79: {  	p0 =	sne.s32 s0, $0x0;
	s0 =	rddreg [dreg:$0x3]  }
0x7a: {  	s0 =	sadd.s32 @!p0 $0x100000, s0  }
0x7b: {  	[sflag:s0] =	ssyncadd.tile.s32 @!p0 $0x1;
	_ =	shalt  }
.Lfunc_end2:
_tile_overlayer_lowered:
.L_overlay_start_2:
0x7c: {  	(tag) =	ssettag $0x2  }
0x7d: {  	s0 =	rddreg [dreg:$0x0];
	s2 =	stileid.u32  }
0x7e: {  	s1 =	rddreg [dreg:$0x1];
	p0 =	sne.s32 s2, $0x0  }
0x7f: {  	s3 =	rddreg [dreg:$0x2];
	[bflag:$0x3] =	sbarrier.arrive $0xFFFF;
	s2 =	simm.s32 @!p0 $0x1C03  }
0x80: {  	[timem:s3], [sflag:s2] =	dma.local @!p0 [hbm:s0], s1  }
0x81: {  	s0 =	simm.s32 @!p0 $0x3  }
0x82: {  	_ =	swait.ge @!p0 [sflag:s0], s1  }
0x83: {  	s1 =	ssub.s32 @!p0 $0x0, s1;
	[sflag:s0] =	ssyncset.done @!p0 $0x0  }
0x84: {  	[sflag:s0] =	ssyncadd.s32 @!p0 s1  }
0x85: {  	[bflag:$0x3] =	sbarrier.arrive $0xFFFF  }
0x86: {  	_ =	shalt  }

// kernel: kernel.16.cloned.1.call-start
scs
__scs_entry_jumppad:
0x0: {  	(pc) =	sbr.rel $0x88, $3  }
0x1: {  	(tag) =	ssettag $0x0;
	lr =	simm.s32 $0x1  }
0x2: {  	[smem:$0x3F84] =	sst lr;
	_ =	strace $0xD0000000  }
0x3: {  	_ = 	snop  }
0x4: {  	_ = 	snop  }
0x5: {  	_ = 	snop  }
0x6: {  	_ = 	snop  }
0x7: {  	_ = 	snop  }
__scs_overlays_trampoline_lowered:
0x8: {  	[smem:$0x3F93] =	sst s0  }
0x9: {  	[smem:$0x3F94] =	sst s1  }
0xa: {  	[smem:$0x3F95] =	sst s2  }
0xb: {  	[smem:$0x3F96] =	sst s3  }
0xc: {  	[smem:$0x3F97] =	sst s4  }
0xd: {  	[smem:$0x3F98] =	sst s5  }
0xe: {  	[smem:$0x3F99] =	sst s6  }
0xf: {  	[smem:$0x3F9A] =	sst s7  }
0x10: {  	[smem:$0x3F9B] =	sst s8  }
0x11: {  	[smem:$0x3F9C] =	sst s9;
	s0 =	simm.s32 @!p0 $0x0  }
0x12: {  	s1 =	sld [smem:$0x3F82];
	s0 =	simm.s32 @p0 $0x1  }
0x13: {  	[smem:$0x3F9D] =	sst s0;
	s0 =	simm.s32 @!p1 $0x0  }
0x14: {  	s2 =	sld [smem:$0x3F81];
	s0 =	simm.s32 @p1 $0x1  }
0x15: {  	[smem:$0x3F9E] =	sst s0;
	s0 =	simm.s32 @!p2 $0x0  }
0x16: {  	s3 =	sld [smem:$0x3FDB];
	s0 =	simm.s32 @p2 $0x1  }
0x17: {  	s4 =	simm.s32 $0x1BF5;
	[smem:$0x3FA0] =	sst s0  }
0x18: {  	s0 =	sld [smem:$0x3F83];
	_ =	swait.ge [sflag:s4], $0x0  }
0x19: {  	s7 =	sld [smem:$0x3F84]  }
0x1a: {  	s8 =	sadd.s32 $0xFFFFE003, lr  }
0x1b: {  	s9 =	sadd.s32 $0xFFFFFEF7, lr;
	s5 =	simm.s32 $0xFFFFFFFF;
	p2 =	slt.u32 s8, $0xFFFFF086  }
0x1c: {  	p1 =	slt.u32 s9, $0xF7A;
	s5 =	simm.s32 @!p2 $0x0  }
0x1d: {  	s5 =	simm.s32 @p1 $0x1;
	p0 =	seq.s32 s7, s2  }
0x1e: {  	s7 =	smul.u32 @!p0 $0xF7A, s2;
	p2 =	seq.s32 @!p0 s5, $0x0  }
0x1f: {  	s9 =	smul.u32 $0xF7A, s1;
	s8 =	simm.s32 @!p0 $0x1BF5;
	p2 =	por !p2, p0  }
0x20: {  	[sflag:s8] =	ssyncset.s32 @!p0 $0xFFFFF086;
	s6 =	sadd.s32 @!p0 s3, s7;
	s7 =	simm.s32 @!p0 $0x108  }
0x21: {  	s3 =	sadd.s32 s3, s9;
	s6 =	sadd.s32 @!p0 $0x88, s6;
	s7 =	simm.s32 @p2 $0x1082  }
0x22: {  	[simem:s7], [sflag:s8] =	dma.local @!p0 [hbm:s6], $0xF7A  }
0x23: {  	s9 =	sor.u32 $0xD0000000, s2;
	s6 =	simm.s32 $0x108;
	_ =	swait.ge @!p0 [sflag:s8], $0x0  }
0x24: {  	s3 =	sadd.s32 $0x88, s3;
	s6 =	simm.s32 @!p1 $0x1082;
	[sflag:s4] =	ssyncset.s32 $0xFFFFF086  }
0x25: {  	[simem:s6], [sflag:s4] =	dma.local [hbm:s3], $0xF7A  }
0x26: {  	[smem:$0x3F84] =	sst s1;
	(tag) =	ssettag s2;
	_ =	strace s9  }
0x27: {  	s1 =	sld [smem:$0x3F94]  }
0x28: {  	s2 =	sld [smem:$0x3F95]  }
0x29: {  	s4 =	sld [smem:$0x3F97]  }
0x2a: {  	p0 =	seq.s32 s5, $0x0;
	s5 =	sld [smem:$0x3F98]  }
0x2b: {  	s6 =	sld [smem:$0x3F99]  }
0x2c: {  	s7 =	sld [smem:$0x3F9A]  }
0x2d: {  	s3 =	simm.s32 $0x108;
	s8 =	sld [smem:$0x3F9B]  }
0x2e: {  	s3 =	simm.s32 @!p0 $0x1082;
	s9 =	sld [smem:$0x3F9C]  }
0x2f: {  	lr =	sadd.s32 s0, s3;
	s0 =	sld [smem:$0x3F93]  }
0x30: {  	s3 =	sld [smem:$0x3F96]  }
0x31: {  	[smem:$0x3F9F] =	sst s10  }
0x32: {  	s10 =	sld [smem:$0x3F9D];
	_ =	sdelay $0x3  }
0x33: {  	p0 =	seq.s32 s10, $0x1;
	s10 =	sld [smem:$0x3F9F];
	_ =	sdelay $0x3  }
0x34: {  	[smem:$0x3F9F] =	sst s10  }
0x35: {  	s10 =	sld [smem:$0x3F9E];
	_ =	sdelay $0x3  }
0x36: {  	p1 =	seq.s32 s10, $0x1;
	s10 =	sld [smem:$0x3F9F];
	_ =	sdelay $0x3  }
0x37: {  	[smem:$0x3F9F] =	sst s10  }
0x38: {  	s10 =	sld [smem:$0x3FA0]  }
0x39: {  	_ = 	snop;
	(pc) =	sbr.ind lr, $3  }
0x3a: {  	_ = 	snop  }
0x3b: {  	_ = 	snop  }
0x3c: {  	p2 =	seq.s32 s10, $0x1;
	s10 =	sld [smem:$0x3F9F]  }
0x3d: {  	_ =	shalt  }
0x3e: {  	_ =	shalt  }
0x3f: {  	_ =	shalt  }
0x40: {  	_ =	shalt  }
0x41: {  	_ =	shalt  }
0x42: {  	_ =	shalt  }
0x43: {  	_ =	shalt  }
0x44: {  	_ =	shalt  }
0x45: {  	_ =	shalt  }
0x46: {  	_ =	shalt  }
0x47: {  	_ =	shalt  }
0x48: {  	_ =	shalt  }
0x49: {  	_ =	shalt  }
0x4a: {  	_ =	shalt  }
0x4b: {  	_ =	shalt  }
0x4c: {  	_ =	shalt  }
0x4d: {  	_ =	shalt  }
0x4e: {  	_ =	shalt  }
0x4f: {  	_ =	shalt  }
0x50: {  	_ =	shalt  }
0x51: {  	_ =	shalt  }
0x52: {  	_ =	shalt  }
0x53: {  	_ =	shalt  }
0x54: {  	_ =	shalt  }
0x55: {  	_ =	shalt  }
0x56: {  	_ =	shalt  }
0x57: {  	_ =	shalt  }
0x58: {  	_ =	shalt  }
0x59: {  	_ =	shalt  }
0x5a: {  	_ =	shalt  }
0x5b: {  	_ =	shalt  }
0x5c: {  	_ =	shalt  }
0x5d: {  	_ =	shalt  }
0x5e: {  	_ =	shalt  }
0x5f: {  	_ =	shalt  }
0x60: {  	_ =	shalt  }
0x61: {  	_ =	shalt  }
0x62: {  	_ =	shalt  }
0x63: {  	_ =	shalt  }
0x64: {  	_ =	shalt  }
0x65: {  	_ =	shalt  }
0x66: {  	_ =	shalt  }
0x67: {  	_ =	shalt  }
0x68: {  	_ =	shalt  }
0x69: {  	_ =	shalt  }
0x6a: {  	_ =	shalt  }
0x6b: {  	_ =	shalt  }
0x6c: {  	_ =	shalt  }
0x6d: {  	_ =	shalt  }
0x6e: {  	_ =	shalt  }
0x6f: {  	_ =	shalt  }
0x70: {  	_ =	shalt  }
0x71: {  	_ =	shalt  }
0x72: {  	_ =	shalt  }
0x73: {  	_ =	shalt  }
0x74: {  	_ =	shalt  }
0x75: {  	_ =	shalt  }
0x76: {  	_ =	shalt  }
0x77: {  	_ =	shalt  }
0x78: {  	_ =	shalt  }
0x79: {  	_ =	shalt  }
0x7a: {  	_ =	shalt  }
0x7b: {  	_ =	shalt  }
0x7c: {  	_ =	shalt  }
0x7d: {  	_ =	shalt  }
0x7e: {  	_ =	shalt  }
0x7f: {  	_ =	shalt  }
0x80: {  	_ =	shalt  }
0x81: {  	_ =	shalt  }
0x82: {  	_ =	shalt  }
0x83: {  	_ =	shalt  }
0x84: {  	_ =	shalt  }
0x85: {  	_ =	shalt  }
0x86: {  	_ =	shalt  }
0x87: {  	_ =	shalt  }
.Lfunc_end0:
.L_simem_size_0:
called_computation.2_lowered:
.L_overlay_start_0:
0x88: {  	s2 =	sld [smem:$0x3FD9]  }
0x89: {  	s3 =	sld [smem:$0x3FFE];
	_ =	sdelay $0x1  }
0x8a: {  	s1 =	srdreg.scid  }
0x8b: {  	s0 =	sand.u32 $0x1, s1  }
0x8c: {  	s16 =	sshll.u32 s0, $0xA;
	s2 =	sadd.s32 s3, s2  }
0x8d: {  	s2 =	sadd.s32 s2, s16  }
0x8e: {  	[smem:$0x3FAB] =	sst s2  }
0x8f: {  	_ = 	snop  }
0x90: {  	(tm) =	ssettm $0x1  }
0x91: {  	s17 =	sld [smem:$0x3FFB];
	_ =	sdelay $0x3  }
0x92: {  	_ =	strace s17  }
0x93: {  	s2 =	sld [smem:$0x3FFC];
	_ =	sdelay $0x3  }
0x94: {  	_ =	strace s2  }
0x95: {  	s2 =	sld [smem:$0x3FFD];
	_ =	sdelay $0x3  }
0x96: {  	_ =	strace s2  }
0x97: {  	_ =	strace $0x8FFFFFFF  }
0x98: {  	s18 =	sld [smem:$0x3FDB];
	_ =	sdelay $0x1  }
0x99: {  	s19 =	simm.s32 $_scs_section_size  }
0x9a: {  	s4 =	simm.s32 $_size__tile_overlayer_lowered;
	s5 =	simm.s32 $_tile_overlayer_lowered  }
0x9b: {  	s22 =	simm.s32 $0x1BFF;
	s21 =	sshll.u32 s5, $0x1;
	s2 =	sadd.s32 s19, s18  }
0x9c: {  	s6 =	simm.s32 $0x0;
	s20 =	sshll.u32 s4, $0x1;
	s4 =	sadd.s32 s21, s2  }
0x9d: {  	[timem:s6], [sflag:s22] =	dma.local [hbm:s4], s20  }
0x9e: {  	_ =	swait.ge [sflag:s22], s20  }
0x9f: {  	s3 =	ssub.s32 $0x0, s20;
	[sflag:s22] =	ssyncset.done $0x0  }
0xa0: {  	[sflag:s22] =	ssyncadd.s32 s3;
	_ =	sdelay $0x1  }
0xa1: {  	s23 =	simm.s32 $0x1B8B  }
0xa2: {  	_ =	swait.ge [sflag:s23], $0x1  }
0xa3: {  	[sflag:s23] =	ssyncset.done $0x0  }
0xa4: {  	s25 =	simm.s32 $0x1B8E;
	s24 =	sld [smem:$0x3FFE];
	[sflag:s23] =	ssyncadd.s32 $0xFFFFFFFF  }
0xa5: {  	s26 =	simm.s32 $execute0_lowered;
	[smem:$0x3FD2] =	sst s25  }
0xa6: {  	s4 =	sshll.u32 s26, $0x1;
	_ =	strace $0x8000004C;
	[dreg:$0x1] =	wrdreg $0xFFFFFFFF  }
0xa7: {  	s28 =	simm.s32 $_size_execute0_lowered;
	s2 =	sadd.s32 s2, s4;
	[dreg:$0x0] =	wrdreg $0x0  }
0xa8: {  	s4 =	sshll.u32 s28, $0x1;
	[dreg:$0x2] =	wrdreg s2  }
0xa9: {  	[dreg:$0x3] =	wrdreg s4  }
0xaa: {  	[dreg:$0x4] =	wrdreg $0xC0  }
0xab: {  	_ =	task [dreg:s6], $0x5FFFF  }
0xac: {  	[dreg:$0x1] =	wrdreg $0xFFFFFFFF  }
0xad: {  	[dreg:$0x0] =	wrdreg $0x60  }
0xae: {  	[dreg:$0x2] =	wrdreg s24  }
0xaf: {  	[dreg:$0x3] =	wrdreg $0xB8000  }
0xb0: {  	[dreg:$0x4] =	wrdreg $0x9  }
0xb1: {  	_ =	task.clear_ibuf [dreg:s6], $0x5FFFF;
	_ =	strace $0x9000004C  }
0xb2: {  	s29 =	simm.s32 $0x9;
	_ =	strace $0x8000004E  }
0xb3: {  	_ =	swait.ge [sflag:s29], $0x1  }
0xb4: {  	[sflag:s29] =	ssyncadd.s32 $0xFFFFFFFF  }
0xb5: {  	_ =	strace $0x9000004E  }
0xb6: {  	_ =	sfence  }
0xb7: {  	s30 =	sld [smem:$0x0];
	_ =	sdelay $0x2  }
0xb8: {  	s31 =	sshll.u32 s1, $0xD;
	s1 =	sshrl.u32 s1, $0x2  }
0xb9: {  	s3 =	sand.u32 $0x4000, s31;
	s1 =	sadd.s32 s1, s30  }
0xba: {  	s0 =	sor.u32 s3, s0;
	s1 =	sshll.u32 s1, $0x11  }
0xbb: {  	s0 =	sor.u32 s1, s0  }
0xbc: {  	s0 =	sadd.s32 $0x8F2B, s0  }
0xbd: {  	[sflag:s0] =	ssyncadd.remote.s32 $0x1  }
0xbe: {  	_ =	sfence.sel $0xFFFF  }
0xbf: {  	[dreg:$0x0] =	wrdreg $0xFFFFFFFF;
	(pc) =	sbr.abs _section_cstart, $3  }
0xc0: {  	[dreg:$0x1] =	wrdreg $0xFFFFFFFF  }
0xc1: {  	_ =	task.clear_ibuf [dreg:s6], $0x2FFFF;
	_ =	strace $0x9FFFFFFF  }
0xc2: {  	(tm) =	ssettm $0x7FFFFFFF  }
0xc3: {  	_ =	shalt  }
tec
execute0_lowered:
.L_overlay_start_1:
0x0: {  	(tag) =	ssettag $0x1  }
0x1: {  	s0 =	rddreg [dreg:$0x0];
	s8 =	stileid.u32  }
0x2: {  	s2 =	rddreg [dreg:$0x1];
	s4 =	smul.u32 $0x50, s8  }
0x3: {  	s3 =	simm.s32 $0x0;
	s1 =	srdreg.scid;
	s5 =	smul.u32 $0xF0, s8  }
0x4: {  	s15 =	simm.s32 $0xF0;
	s28 =	simm.s32 $0x2;
	s6 =	smul.u32 $0x14000, s8  }
0x5: {  	s29 =	simm.s32 $0x0;
	s1 =	sand.u32 $0x1, s1;
	s8 =	smul.u32 $0x50000, s8  }
0x6: {  	[smem:$0x7FF] =	sst s3;
	p0 =	seq.s32 s1, $0x0;
	s20 =	smul.u32 $0x140000, s1  }
0x7: {  	_ =	strace $0x8000004D;
	s1 =	ssub.s32 $0x2, s1;
	s4 =	sadd.s32 $0xF00, s4  }
0x8: {  	s8 =	sshrl.u32 s8, $0x2;
	s21 =	sshrl.u32 s1, $0x1;
	s15 =	simm.s32 @!p0 $0x50  }
0x9: {  	s4 =	smov.u32 @p0 s5;
	s5 =	sadd.s32 s6, s20;
	s8 =	sadd.s32 s8, s2  }
0xa: {  	s1 =	ssub.s32 s1, s21;
	s31 =	sshrl.u32 s15, $0x1;
	s21 =	simm.s32 $0x7800  }
0xb: {  	s7 =	sshll.u32 s4, $0x3;
	s4 =	sadd.s32 $0x4DA00, s0;
	s5 =	sshrl.u32 s5, $0x3  }
0xc: {  	s22 =	sadd.s32 $0x2000, s8;
	s23 =	sadd.s32 $0x4000, s8;
	s24 =	sadd.s32 $0x6000, s8  }
0xd: {  	s25 =	sadd.s32 $0x8000, s8;
	s26 =	sadd.s32 $0xA000, s8;
	[dreg:$0x3] =	wrdreg s22  }
0xe: {  	s30 =	sadd.s32 $0xC000, s8;
	s12 =	sadd.s32 $0xE000, s8;
	[dreg:$0x4] =	wrdreg s23  }
0xf: {  	s13 =	sadd.s32 $0x10000, s8;
	s14 =	sadd.s32 $0x12000, s8;
	[dreg:$0x5] =	wrdreg s24  }
0x10: {  	s19 =	smax.u32 s1, $0x1;
	s20 =	sadd.s32 $0xFFFFFFFF, s31;
	[dreg:$0x6] =	wrdreg s25  }
0x11: {  	s7 =	sadd.s32 s7, s0;
	s0 =	sadd.s32 s5, s0;
	[dreg:$0x7] =	wrdreg s26  }
0x12: {  	s5 =	sadd.s32 s6, s2;
	[dreg:$0x8] =	wrdreg s30;
	s23 =	simm.s32 $0x40  }
0x13: {  	s24 =	simm.s32 $0x9800;
	s25 =	simm.s32 $0x1;
	s26 =	simm.s32 $0x3  }
0x14: {  	v0 =	vimm.f32 $0.0e+00;
	s16 =	sadd.s32 $0x75A00, s7;
	s17 =	sadd.s32 $0x80200, s7;
	s18 =	sadd.s32 $0x8AA00, s0  }
.LBB2_1:
0x15: {  	s0 =	sand.u32 $0x7E00, s3  }
0x16: {  	s1 =	sand.u32 $0x70, s3;
	s6 =	sshrl.u32 s0, $0x2  }
0x17: {  	s0 =	simm.s32 $0x40;
	s6 =	sor.u32 s1, s6;
	s1 =	simm.s32 $0x0  }
.LBB2_2:
0x18: {  	p0 =	sne.s32 s0, $0x7FC0  }
0x19: {  	[tilespmem:s6+$0x7800] =	vst v0;
	s1 =	sadd.s32 $0x10, s1;
	s6 =	smov.u32 s0;
	s0 =	sadd.s32 $0x40, s0  }
.Ltmp0:
0x1a: {  	(pc) =	sbr.rel @p0 .LBB2_2-.Ltmp0, $4  }
0x1b: {  	_ = 	snop  }
0x1c: {  	s6 =	sand.u32 $0x7E00, s6  }
0x1d: {  	s7 =	sand.u32 $0x70, s1;
	s6 =	sshrl.u32 s6, $0x2  }
0x1e: {  	s6 =	sor.u32 s7, s6  }
0x1f: {  	[tilespmem:s6+$0x7800] =	vst v0;
	s0 =	simm.s32 $0x3  }
0x20: {  	[spmem:s5] =	stream.linear.scatter [tilespmem:s21], [sflag:$0x3], $0x2000, $0x38;
	[tilespmem:$0x1F800] =	vst v63  }
0x21: {  	_ =	swait.ge [sflag:s0], $0x2000  }
0x22: {  	[sflag:s0] =	ssyncset.done $0x0  }
0x23: {  	s1 =	rddreg [dreg:$0x3];
	[sflag:s0] =	ssyncadd.s32 $0xFFFFE000  }
0x24: {  	[spmem:s1] =	stream.linear.scatter [tilespmem:s21], [sflag:$0x3], $0x2000, $0x38;
	[tilespmem:$0x1F800] =	vst v63  }
0x25: {  	_ =	swait.ge [sflag:s0], $0x2000  }
0x26: {  	[sflag:s0] =	ssyncset.done $0x0  }
0x27: {  	s6 =	rddreg [dreg:$0x4];
	[sflag:s0] =	ssyncadd.s32 $0xFFFFE000  }
0x28: {  	[spmem:s6] =	stream.linear.scatter [tilespmem:s21], [sflag:$0x3], $0x2000, $0x38;
	[tilespmem:$0x1F800] =	vst v63  }
0x29: {  	_ =	swait.ge [sflag:s0], $0x2000  }
0x2a: {  	[sflag:s0] =	ssyncset.done $0x0  }
0x2b: {  	s7 =	rddreg [dreg:$0x5];
	[sflag:s0] =	ssyncadd.s32 $0xFFFFE000  }
0x2c: {  	[spmem:s7] =	stream.linear.scatter [tilespmem:s21], [sflag:$0x3], $0x2000, $0x38;
	[tilespmem:$0x1F800] =	vst v63  }
0x2d: {  	_ =	swait.ge [sflag:s0], $0x2000  }
0x2e: {  	[sflag:s0] =	ssyncset.done $0x0  }
0x2f: {  	s8 =	rddreg [dreg:$0x6];
	[sflag:s0] =	ssyncadd.s32 $0xFFFFE000  }
0x30: {  	[spmem:s8] =	stream.linear.scatter [tilespmem:s21], [sflag:$0x3], $0x2000, $0x38;
	[tilespmem:$0x1F800] =	vst v63  }
0x31: {  	_ =	swait.ge [sflag:s0], $0x2000  }
0x32: {  	[sflag:s0] =	ssyncset.done $0x0  }
0x33: {  	s9 =	rddreg [dreg:$0x7];
	[sflag:s0] =	ssyncadd.s32 $0xFFFFE000  }
0x34: {  	[spmem:s9] =	stream.linear.scatter [tilespmem:s21], [sflag:$0x3], $0x2000, $0x38;
	[tilespmem:$0x1F800] =	vst v63  }
0x35: {  	_ =	swait.ge [sflag:s0], $0x2000  }
0x36: {  	[sflag:s0] =	ssyncset.done $0x0  }
0x37: {  	s10 =	rddreg [dreg:$0x8];
	[sflag:s0] =	ssyncadd.s32 $0xFFFFE000  }
0x38: {  	[spmem:s10] =	stream.linear.scatter [tilespmem:s21], [sflag:$0x3], $0x2000, $0x38;
	[tilespmem:$0x1F800] =	vst v63  }
0x39: {  	_ =	swait.ge [sflag:s0], $0x2000  }
0x3a: {  	[sflag:s0] =	ssyncset.done $0x0  }
0x3b: {  	[sflag:s0] =	ssyncadd.s32 $0xFFFFE000  }
0x3c: {  	[spmem:s12] =	stream.linear.scatter [tilespmem:s21], [sflag:$0x3], $0x2000, $0x38;
	[tilespmem:$0x1F800] =	vst v63  }
0x3d: {  	_ =	swait.ge [sflag:s0], $0x2000  }
0x3e: {  	[sflag:s0] =	ssyncset.done $0x0  }
0x3f: {  	[sflag:s0] =	ssyncadd.s32 $0xFFFFE000  }
0x40: {  	[spmem:s13] =	stream.linear.scatter [tilespmem:s21], [sflag:$0x3], $0x2000, $0x38;
	[tilespmem:$0x1F800] =	vst v63  }
0x41: {  	_ =	swait.ge [sflag:s0], $0x2000  }
0x42: {  	[sflag:s0] =	ssyncset.done $0x0  }
0x43: {  	[sflag:s0] =	ssyncadd.s32 $0xFFFFE000  }
0x44: {  	[spmem:s14] =	stream.linear.scatter [tilespmem:s21], [sflag:$0x3], $0x2000, $0x38;
	[tilespmem:$0x1F800] =	vst v63  }
0x45: {  	_ =	swait.ge [sflag:s0], $0x2000  }
0x46: {  	[sflag:s0] =	ssyncset.done $0x0  }
0x47: {  	[sflag:s0] =	ssyncadd.s32 $0xFFFFE000  }
0x48: {  	[tilespmem:s3], [sflag:$0x3] =	stream.linear.gather [hbm4b:s16+s3], $0x3C00, $0x38;
	[tilespmem:$0x1F800] =	vst v63  }
0x49: {  	_ =	swait.ge [sflag:s0], $0x3C00  }
0x4a: {  	[sflag:s0] =	ssyncset.done $0x0  }
0x4b: {  	s11 =	simm.s32 $0x3C00;
	[sflag:s0] =	ssyncadd.s32 $0xFFFFC400  }
0x4c: {  	[tilespmem:s11], [sflag:$0x3] =	stream.linear.gather [hbm4b:s17+s3], $0x3C00, $0x38;
	[tilespmem:$0x1F800] =	vst v63  }
0x4d: {  	_ =	swait.ge [sflag:s0], $0x3C00  }
0x4e: {  	[sflag:s0] =	ssyncset.done $0x0  }
0x4f: {  	[sflag:s0] =	ssyncadd.s32 $0xFFFFC400  }
0x50: {  	[bflag:$0x0] =	sbarrier.arrive $0xFFFF  }
0x51: {  	[tilespmem:s21], [sflag:$0x1] =	stream.indirect.gather [hbm4b:s4+s23], $0x80, s3, s23, $0xb8;
	[tilespmem:$0x1F800] =	vst v63  }
0x52: {  	_ = 	snop  }
0x53: {  	[tilespmem:s24], [sflag:$0x2] =	stream.indirect.gather [hbm4b:s4+s23], $0x80, s23, s23, $0xb8;
	[tilespmem:$0x1F800] =	vst v63  }
0x54: {  	_ =	swait.ge [sflag:s25], $0x2000  }
0x55: {  	[sflag:s25] =	ssyncset.done $0x0  }
0x56: {  	s22 =	simm.s32 $0x3C00;
	[sflag:s25] =	ssyncadd.s32 $0xFFFFE000  }
0x57: {  	[spmem:s2] =	stream.indirect.scatter.add.f32 [tilespmem:s21], [sflag:$0x3], $0x80, s22, s23, $0xb8;
	[tilespmem:$0x1F800] =	vst v63  }
0x58: {  	p0 =	sle.u32 s15, $0x2;
	s30 =	simm.s32 $0xC0;
	_ =	swait.ge [sflag:s26], $0x2000  }
0x59: {  	s1 =	simm.s32 @!p0 $0x40;
	s6 =	simm.s32 @!p0 $0x7800;
	[sflag:s26] =	ssyncset.done $0x0  }
0x5a: {  	s0 =	simm.s32 @!p0 $0x80;
	s22 =	sadd.s32 $0xFFFFFFFF, s20;
	[sflag:s26] =	ssyncadd.s32 $0xFFFFE000  }
0x5b: {  	[tilespmem:s6], [sflag:$0x1] =	stream.indirect.gather @!p0 [hbm4b:s4+s1], $0x80, s0, s1, $0xb8;
	[tilespmem:$0x1F800] =	vst v63  }
0x5c: {  	p1 =	sle.u32 s15, $0x3;
	p0 =	sne.s32 s22, $0x0;
	_ =	swait.ge [sflag:s28], $0x2000  }
.Ltmp1:
0x5d: {  	s31 =	simm.s32 $0x5;
	[sflag:s28] =	ssyncset.done $0x0;
	(pc) =	sbr.rel @!p0 .LBB2_5-.Ltmp1, $4  }
0x5e: {  	s7 =	simm.s32 $0xC0;
	s1 =	simm.s32 $0x3C40;
	[sflag:s28] =	ssyncadd.s32 $0xFFFFE000  }
0x5f: {  	[spmem:s2] =	stream.indirect.scatter.add.f32 [tilespmem:s24], [sflag:$0x3], $0x80, s1, s23, $0xb8;
	[tilespmem:$0x1F800] =	vst v63  }
0x60: {  	s8 =	simm.s32 @!p1 $0x40;
	s9 =	simm.s32 @!p1 $0x9800;
	_ =	swait.ge [sflag:s26], $0x2000  }
0x61: {  	s0 =	simm.s32 $0x3CC0;
	s6 =	simm.s32 $0xC0;
	[sflag:s26] =	ssyncset.done $0x0  }
.LBB2_4:
0x62: {  	s6 =	smov.u32 s30;
	s1 =	smov.u32 s0  }
0x63: {  	s22 =	sadd.s32 $0xFFFFFFFF, s22;
	s30 =	sadd.s32 $0x80, s30;
	[sflag:s26] =	ssyncadd.s32 $0xFFFFE000  }
0x64: {  	[tilespmem:s9], [sflag:$0x2] =	stream.indirect.gather @!p1 [hbm4b:s4+s8], $0x80, s7, s8, $0xb8;
	[tilespmem:$0x1F800] =	vst v63  }
0x65: {  	p0 =	sne.s32 s22, $0x0;
	s7 =	smov.u32 s30;
	_ =	swait.ge [sflag:s25], $0x2000  }
0x66: {  	s8 =	sadd.s32 $0xFFFFFFC0, s0;
	s9 =	smov.u32 s0;
	[sflag:s25] =	ssyncset.done $0x0  }
0x67: {  	s10 =	sadd.s32 $0xFFFFFFFF, s31;
	[sflag:s25] =	ssyncadd.s32 $0xFFFFE000  }
0x68: {  	[spmem:s2] =	stream.indirect.scatter.add.f32 [tilespmem:s21], [sflag:$0x3], $0x80, s8, s23, $0xb8;
	[tilespmem:$0x1F800] =	vst v63  }
0x69: {  	p1 =	sge.u32 s10, s15;
	_ =	swait.ge [sflag:s26], $0x2000  }
0x6a: {  	s10 =	simm.s32 @!p1 $0x40;
	s8 =	sadd.s32 @!p1 $0xFFFFFFC0, s30;
	[sflag:s26] =	ssyncset.done $0x0  }
0x6b: {  	s11 =	simm.s32 @!p1 $0x7800;
	[sflag:s26] =	ssyncadd.s32 $0xFFFFE000  }
0x6c: {  	[tilespmem:s11], [sflag:$0x1] =	stream.indirect.gather @!p1 [hbm4b:s4+s10], $0x80, s8, s10, $0xb8;
	[tilespmem:$0x1F800] =	vst v63  }
0x6d: {  	_ =	swait.ge [sflag:s28], $0x2000  }
.Ltmp2:
0x6e: {  	[sflag:s28] =	ssyncset.done $0x0;
	(pc) =	sbr.rel @p0 .LBB2_4-.Ltmp2, $4  }
0x6f: {  	s0 =	sadd.s32 $0x80, s0;
	[sflag:s28] =	ssyncadd.s32 $0xFFFFE000  }
0x70: {  	[spmem:s2] =	stream.indirect.scatter.add.f32 [tilespmem:s24], [sflag:$0x3], $0x80, s9, s23, $0xb8;
	[tilespmem:$0x1F800] =	vst v63  }
0x71: {  	p1 =	sge.u32 s31, s15;
	s31 =	sadd.s32 $0x2, s31;
	_ =	swait.ge [sflag:s26], $0x2000  }
0x72: {  	s8 =	simm.s32 @!p1 $0x40;
	s9 =	simm.s32 @!p1 $0x9800;
	[sflag:s26] =	ssyncset.done $0x0  }
.LBB2_5:
0x73: {  	[sflag:s26] =	ssyncadd.s32 $0xFFFFE000  }
0x74: {  	[tilespmem:s9], [sflag:$0x2] =	stream.indirect.gather @!p1 [hbm4b:s4+s8], $0x80, s7, s8, $0xb8;
	[tilespmem:$0x1F800] =	vst v63  }
0x75: {  	_ =	swait.ge [sflag:s25], $0x2000  }
0x76: {  	[sflag:s25] =	ssyncset.done $0x0  }
0x77: {  	s1 =	sadd.s32 $0x40, s1;
	s22 =	sadd.s32 $0xFFFFFFFF, s31;
	[sflag:s25] =	ssyncadd.s32 $0xFFFFE000  }
0x78: {  	[spmem:s2] =	stream.indirect.scatter.add.f32 [tilespmem:s21], [sflag:$0x3], $0x80, s1, s23, $0xb8;
	[tilespmem:$0x1F800] =	vst v63  }
0x79: {  	p0 =	sge.u32 s22, s15;
	_ =	swait.ge [sflag:s26], $0x2000  }
0x7a: {  	s7 =	simm.s32 @!p0 $0x7800;
	[sflag:s26] =	ssyncset.done $0x0  }
0x7b: {  	s1 =	sadd.s32 @!p0 $0x40, s6;
	s6 =	simm.s32 @!p0 $0x40;
	[sflag:s26] =	ssyncadd.s32 $0xFFFFE000  }
0x7c: {  	[tilespmem:s7], [sflag:$0x1] =	stream.indirect.gather @!p0 [hbm4b:s4+s6], $0x80, s1, s6, $0xb8;
	[tilespmem:$0x1F800] =	vst v63  }
0x7d: {  	_ =	swait.ge [sflag:s28], $0x2000  }
0x7e: {  	[sflag:s28] =	ssyncset.done $0x0  }
0x7f: {  	[sflag:s28] =	ssyncadd.s32 $0xFFFFE000  }
0x80: {  	[spmem:s2] =	stream.indirect.scatter.add.f32 [tilespmem:s24], [sflag:$0x3], $0x80, s0, s23, $0xb8;
	[tilespmem:$0x1F800] =	vst v63  }
0x81: {  	s29 =	sadd.s32 $0x1, s29;
	p0 =	sge.u32 s31, s15;
	_ =	swait.ge [sflag:s26], $0x2000  }
0x82: {  	s1 =	simm.s32 @!p0 $0x40;
	s6 =	simm.s32 @!p0 $0x9800;
	[sflag:s26] =	ssyncset.done $0x0  }
0x83: {  	s0 =	sadd.s32 $0x80, s30;
	s30 =	stileid.u32;
	[sflag:s26] =	ssyncadd.s32 $0xFFFFE000  }
0x84: {  	[tilespmem:s6], [sflag:$0x2] =	stream.indirect.gather @!p0 [hbm4b:s4+s1], $0x80, s0, s1, $0xb8;
	[tilespmem:$0x1F800] =	vst v63  }
0x85: {  	s31 =	sshrl.u32 s5, $0x3;
	s0 =	sshll.u32 s30, $0x6;
	p0 =	sne.s32 s29, s19  }
.Ltmp3:
0x86: {  	[bflag:$0x0] =	sbarrier.arrive $0xFFFF;
	s0 =	sor.u32 $0x1C03, s0;
	(pc) =	sbr.rel @p0 .LBB2_1-.Ltmp3, $4  }
0x87: {  	[hbm:s18], [sflag:s0] =	dma.local [spmem:s31], $0x2800  }
0x88: {  	_ =	swait.ge [sflag:s26], $0x2800  }
0x89: {  	[sflag:s26] =	ssyncset.done $0x0  }
0x8a: {  	[sflag:s26] =	ssyncadd.s32 $0xFFFFD800  }
0x8b: {  	_ =	sfence.sel $0x180000  }
0x8c: {  	[bflag:$0x0] =	sbarrier.arrive $0xFFFF  }
0x8d: {  	_ =	strace $0x9000004D  }
0x8e: {  	s0 =	stileid.u32;
	[bflag:$0x2] =	sbarrier.arrive $0xFFFF  }
0x8f: {  	p0 =	sne.s32 s0, $0x0;
	s0 =	rddreg [dreg:$0x2]  }
0x90: {  	s0 =	sadd.s32 @!p0 $0x100000, s0  }
0x91: {  	[sflag:s0] =	ssyncadd.tile.s32 @!p0 $0x1;
	_ =	shalt  }
.Lfunc_end2:
_tile_overlayer_lowered:
.L_overlay_start_2:
0x92: {  	(tag) =	ssettag $0x2  }
0x93: {  	s0 =	rddreg [dreg:$0x0];
	s2 =	stileid.u32  }
0x94: {  	s1 =	rddreg [dreg:$0x1];
	p0 =	sne.s32 s2, $0x0  }
0x95: {  	s3 =	rddreg [dreg:$0x2];
	[bflag:$0x3] =	sbarrier.arrive $0xFFFF;
	s2 =	simm.s32 @!p0 $0x1C03  }
0x96: {  	[timem:s3], [sflag:s2] =	dma.local @!p0 [hbm:s0], s1  }
0x97: {  	s0 =	simm.s32 @!p0 $0x3  }
0x98: {  	_ =	swait.ge @!p0 [sflag:s0], s1  }
0x99: {  	s1 =	ssub.s32 @!p0 $0x0, s1;
	[sflag:s0] =	ssyncset.done @!p0 $0x0  }
0x9a: {  	[sflag:s0] =	ssyncadd.s32 @!p0 s1  }
0x9b: {  	[bflag:$0x3] =	sbarrier.arrive $0xFFFF  }
0x9c: {  	_ =	shalt  }

</sc_bundles>
